<compile_context>
chip_gen: v7x
topology: tpu7x:2x2x1
jax: 0.10.2.dev20260603
libtpu: 0.0.44.dev20260713+nightly
codegen_flags: <defaults>
</compile_context>

<pallas_src>
import functools

import jax
import jax.numpy as jnp
from jax import lax
from jax.experimental import pallas as pl
from jax.experimental.pallas import tpu as pltpu
from jax.experimental.pallas import tpu_sc as plsc

K = 32
C = 128
GD = 384
S_CHUNK = 2048
HW = 1024
N_SRC_PAD = 51200
N_CHUNKS = N_SRC_PAD // S_CHUNK
N_DST_PAD = 10112
DBLK = 128
ABLK = 64
PBLK = 256

_SC_NC = 2
_SC_NS = 16
_SC_NW = _SC_NC * _SC_NS


def _silu(x):
    return x * (1.0 / (1.0 + jnp.exp(-x)))


def _proj_body(sf_ref, sp_ref, wcat_ref, wp_ref, g_ref):
    sf = sf_ref[...]
    g_ref[:, 0:2 * C] = jnp.dot(sf, wcat_ref[...],
                                preferred_element_type=jnp.float32)
    sp = sp_ref[...]
    wp = wp_ref[...]
    acc = jnp.zeros((PBLK, C), jnp.float32)
    for d in range(3):
        acc = acc + sp[:, d:d + 1] * wp[d:d + 1, :]
    g_ref[:, 2 * C:GD] = acc


def _knn_body(tp_ref, spt_ref, o_ref, bd_ref, bi_ref, dc_ref, ic_ref):
    c = pl.program_id(1)

    @pl.when(c == 0)
    def _():
        bd_ref[...] = jnp.full((DBLK, K), 1e30, jnp.float32)
        bi_ref[...] = jnp.full((DBLK, K), 1e9, jnp.float32)

    tb = tp_ref[...]
    sp = spt_ref[...]
    d0 = tb[:, 0:1] - sp[0:1, :]
    d1 = tb[:, 1:2] - sp[1:2, :]
    d2 = tb[:, 2:3] - sp[2:3, :]
    d2c = (d0 * d0 + d1 * d1) + d2 * d2

    lane = lax.broadcasted_iota(jnp.int32, (DBLK, K), 1)
    for half in range(S_CHUNK // HW):
        dh = d2c[:, half * HW:(half + 1) * HW]
        theta = bd_ref[:, K - 1:K]
        cnt = jnp.sum((dh < theta).astype(jnp.int32), axis=1, keepdims=True)
        h = jnp.minimum(jnp.max(cnt), K)

        @pl.when(h > 0)
        def _(dh=dh, half=half, h=h):
            base = (c * S_CHUNK + half * HW).astype(jnp.float32)
            dc_ref[...] = dh
            ic_ref[...] = lax.broadcasted_iota(
                jnp.int32, (DBLK, HW), 1).astype(jnp.float32) + base

            qlane = lane[0:DBLK // 4, :]

            def body(t, carry):
                for q in range(4):
                    rs = pl.ds(q * (DBLK // 4), DBLK // 4)
                    dcv = dc_ref[rs, :]
                    icv = ic_ref[rs, :]
                    rowmin = jnp.min(dcv, axis=1, keepdims=True)
                    seli = jnp.min(jnp.where(dcv == rowmin, icv, 1e9),
                                   axis=1, keepdims=True)
                    dc_ref[rs, :] = jnp.where(icv == seli, 1e30, dcv)
                    bd = bd_ref[rs, :]
                    bi = bi_ref[rs, :]
                    pos = jnp.sum((bd <= rowmin).astype(jnp.int32),
                                  axis=1, keepdims=True)
                    bd_sh = jnp.concatenate([bd[:, :1], bd[:, :K - 1]],
                                            axis=1)
                    bi_sh = jnp.concatenate([bi[:, :1], bi[:, :K - 1]],
                                            axis=1)
                    bd_ref[rs, :] = jnp.where(
                        qlane < pos, bd,
                        jnp.where(qlane == pos, rowmin, bd_sh))
                    bi_ref[rs, :] = jnp.where(
                        qlane < pos, bi,
                        jnp.where(qlane == pos, seli, bi_sh))
                return carry

            lax.fori_loop(0, h, body, 0)

    @pl.when(c == N_CHUNKS - 1)
    def _():
        o_ref[...] = bi_ref[...].astype(jnp.int32)


def _sc_gather(table, idxf):
    b = idxf.shape[0]
    per_w = b // _SC_NW
    chunk = 128
    n_ch = per_w // chunk
    mesh = plsc.VectorSubcoreMesh(core_axis_name="c", subcore_axis_name="s")

    @functools.partial(
        pl.kernel, mesh=mesh,
        out_type=jax.ShapeDtypeStruct((b, GD), jnp.float32),
        scratch_types=[
            pltpu.VMEM((chunk,), jnp.int32),
            pltpu.VMEM((chunk, GD), jnp.float32),
            pltpu.SemaphoreType.DMA,
        ],
    )
    def gk(table_hbm, idx_hbm, out_hbm, idx_v, rows_v, sem):
        wid = lax.axis_index("s") * _SC_NC + lax.axis_index("c")
        base = wid * per_w

        def body(ci, carry):
            start = pl.multiple_of(base + ci * chunk, chunk)
            pltpu.sync_copy(idx_hbm.at[pl.ds(start, chunk)], idx_v)
            pltpu.async_copy(table_hbm.at[idx_v], rows_v, sem).wait()
            pltpu.sync_copy(rows_v, out_hbm.at[pl.ds(start, chunk)])
            return carry

        lax.fori_loop(0, n_ch, body, 0)

    return gk(table, idxf)


def _attn_body(e_ref, tf_ref, tp_ref, wd_ref, wp_ref, bp_ref, wa_ref,
               ba_ref, o_ref):
    eb = e_ref[...]
    xl = eb[:, :, 0:C]
    asr = eb[:, :, C:2 * C]
    psr = eb[:, :, 2 * C:GD]
    ad = jnp.dot(tf_ref[...], wd_ref[...],
                 preferred_element_type=jnp.float32)
    tp = tp_ref[...]
    wp = wp_ref[...]
    pd = jnp.broadcast_to(bp_ref[...], (ABLK, C))
    for d in range(3):
        pd = pd + tp[:, d:d + 1] * wp[d:d + 1, :]
    delta = _silu(pd[:, None, :] - psr)
    a_in = ad[:, None, :] - asr + delta
    z = jnp.dot(a_in.reshape(ABLK * K, C), wa_ref[...],
                preferred_element_type=jnp.float32) + ba_ref[...]
    a3 = _silu(z).reshape(ABLK, K, C)
    m = a3[:, 0, :]
    for k in range(1, K):
        m = jnp.maximum(m, a3[:, k, :])
    s = jnp.zeros((ABLK, C), jnp.float32)
    acc = jnp.zeros((ABLK, C), jnp.float32)
    for k in range(K):
        p = jnp.exp(a3[:, k, :] - m)
        s = s + p
        acc = acc + p * (xl[:, k, :] + delta[:, k, :])
    o_ref[...] = acc / s


def kernel(source_pos, target_pos, source_feat, target_feat,
           Wp, bp, Wa, ba, Wl, Ws, Wd):
    f32 = jnp.float32
    n_src = source_pos.shape[0]
    n_dst = target_pos.shape[0]

    sf = jnp.zeros((N_SRC_PAD, C), f32).at[:n_src].set(source_feat)
    sp = jnp.zeros((N_SRC_PAD, 8), f32)
    sp = sp.at[:n_src, :3].set(source_pos)
    sp = sp.at[n_src:, :3].set(100.0)
    tpp = jnp.zeros((N_DST_PAD, 8), f32).at[:n_dst, :3].set(target_pos)
    tf = jnp.zeros((N_DST_PAD, C), f32).at[:n_dst].set(target_feat)
    wcat = jnp.concatenate([Wl, Ws], axis=1)
    wp8 = jnp.zeros((8, C), f32).at[:3].set(Wp)
    bp2 = bp.reshape(1, C)
    ba2 = ba.reshape(1, C)
    spt = sp.T

    g = pl.pallas_call(
        _proj_body,
        grid=(N_SRC_PAD // PBLK,),
        in_specs=[
            pl.BlockSpec((PBLK, C), lambda i: (i, 0)),
            pl.BlockSpec((PBLK, 8), lambda i: (i, 0)),
            pl.BlockSpec((C, 2 * C), lambda i: (0, 0)),
            pl.BlockSpec((8, C), lambda i: (0, 0)),
        ],
        out_specs=pl.BlockSpec((PBLK, GD), lambda i: (i, 0)),
        out_shape=jax.ShapeDtypeStruct((N_SRC_PAD, GD), f32),
    )(sf, sp, wcat, wp8)

    idx = pl.pallas_call(
        _knn_body,
        grid=(N_DST_PAD // DBLK, N_CHUNKS),
        in_specs=[
            pl.BlockSpec((DBLK, 8), lambda j, c: (j, 0)),
            pl.BlockSpec((8, S_CHUNK), lambda j, c: (0, c)),
        ],
        out_specs=pl.BlockSpec((DBLK, K), lambda j, c: (j, 0)),
        out_shape=jax.ShapeDtypeStruct((N_DST_PAD, K), jnp.int32),
        scratch_shapes=[
            pltpu.VMEM((DBLK, K), f32),
            pltpu.VMEM((DBLK, K), f32),
            pltpu.VMEM((DBLK, HW), f32),
            pltpu.VMEM((DBLK, HW), f32),
        ],
    )(tpp, spt)

    e = _sc_gather(g, idx.reshape(-1))
    e3 = e.reshape(N_DST_PAD, K, GD)

    out = pl.pallas_call(
        _attn_body,
        grid=(N_DST_PAD // ABLK,),
        in_specs=[
            pl.BlockSpec((ABLK, K, GD), lambda i: (i, 0, 0)),
            pl.BlockSpec((ABLK, C), lambda i: (i, 0)),
            pl.BlockSpec((ABLK, 8), lambda i: (i, 0)),
            pl.BlockSpec((C, C), lambda i: (0, 0)),
            pl.BlockSpec((8, C), lambda i: (0, 0)),
            pl.BlockSpec((1, C), lambda i: (0, 0)),
            pl.BlockSpec((C, C), lambda i: (0, 0)),
            pl.BlockSpec((1, C), lambda i: (0, 0)),
        ],
        out_specs=pl.BlockSpec((ABLK, C), lambda i: (i, 0)),
        out_shape=jax.ShapeDtypeStruct((N_DST_PAD, C), f32),
    )(e3, tf, tpp, Wd, wp8, bp2, Wa, ba2)

    return out[:n_dst]

# --- scband reference (transcript-rebuilt; emitter-appended) ---
"""Pipeline reference for scband-feature-transfer-52372831207674 (READ-ONLY COPY).

The authoritative reference and input builder live on the scoring server;
editing this copy changes nothing except your own understanding.
"""

import jax, jax.numpy as jnp
import numpy as np

K = 32
C_IN = 128
C_OUT = 128


def knn(source_pos, target_pos, k, chunk=1000):
    # For each target point, indices of k nearest source points (brute force, chunked).
    n_t = target_pos.shape[0]
    out = []
    for s in range(0, n_t, chunk):
        t = target_pos[s:s + chunk]
        d2 = jnp.sum((t[:, None, :] - source_pos[None, :, :]) ** 2, axis=-1)
        _, idx = jax.lax.top_k(-d2, k)
        out.append(idx)
    return jnp.concatenate(out, axis=0)  # [n_t, k]


def setup_inputs(seed: int = 0):
    key = jax.random.key(seed)
    ks = jax.random.split(key, 9)
    n_src, n_dst = 50000, 10000
    source_pos = jax.random.uniform(ks[0], (n_src, 3), dtype=jnp.float32)
    target_pos = jax.random.uniform(ks[1], (n_dst, 3), dtype=jnp.float32)
    source_feat = jax.random.normal(ks[2], (n_src, C_IN), dtype=jnp.float32)
    target_feat = jax.random.normal(ks[3], (n_dst, C_IN), dtype=jnp.float32)
    s = 0.05
    Wp = jax.random.normal(ks[4], (3, C_OUT), dtype=jnp.float32) * 0.5
    bp = jnp.zeros((C_OUT,), dtype=jnp.float32)
    Wa = jax.random.normal(ks[5], (C_OUT, C_OUT), dtype=jnp.float32) * s
    ba = jnp.zeros((C_OUT,), dtype=jnp.float32)
    Wl = jax.random.normal(ks[6], (C_IN, C_OUT), dtype=jnp.float32) * s
    Ws = jax.random.normal(ks[7], (C_IN, C_OUT), dtype=jnp.float32) * s
    Wd = jax.random.normal(ks[8], (C_IN, C_OUT), dtype=jnp.float32) * s
    return {"source_pos": source_pos, "target_pos": target_pos,
            "source_feat": source_feat, "target_feat": target_feat,
            "Wp": Wp, "bp": bp, "Wa": Wa, "ba": ba,
            "Wl": Wl, "Ws": Ws, "Wd": Wd}


def reference(source_pos, target_pos, source_feat, target_feat,
              Wp, bp, Wa, ba, Wl, Ws, Wd):
    # knn(x=source_pos, y=target_pos): k nearest sources per target; after the row
    # swap in the torch code, row0=source(j), row1=target(i). Each target i has
    # exactly K incoming edges, grouped contiguously, so we keep [n_dst, K] layout.
    idx = knn(source_pos, target_pos, K)  # [n_dst, K] source indices

    # PointTransformerConv (PyG): lin/lin_src/lin_dst are bias-free Linears.
    alpha_src = source_feat @ Ws          # lin_src(x_src)
    alpha_dst = target_feat @ Wd          # lin_dst(x_dst)
    x_lin = source_feat @ Wl              # lin(x_src)

    # message: delta = pos_nn(pos_i - pos_j) ; pos_nn = Linear(3,C)+SiLU (plain_last=False)
    pos_diff = target_pos[:, None, :] - source_pos[idx]      # [n_dst, K, 3]
    delta = jax.nn.silu(pos_diff @ Wp + bp)                   # [n_dst, K, C]

    # alpha = attn_nn(alpha_i - alpha_j + delta) ; attn_nn = Linear(C,C)+SiLU
    a = alpha_dst[:, None, :] - alpha_src[idx] + delta
    a = jax.nn.silu(a @ Wa + ba)

    # softmax over edges sharing the same destination (exactly the K neighbors)
    a = jax.nn.softmax(a, axis=1)

    # msg = alpha * (lin(x_j) + delta); sum-aggregate per destination node
    out = jnp.sum(a * (x_lin[idx] + delta), axis=1)           # [n_dst, C]
    return out

if __name__ == "__main__":
    import jax
    _d = setup_inputs()
    print(jax.jit(kernel)(*tuple(_d.values())))

</pallas_src>

<mosaic_0001>
#map = affine_map<(d0, d1) -> (0, 0)>
#map1 = affine_map<(d0, d1) -> (0)>
module attributes {stable_mosaic.version = 14 : i64} {
  func.func @gk(%arg0: i32, %arg1: i32, %arg2: memref<51200x384xf32, #tpu.memory_space<hbm>>, %arg3: memref<323584xi32, #tpu.memory_space<hbm>>, %arg4: memref<323584x384xf32, #tpu.memory_space<hbm>>, %arg5: memref<128xi32, #tpu.memory_space<vmem>>, %arg6: memref<128x384xf32, #tpu.memory_space<vmem>>, %arg7: memref<!tpu.dma_semaphore, #tpu.memory_space<semaphore_mem>>) attributes {dimension_semantics = [#tpu.dimension_semantics<core_parallel>, #tpu.dimension_semantics<subcore_parallel>], iteration_bounds = array<i64: 2, 16>, scalar_prefetch = 0 : i64, scratch_operands = 3 : i64, tpu.core_type = #tpu.core_type<sc_vector_subcore>, window_params = [{transform_indices = #map}, {transform_indices = #map1}, {transform_indices = #map}]} {
    %mul3A = arith.constant 2 : i32
    %mul3A_0 = arith.muli %arg1, %mul3A : i32
    %add3A = arith.addi %mul3A_0, %arg0 : i32
    %mul3A_1 = arith.constant 10112 : i32
    %mul3A_2 = arith.muli %add3A, %mul3A_1 : i32
    %scan3A = arith.constant 0 : i32
    %scan3A_3 = arith.constant 0 : i32
    %scan3A_4 = arith.constant 79 : i32
    %scan3A_5 = arith.addi %scan3A_3, %scan3A_4 : i32
    %scan3A_6 = arith.constant 1 : i32
    scf.for %scan3A_8 = %scan3A_3 to %scan3A_5 step %scan3A_6  : i32 {
      %mul3A_9 = arith.constant 128 : i32
      %mul3A_10 = arith.muli %scan3A_8, %mul3A_9 : i32
      %add3A_11 = arith.addi %mul3A_2, %mul3A_10 : i32
      %multiple_of3A = tpu.assume_multiple %add3A_11, 128 : i32
      "tpu.region"() ({
        %run_scoped3A = tpu.sem_alloc : memref<!tpu.dma_semaphore, #tpu.memory_space<semaphore_mem>>
        %dma_start3A_16 = tpu.memref_slice %arg3[%multiple_of3A] : memref<323584xi32, #tpu.memory_space<hbm>> -> memref<128xi32, #tpu.memory_space<hbm>>
        %dma_start3A_17 = tpu.memref_slice %arg3[%multiple_of3A] : memref<323584xi32, #tpu.memory_space<hbm>> -> memref<128xi32, #tpu.memory_space<hbm>>
        tpu.enqueue_dma source(%dma_start3A_17 : memref<128xi32, #tpu.memory_space<hbm>>) target(%arg5 : memref<128xi32, #tpu.memory_space<vmem>>) target_semaphore(%run_scoped3A : memref<!tpu.dma_semaphore, #tpu.memory_space<semaphore_mem>>)
        %dma_wait3A_18 = tpu.memref_slice %arg3[%multiple_of3A] : memref<323584xi32, #tpu.memory_space<hbm>> -> memref<128xi32, #tpu.memory_space<hbm>>
        %dma_wait3A_19 = tpu.memref_slice %arg3[%multiple_of3A] : memref<323584xi32, #tpu.memory_space<hbm>> -> memref<128xi32, #tpu.memory_space<hbm>>
        tpu.wait_dma2 semaphore(%run_scoped3A : memref<!tpu.dma_semaphore, #tpu.memory_space<semaphore_mem>>) src(%dma_wait3A_19 : memref<128xi32, #tpu.memory_space<hbm>>) dst(%arg5 : memref<128xi32, #tpu.memory_space<vmem>>)
        tpu.yield
      }) : () -> ()
      %dma_start3A = arith.constant 0 : i32
      %dma_start3A_12 = arith.constant 0 : i32
      %dma_start3A_13 = tpu.memref_slice %arg2[%dma_start3A, %dma_start3A_12] : memref<51200x384xf32, #tpu.memory_space<hbm>> -> memref<51200x384xf32, #tpu.memory_space<hbm>>
      tpu.enqueue_indirect_dma source(%dma_start3A_13 : memref<51200x384xf32, #tpu.memory_space<hbm>>) target(%arg6 : memref<128x384xf32, #tpu.memory_space<vmem>>) offsets(%arg5 : memref<128xi32, #tpu.memory_space<vmem>>) semaphore(%arg7 : memref<!tpu.dma_semaphore, #tpu.memory_space<semaphore_mem>>)
      %dma_wait3A = arith.constant 0 : i32
      %dma_wait3A_14 = arith.constant 0 : i32
      %dma_wait3A_15 = tpu.memref_slice %arg2[%dma_wait3A, %dma_wait3A_14] : memref<51200x384xf32, #tpu.memory_space<hbm>> -> memref<51200x384xf32, #tpu.memory_space<hbm>>
      tpu.wait_indirect_dma semaphore(%arg7 : memref<!tpu.dma_semaphore, #tpu.memory_space<semaphore_mem>>) src(%dma_wait3A_15 : memref<51200x384xf32, #tpu.memory_space<hbm>>) dst(%arg6 : memref<128x384xf32, #tpu.memory_space<vmem>>)
      "tpu.region"() ({
        %run_scoped3A = tpu.sem_alloc : memref<!tpu.dma_semaphore, #tpu.memory_space<semaphore_mem>>
        %dma_start3A_16 = arith.constant 0 : i32
        %dma_start3A_17 = tpu.memref_slice %arg4[%multiple_of3A, %dma_start3A_16] : memref<323584x384xf32, #tpu.memory_space<hbm>> -> memref<128x384xf32, #tpu.memory_space<hbm>>
        %dma_start3A_18 = arith.constant 0 : i32
        %dma_start3A_19 = tpu.memref_slice %arg4[%multiple_of3A, %dma_start3A_18] : memref<323584x384xf32, #tpu.memory_space<hbm>> -> memref<128x384xf32, #tpu.memory_space<hbm>>
        tpu.enqueue_dma source(%arg6 : memref<128x384xf32, #tpu.memory_space<vmem>>) target(%dma_start3A_19 : memref<128x384xf32, #tpu.memory_space<hbm>>) target_semaphore(%run_scoped3A : memref<!tpu.dma_semaphore, #tpu.memory_space<semaphore_mem>>)
        %dma_wait3A_20 = arith.constant 0 : i32
        %dma_wait3A_21 = tpu.memref_slice %arg4[%multiple_of3A, %dma_wait3A_20] : memref<323584x384xf32, #tpu.memory_space<hbm>> -> memref<128x384xf32, #tpu.memory_space<hbm>>
        %dma_wait3A_22 = arith.constant 0 : i32
        %dma_wait3A_23 = tpu.memref_slice %arg4[%multiple_of3A, %dma_wait3A_22] : memref<323584x384xf32, #tpu.memory_space<hbm>> -> memref<128x384xf32, #tpu.memory_space<hbm>>
        tpu.wait_dma2 semaphore(%run_scoped3A : memref<!tpu.dma_semaphore, #tpu.memory_space<semaphore_mem>>) src(%arg6 : memref<128x384xf32, #tpu.memory_space<vmem>>) dst(%dma_wait3A_23 : memref<128x384xf32, #tpu.memory_space<hbm>>)
        tpu.yield
      }) : () -> ()
    }
    %scan3A_7 = arith.constant 79 : i32
    return
  }
}

module attributes {stable_mosaic.version = 14 : i64} {
  func.func @_knn_body(%arg0: i32, %arg1: i32, %arg2: memref<128x8xf32, #tpu.memory_space<vmem>>, %arg3: memref<8x2048xf32, #tpu.memory_space<vmem>>, %arg4: memref<128x32xi32, #tpu.memory_space<vmem>>, %arg5: memref<128x32xf32, #tpu.memory_space<vmem>>, %arg6: memref<128x32xf32, #tpu.memory_space<vmem>>, %arg7: memref<128x1024xf32, #tpu.memory_space<vmem>>, %arg8: memref<128x1024xf32, #tpu.memory_space<vmem>>) attributes {dimension_semantics = [#tpu.dimension_semantics<arbitrary>, #tpu.dimension_semantics<arbitrary>], iteration_bounds = array<i64: 79, 25>, scalar_prefetch = 0 : i64, scratch_operands = 4 : i64, tpu.core_type = #tpu.core_type<tc>, window_params = [{transform_indices = @transform_0, window_bounds = array<i64: 128, 8>}, {transform_indices = @transform_1, window_bounds = array<i64: 8, 2048>}, {transform_indices = @transform_2, window_bounds = array<i64: 128, 32>}]} {
    %eq3A = arith.constant 0 : i32
    %eq3A_0 = arith.cmpi eq, %arg1, %eq3A : i32
    %convert_element_type3A = arith.extui %eq3A_0 : i1 to i32
    %cond3A = arith.constant 0 : i32
    %cond3A_1 = arith.cmpi ne, %convert_element_type3A, %cond3A : i32
    scf.if %cond3A_1 {
      %broadcast_in_dim3A_66 = arith.constant 1.000000e+30 : f32
      %broadcast_in_dim3A_67 = vector.broadcast %broadcast_in_dim3A_66 : f32 to vector<128x32xf32>
      %swap3A = arith.constant 0 : index
      %swap3A_68 = arith.constant 0 : index
      %swap3A_69 = vector.load %arg5[%swap3A, %swap3A_68] : memref<128x32xf32, #tpu.memory_space<vmem>>, vector<128x32xf32>
      tpu.vector_store %arg5[%swap3A, %swap3A_68], %broadcast_in_dim3A_67 {strides = array<i32>} : memref<128x32xf32, #tpu.memory_space<vmem>>, vector<128x32xf32>,
      %broadcast_in_dim3A_70 = arith.constant 1.000000e+09 : f32
      %broadcast_in_dim3A_71 = vector.broadcast %broadcast_in_dim3A_70 : f32 to vector<128x32xf32>
      %swap3A_72 = arith.constant 0 : index
      %swap3A_73 = arith.constant 0 : index
      %swap3A_74 = vector.load %arg6[%swap3A_72, %swap3A_73] : memref<128x32xf32, #tpu.memory_space<vmem>>, vector<128x32xf32>
      tpu.vector_store %arg6[%swap3A_72, %swap3A_73], %broadcast_in_dim3A_71 {strides = array<i32>} : memref<128x32xf32, #tpu.memory_space<vmem>>, vector<128x32xf32>,
    } else {
    }
    %get3A = arith.constant 0 : index
    %get3A_2 = arith.constant 0 : index
    %get3A_3 = vector.load %arg2[%get3A, %get3A_2] : memref<128x8xf32, #tpu.memory_space<vmem>>, vector<128x8xf32>
    %get3A_4 = arith.constant 0 : index
    %get3A_5 = arith.constant 0 : index
    %get3A_6 = vector.load %arg3[%get3A_4, %get3A_5] : memref<8x2048xf32, #tpu.memory_space<vmem>>, vector<8x2048xf32>
    %slice3A = vector.extract_strided_slice %get3A_3 {offsets = [0, 0], sizes = [128, 1], strides = [1, 1]} : vector<128x8xf32> to vector<128x1xf32>
    %slice3A_7 = vector.extract_strided_slice %get3A_6 {offsets = [0, 0], sizes = [1, 2048], strides = [1, 1]} : vector<8x2048xf32> to vector<1x2048xf32>
    %sub3A = vector.broadcast %slice3A : vector<128x1xf32> to vector<128x2048xf32>
    %sub3A_8 = vector.broadcast %slice3A_7 : vector<1x2048xf32> to vector<128x2048xf32>
    %sub3A_9 = arith.subf %sub3A, %sub3A_8 : vector<128x2048xf32>
    %slice3A_10 = vector.extract_strided_slice %get3A_3 {offsets = [0, 1], sizes = [128, 1], strides = [1, 1]} : vector<128x8xf32> to vector<128x1xf32>
    %slice3A_11 = vector.extract_strided_slice %get3A_6 {offsets = [1, 0], sizes = [1, 2048], strides = [1, 1]} : vector<8x2048xf32> to vector<1x2048xf32>
    %sub3A_12 = vector.broadcast %slice3A_10 : vector<128x1xf32> to vector<128x2048xf32>
    %sub3A_13 = vector.broadcast %slice3A_11 : vector<1x2048xf32> to vector<128x2048xf32>
    %sub3A_14 = arith.subf %sub3A_12, %sub3A_13 : vector<128x2048xf32>
    %slice3A_15 = vector.extract_strided_slice %get3A_3 {offsets = [0, 2], sizes = [128, 1], strides = [1, 1]} : vector<128x8xf32> to vector<128x1xf32>
    %slice3A_16 = vector.extract_strided_slice %get3A_6 {offsets = [2, 0], sizes = [1, 2048], strides = [1, 1]} : vector<8x2048xf32> to vector<1x2048xf32>
    %sub3A_17 = vector.broadcast %slice3A_15 : vector<128x1xf32> to vector<128x2048xf32>
    %sub3A_18 = vector.broadcast %slice3A_16 : vector<1x2048xf32> to vector<128x2048xf32>
    %sub3A_19 = arith.subf %sub3A_17, %sub3A_18 : vector<128x2048xf32>
    %mul3A = arith.mulf %sub3A_9, %sub3A_9 : vector<128x2048xf32>
    %mul3A_20 = arith.mulf %sub3A_14, %sub3A_14 : vector<128x2048xf32>
    %add3A = arith.addf %mul3A, %mul3A_20 : vector<128x2048xf32>
    %mul3A_21 = arith.mulf %sub3A_19, %sub3A_19 : vector<128x2048xf32>
    %add3A_22 = arith.addf %add3A, %mul3A_21 : vector<128x2048xf32>
    %iota3A = tpu.iota {dimensions = array<i32: 1>} : vector<128x32xi32>
    %slice3A_23 = vector.extract_strided_slice %add3A_22 {offsets = [0, 0], sizes = [128, 1024], strides = [1, 1]} : vector<128x2048xf32> to vector<128x1024xf32>
    %get3A_24 = arith.constant 0 : index
    %get3A_25 = arith.constant 31 : index
    %get3A_26 = vector.load %arg5[%get3A_24, %get3A_25] : memref<128x32xf32, #tpu.memory_space<vmem>>, vector<128x1xf32>
    %lt3A = vector.broadcast %get3A_26 : vector<128x1xf32> to vector<128x1024xf32>
    %lt3A_27 = arith.cmpf olt, %slice3A_23, %lt3A : vector<128x1024xf32>
    %convert_element_type3A_28 = arith.extui %lt3A_27 : vector<128x1024xi1> to vector<128x1024xi32>
    %reduce_sum3A = arith.constant dense<0> : vector<128xi32>
    %reduce_sum3A_29 = vector.multi_reduction <add>, %convert_element_type3A_28, %reduce_sum3A [1] : vector<128x1024xi32> to vector<128xi32>
    %broadcast_in_dim3A = vector.shape_cast %reduce_sum3A_29 : vector<128xi32> to vector<128x1xi32>
    %reduce_max3A = vector.shape_cast %broadcast_in_dim3A : vector<128x1xi32> to vector<1x128x1xi32>
    %reduce_max3A_30 = arith.constant dense<-2147483648> : vector<1xi32>
    %reduce_max3A_31 = vector.multi_reduction <maxsi>, %reduce_max3A, %reduce_max3A_30 [1, 2] : vector<1x128x1xi32> to vector<1xi32>
    %reduce_max3A_32 = vector.shape_cast %reduce_max3A_31 : vector<1xi32> to vector<1x1x1xi32>
    %reduce_max3A_33 = vector.extract %reduce_max3A_32[0, 0, 0] : i32 from vector<1x1x1xi32>
    %min3A = arith.constant 32 : i32
    %min3A_34 = arith.minsi %reduce_max3A_33, %min3A : i32
    %gt3A = arith.constant 0 : i32
    %gt3A_35 = arith.cmpi sgt, %min3A_34, %gt3A : i32
    %convert_element_type3A_36 = arith.extui %gt3A_35 : i1 to i32
    %cond3A_37 = arith.constant 0 : i32
    %cond3A_38 = arith.cmpi ne, %convert_element_type3A_36, %cond3A_37 : i32
    scf.if %cond3A_38 {
      %mul3A_66 = arith.constant 2048 : i32
      %mul3A_67 = arith.muli %arg1, %mul3A_66 : i32
      %add3A_68 = arith.constant 0 : i32
      %add3A_69 = arith.addi %mul3A_67, %add3A_68 : i32
      %convert_element_type3A_70 = arith.sitofp %add3A_69 : i32 to f32
      %swap3A = arith.constant 0 : index
      %swap3A_71 = arith.constant 0 : index
      %swap3A_72 = vector.load %arg7[%swap3A, %swap3A_71] : memref<128x1024xf32, #tpu.memory_space<vmem>>, vector<128x1024xf32>
      tpu.vector_store %arg7[%swap3A, %swap3A_71], %slice3A_23 {strides = array<i32>} : memref<128x1024xf32, #tpu.memory_space<vmem>>, vector<128x1024xf32>,
      %iota3A_73 = tpu.iota {dimensions = array<i32: 1>} : vector<128x1024xi32>
      %convert_element_type3A_74 = arith.sitofp %iota3A_73 : vector<128x1024xi32> to vector<128x1024xf32>
      %add3A_75 = vector.broadcast %convert_element_type3A_70 : f32 to vector<128x1024xf32>
      %add3A_76 = arith.addf %convert_element_type3A_74, %add3A_75 : vector<128x1024xf32>
      %swap3A_77 = arith.constant 0 : index
      %swap3A_78 = arith.constant 0 : index
      %swap3A_79 = vector.load %arg8[%swap3A_77, %swap3A_78] : memref<128x1024xf32, #tpu.memory_space<vmem>>, vector<128x1024xf32>
      tpu.vector_store %arg8[%swap3A_77, %swap3A_78], %add3A_76 {strides = array<i32>} : memref<128x1024xf32, #tpu.memory_space<vmem>>, vector<128x1024xf32>,
      %slice3A_80 = vector.extract_strided_slice %iota3A {offsets = [0, 0], sizes = [32, 32], strides = [1, 1]} : vector<128x32xi32> to vector<32x32xi32>
      %while3A = arith.constant 0 : i32
      %while3A_81 = arith.constant 0 : i32
      %while3A_82 = arith.subi %min3A_34, %while3A_81 : i32
      %while3A_83 = arith.addi %while3A_81, %while3A_82 : i32
      %while3A_84 = arith.constant 1 : i32
      %while3A_85 = arith.divsi %while3A_82, %while3A_84 : i32
      %while3A_86 = arith.muli %while3A_85, %while3A_84 : i32
      %while3A_87 = arith.addi %while3A_81, %while3A_86 : i32
      %while3A_88 = arith.constant 1 : i32
      scf.for %while3A_90 = %while3A_81 to %while3A_87 step %while3A_88  : i32 {
        %get3A_91 = arith.constant 0 : index
        %get3A_92 = arith.constant 0 : index
        %get3A_93 = vector.load %arg7[%get3A_91, %get3A_92] : memref<128x1024xf32, #tpu.memory_space<vmem>>, vector<32x1024xf32>
        %get3A_94 = arith.constant 0 : index
        %get3A_95 = arith.constant 0 : index
        %get3A_96 = vector.load %arg8[%get3A_94, %get3A_95] : memref<128x1024xf32, #tpu.memory_space<vmem>>, vector<32x1024xf32>
        %reduce_min3A = arith.constant dense<0x7F800000> : vector<32xf32>
        %reduce_min3A_97 = vector.multi_reduction <minimumf>, %get3A_93, %reduce_min3A [1] : vector<32x1024xf32> to vector<32xf32>
        %broadcast_in_dim3A_98 = vector.shape_cast %reduce_min3A_97 : vector<32xf32> to vector<32x1xf32>
        %eq3A_99 = vector.broadcast %broadcast_in_dim3A_98 : vector<32x1xf32> to vector<32x1024xf32>
        %eq3A_100 = arith.cmpf oeq, %get3A_93, %eq3A_99 : vector<32x1024xf32>
        %jit3A = arith.constant 1.000000e+09 : f32
        %broadcast_in_dim3A_101 = vector.broadcast %jit3A : f32 to vector<32x1024xf32>
        %select_n3A = arith.select %eq3A_100, %get3A_96, %broadcast_in_dim3A_101 : vector<32x1024xi1>, vector<32x1024xf32>
        %reduce_min3A_102 = arith.constant dense<0x7F800000> : vector<32xf32>
        %reduce_min3A_103 = vector.multi_reduction <minimumf>, %select_n3A, %reduce_min3A_102 [1] : vector<32x1024xf32> to vector<32xf32>
        %broadcast_in_dim3A_104 = vector.shape_cast %reduce_min3A_103 : vector<32xf32> to vector<32x1xf32>
        %eq3A_105 = vector.broadcast %broadcast_in_dim3A_104 : vector<32x1xf32> to vector<32x1024xf32>
        %eq3A_106 = arith.cmpf oeq, %get3A_96, %eq3A_105 : vector<32x1024xf32>
        %jit3A_107 = arith.constant 1.000000e+30 : f32
        %broadcast_in_dim3A_108 = vector.broadcast %jit3A_107 : f32 to vector<32x1024xf32>
        %select_n3A_109 = arith.select %eq3A_106, %broadcast_in_dim3A_108, %get3A_93 : vector<32x1024xi1>, vector<32x1024xf32>
        %swap3A_110 = arith.constant 0 : index
        %swap3A_111 = arith.constant 0 : index
        %swap3A_112 = vector.load %arg7[%swap3A_110, %swap3A_111] : memref<128x1024xf32, #tpu.memory_space<vmem>>, vector<32x1024xf32>
        tpu.vector_store %arg7[%swap3A_110, %swap3A_111], %select_n3A_109 {strides = array<i32>} : memref<128x1024xf32, #tpu.memory_space<vmem>>, vector<32x1024xf32>,
        %get3A_113 = arith.constant 0 : index
        %get3A_114 = arith.constant 0 : index
        %get3A_115 = vector.load %arg5[%get3A_113, %get3A_114] : memref<128x32xf32, #tpu.memory_space<vmem>>, vector<32x32xf32>
        %get3A_116 = arith.constant 0 : index
        %get3A_117 = arith.constant 0 : index
        %get3A_118 = vector.load %arg6[%get3A_116, %get3A_117] : memref<128x32xf32, #tpu.memory_space<vmem>>, vector<32x32xf32>
        %le3A = vector.broadcast %broadcast_in_dim3A_98 : vector<32x1xf32> to vector<32x32xf32>
        %le3A_119 = arith.cmpf ole, %get3A_115, %le3A : vector<32x32xf32>
        %convert_element_type3A_120 = arith.extui %le3A_119 : vector<32x32xi1> to vector<32x32xi32>
        %reduce_sum3A_121 = arith.constant dense<0> : vector<32xi32>
        %reduce_sum3A_122 = vector.multi_reduction <add>, %convert_element_type3A_120, %reduce_sum3A_121 [1] : vector<32x32xi32> to vector<32xi32>
        %broadcast_in_dim3A_123 = vector.shape_cast %reduce_sum3A_122 : vector<32xi32> to vector<32x1xi32>
        %slice3A_124 = vector.extract_strided_slice %get3A_115 {offsets = [0, 0], sizes = [32, 1], strides = [1, 1]} : vector<32x32xf32> to vector<32x1xf32>
        %slice3A_125 = vector.extract_strided_slice %get3A_115 {offsets = [0, 0], sizes = [32, 31], strides = [1, 1]} : vector<32x32xf32> to vector<32x31xf32>
        %concatenate3A = tpu.concatenate %slice3A_124, %slice3A_125 in 1 : vector<32x1xf32>, vector<32x31xf32> -> vector<32x32xf32>
        %slice3A_126 = vector.extract_strided_slice %get3A_118 {offsets = [0, 0], sizes = [32, 1], strides = [1, 1]} : vector<32x32xf32> to vector<32x1xf32>
        %slice3A_127 = vector.extract_strided_slice %get3A_118 {offsets = [0, 0], sizes = [32, 31], strides = [1, 1]} : vector<32x32xf32> to vector<32x31xf32>
        %concatenate3A_128 = tpu.concatenate %slice3A_126, %slice3A_127 in 1 : vector<32x1xf32>, vector<32x31xf32> -> vector<32x32xf32>
        %lt3A_129 = vector.broadcast %broadcast_in_dim3A_123 : vector<32x1xi32> to vector<32x32xi32>
        %lt3A_130 = arith.cmpi slt, %slice3A_80, %lt3A_129 : vector<32x32xi32>
        %eq3A_131 = vector.broadcast %broadcast_in_dim3A_123 : vector<32x1xi32> to vector<32x32xi32>
        %eq3A_132 = arith.cmpi eq, %slice3A_80, %eq3A_131 : vector<32x32xi32>
        %broadcast_in_dim3A_133 = vector.shape_cast %broadcast_in_dim3A_98 : vector<32x1xf32> to vector<32x1xf32>
        %broadcast_in_dim3A_134 = vector.broadcast %broadcast_in_dim3A_133 : vector<32x1xf32> to vector<32x32xf32>
        %select_n3A_135 = arith.select %eq3A_132, %broadcast_in_dim3A_134, %concatenate3A : vector<32x32xi1>, vector<32x32xf32>
        %select_n3A_136 = arith.select %lt3A_130, %get3A_115, %select_n3A_135 : vector<32x32xi1>, vector<32x32xf32>
        %swap3A_137 = arith.constant 0 : index
        %swap3A_138 = arith.constant 0 : index
        %swap3A_139 = vector.load %arg5[%swap3A_137, %swap3A_138] : memref<128x32xf32, #tpu.memory_space<vmem>>, vector<32x32xf32>
        tpu.vector_store %arg5[%swap3A_137, %swap3A_138], %select_n3A_136 {strides = array<i32>} : memref<128x32xf32, #tpu.memory_space<vmem>>, vector<32x32xf32>,
        %lt3A_140 = vector.broadcast %broadcast_in_dim3A_123 : vector<32x1xi32> to vector<32x32xi32>
        %lt3A_141 = arith.cmpi slt, %slice3A_80, %lt3A_140 : vector<32x32xi32>
        %eq3A_142 = vector.broadcast %broadcast_in_dim3A_123 : vector<32x1xi32> to vector<32x32xi32>
        %eq3A_143 = arith.cmpi eq, %slice3A_80, %eq3A_142 : vector<32x32xi32>
        %broadcast_in_dim3A_144 = vector.shape_cast %broadcast_in_dim3A_104 : vector<32x1xf32> to vector<32x1xf32>
        %broadcast_in_dim3A_145 = vector.broadcast %broadcast_in_dim3A_144 : vector<32x1xf32> to vector<32x32xf32>
        %select_n3A_146 = arith.select %eq3A_143, %broadcast_in_dim3A_145, %concatenate3A_128 : vector<32x32xi1>, vector<32x32xf32>
        %select_n3A_147 = arith.select %lt3A_141, %get3A_118, %select_n3A_146 : vector<32x32xi1>, vector<32x32xf32>
        %swap3A_148 = arith.constant 0 : index
        %swap3A_149 = arith.constant 0 : index
        %swap3A_150 = vector.load %arg6[%swap3A_148, %swap3A_149] : memref<128x32xf32, #tpu.memory_space<vmem>>, vector<32x32xf32>
        tpu.vector_store %arg6[%swap3A_148, %swap3A_149], %select_n3A_147 {strides = array<i32>} : memref<128x32xf32, #tpu.memory_space<vmem>>, vector<32x32xf32>,
        %get3A_151 = arith.constant 32 : index
        %get3A_152 = arith.constant 0 : index
        %get3A_153 = vector.load %arg7[%get3A_151, %get3A_152] : memref<128x1024xf32, #tpu.memory_space<vmem>>, vector<32x1024xf32>
        %get3A_154 = arith.constant 32 : index
        %get3A_155 = arith.constant 0 : index
        %get3A_156 = vector.load %arg8[%get3A_154, %get3A_155] : memref<128x1024xf32, #tpu.memory_space<vmem>>, vector<32x1024xf32>
        %reduce_min3A_157 = arith.constant dense<0x7F800000> : vector<32xf32>
        %reduce_min3A_158 = vector.multi_reduction <minimumf>, %get3A_153, %reduce_min3A_157 [1] : vector<32x1024xf32> to vector<32xf32>
        %broadcast_in_dim3A_159 = vector.shape_cast %reduce_min3A_158 : vector<32xf32> to vector<32x1xf32>
        %eq3A_160 = vector.broadcast %broadcast_in_dim3A_159 : vector<32x1xf32> to vector<32x1024xf32>
        %eq3A_161 = arith.cmpf oeq, %get3A_153, %eq3A_160 : vector<32x1024xf32>
        %jit3A_162 = arith.constant 1.000000e+09 : f32
        %broadcast_in_dim3A_163 = vector.broadcast %jit3A_162 : f32 to vector<32x1024xf32>
        %select_n3A_164 = arith.select %eq3A_161, %get3A_156, %broadcast_in_dim3A_163 : vector<32x1024xi1>, vector<32x1024xf32>
        %reduce_min3A_165 = arith.constant dense<0x7F800000> : vector<32xf32>
        %reduce_min3A_166 = vector.multi_reduction <minimumf>, %select_n3A_164, %reduce_min3A_165 [1] : vector<32x1024xf32> to vector<32xf32>
        %broadcast_in_dim3A_167 = vector.shape_cast %reduce_min3A_166 : vector<32xf32> to vector<32x1xf32>
        %eq3A_168 = vector.broadcast %broadcast_in_dim3A_167 : vector<32x1xf32> to vector<32x1024xf32>
        %eq3A_169 = arith.cmpf oeq, %get3A_156, %eq3A_168 : vector<32x1024xf32>
        %jit3A_170 = arith.constant 1.000000e+30 : f32
        %broadcast_in_dim3A_171 = vector.broadcast %jit3A_170 : f32 to vector<32x1024xf32>
        %select_n3A_172 = arith.select %eq3A_169, %broadcast_in_dim3A_171, %get3A_153 : vector<32x1024xi1>, vector<32x1024xf32>
        %swap3A_173 = arith.constant 32 : index
        %swap3A_174 = arith.constant 0 : index
        %swap3A_175 = vector.load %arg7[%swap3A_173, %swap3A_174] : memref<128x1024xf32, #tpu.memory_space<vmem>>, vector<32x1024xf32>
        tpu.vector_store %arg7[%swap3A_173, %swap3A_174], %select_n3A_172 {strides = array<i32>} : memref<128x1024xf32, #tpu.memory_space<vmem>>, vector<32x1024xf32>,
        %get3A_176 = arith.constant 32 : index
        %get3A_177 = arith.constant 0 : index
        %get3A_178 = vector.load %arg5[%get3A_176, %get3A_177] : memref<128x32xf32, #tpu.memory_space<vmem>>, vector<32x32xf32>
        %get3A_179 = arith.constant 32 : index
        %get3A_180 = arith.constant 0 : index
        %get3A_181 = vector.load %arg6[%get3A_179, %get3A_180] : memref<128x32xf32, #tpu.memory_space<vmem>>, vector<32x32xf32>
        %le3A_182 = vector.broadcast %broadcast_in_dim3A_159 : vector<32x1xf32> to vector<32x32xf32>
        %le3A_183 = arith.cmpf ole, %get3A_178, %le3A_182 : vector<32x32xf32>
        %convert_element_type3A_184 = arith.extui %le3A_183 : vector<32x32xi1> to vector<32x32xi32>
        %reduce_sum3A_185 = arith.constant dense<0> : vector<32xi32>
        %reduce_sum3A_186 = vector.multi_reduction <add>, %convert_element_type3A_184, %reduce_sum3A_185 [1] : vector<32x32xi32> to vector<32xi32>
        %broadcast_in_dim3A_187 = vector.shape_cast %reduce_sum3A_186 : vector<32xi32> to vector<32x1xi32>
        %slice3A_188 = vector.extract_strided_slice %get3A_178 {offsets = [0, 0], sizes = [32, 1], strides = [1, 1]} : vector<32x32xf32> to vector<32x1xf32>
        %slice3A_189 = vector.extract_strided_slice %get3A_178 {offsets = [0, 0], sizes = [32, 31], strides = [1, 1]} : vector<32x32xf32> to vector<32x31xf32>
        %concatenate3A_190 = tpu.concatenate %slice3A_188, %slice3A_189 in 1 : vector<32x1xf32>, vector<32x31xf32> -> vector<32x32xf32>
        %slice3A_191 = vector.extract_strided_slice %get3A_181 {offsets = [0, 0], sizes = [32, 1], strides = [1, 1]} : vector<32x32xf32> to vector<32x1xf32>
        %slice3A_192 = vector.extract_strided_slice %get3A_181 {offsets = [0, 0], sizes = [32, 31], strides = [1, 1]} : vector<32x32xf32> to vector<32x31xf32>
        %concatenate3A_193 = tpu.concatenate %slice3A_191, %slice3A_192 in 1 : vector<32x1xf32>, vector<32x31xf32> -> vector<32x32xf32>
        %lt3A_194 = vector.broadcast %broadcast_in_dim3A_187 : vector<32x1xi32> to vector<32x32xi32>
        %lt3A_195 = arith.cmpi slt, %slice3A_80, %lt3A_194 : vector<32x32xi32>
        %eq3A_196 = vector.broadcast %broadcast_in_dim3A_187 : vector<32x1xi32> to vector<32x32xi32>
        %eq3A_197 = arith.cmpi eq, %slice3A_80, %eq3A_196 : vector<32x32xi32>
        %broadcast_in_dim3A_198 = vector.shape_cast %broadcast_in_dim3A_159 : vector<32x1xf32> to vector<32x1xf32>
        %broadcast_in_dim3A_199 = vector.broadcast %broadcast_in_dim3A_198 : vector<32x1xf32> to vector<32x32xf32>
        %select_n3A_200 = arith.select %eq3A_197, %broadcast_in_dim3A_199, %concatenate3A_190 : vector<32x32xi1>, vector<32x32xf32>
        %select_n3A_201 = arith.select %lt3A_195, %get3A_178, %select_n3A_200 : vector<32x32xi1>, vector<32x32xf32>
        %swap3A_202 = arith.constant 32 : index
        %swap3A_203 = arith.constant 0 : index
        %swap3A_204 = vector.load %arg5[%swap3A_202, %swap3A_203] : memref<128x32xf32, #tpu.memory_space<vmem>>, vector<32x32xf32>
        tpu.vector_store %arg5[%swap3A_202, %swap3A_203], %select_n3A_201 {strides = array<i32>} : memref<128x32xf32, #tpu.memory_space<vmem>>, vector<32x32xf32>,
        %lt3A_205 = vector.broadcast %broadcast_in_dim3A_187 : vector<32x1xi32> to vector<32x32xi32>
        %lt3A_206 = arith.cmpi slt, %slice3A_80, %lt3A_205 : vector<32x32xi32>
        %eq3A_207 = vector.broadcast %broadcast_in_dim3A_187 : vector<32x1xi32> to vector<32x32xi32>
        %eq3A_208 = arith.cmpi eq, %slice3A_80, %eq3A_207 : vector<32x32xi32>
        %broadcast_in_dim3A_209 = vector.shape_cast %broadcast_in_dim3A_167 : vector<32x1xf32> to vector<32x1xf32>
        %broadcast_in_dim3A_210 = vector.broadcast %broadcast_in_dim3A_209 : vector<32x1xf32> to vector<32x32xf32>
        %select_n3A_211 = arith.select %eq3A_208, %broadcast_in_dim3A_210, %concatenate3A_193 : vector<32x32xi1>, vector<32x32xf32>
        %select_n3A_212 = arith.select %lt3A_206, %get3A_181, %select_n3A_211 : vector<32x32xi1>, vector<32x32xf32>
        %swap3A_213 = arith.constant 32 : index
        %swap3A_214 = arith.constant 0 : index
        %swap3A_215 = vector.load %arg6[%swap3A_213, %swap3A_214] : memref<128x32xf32, #tpu.memory_space<vmem>>, vector<32x32xf32>
        tpu.vector_store %arg6[%swap3A_213, %swap3A_214], %select_n3A_212 {strides = array<i32>} : memref<128x32xf32, #tpu.memory_space<vmem>>, vector<32x32xf32>,
        %get3A_216 = arith.constant 64 : index
        %get3A_217 = arith.constant 0 : index
        %get3A_218 = vector.load %arg7[%get3A_216, %get3A_217] : memref<128x1024xf32, #tpu.memory_space<vmem>>, vector<32x1024xf32>
        %get3A_219 = arith.constant 64 : index
        %get3A_220 = arith.constant 0 : index
        %get3A_221 = vector.load %arg8[%get3A_219, %get3A_220] : memref<128x1024xf32, #tpu.memory_space<vmem>>, vector<32x1024xf32>
        %reduce_min3A_222 = arith.constant dense<0x7F800000> : vector<32xf32>
        %reduce_min3A_223 = vector.multi_reduction <minimumf>, %get3A_218, %reduce_min3A_222 [1] : vector<32x1024xf32> to vector<32xf32>
        %broadcast_in_dim3A_224 = vector.shape_cast %reduce_min3A_223 : vector<32xf32> to vector<32x1xf32>
        %eq3A_225 = vector.broadcast %broadcast_in_dim3A_224 : vector<32x1xf32> to vector<32x1024xf32>
        %eq3A_226 = arith.cmpf oeq, %get3A_218, %eq3A_225 : vector<32x1024xf32>
        %jit3A_227 = arith.constant 1.000000e+09 : f32
        %broadcast_in_dim3A_228 = vector.broadcast %jit3A_227 : f32 to vector<32x1024xf32>
        %select_n3A_229 = arith.select %eq3A_226, %get3A_221, %broadcast_in_dim3A_228 : vector<32x1024xi1>, vector<32x1024xf32>
        %reduce_min3A_230 = arith.constant dense<0x7F800000> : vector<32xf32>
        %reduce_min3A_231 = vector.multi_reduction <minimumf>, %select_n3A_229, %reduce_min3A_230 [1] : vector<32x1024xf32> to vector<32xf32>
        %broadcast_in_dim3A_232 = vector.shape_cast %reduce_min3A_231 : vector<32xf32> to vector<32x1xf32>
        %eq3A_233 = vector.broadcast %broadcast_in_dim3A_232 : vector<32x1xf32> to vector<32x1024xf32>
        %eq3A_234 = arith.cmpf oeq, %get3A_221, %eq3A_233 : vector<32x1024xf32>
        %jit3A_235 = arith.constant 1.000000e+30 : f32
        %broadcast_in_dim3A_236 = vector.broadcast %jit3A_235 : f32 to vector<32x1024xf32>
        %select_n3A_237 = arith.select %eq3A_234, %broadcast_in_dim3A_236, %get3A_218 : vector<32x1024xi1>, vector<32x1024xf32>
        %swap3A_238 = arith.constant 64 : index
        %swap3A_239 = arith.constant 0 : index
        %swap3A_240 = vector.load %arg7[%swap3A_238, %swap3A_239] : memref<128x1024xf32, #tpu.memory_space<vmem>>, vector<32x1024xf32>
        tpu.vector_store %arg7[%swap3A_238, %swap3A_239], %select_n3A_237 {strides = array<i32>} : memref<128x1024xf32, #tpu.memory_space<vmem>>, vector<32x1024xf32>,
        %get3A_241 = arith.constant 64 : index
        %get3A_242 = arith.constant 0 : index
        %get3A_243 = vector.load %arg5[%get3A_241, %get3A_242] : memref<128x32xf32, #tpu.memory_space<vmem>>, vector<32x32xf32>
        %get3A_244 = arith.constant 64 : index
        %get3A_245 = arith.constant 0 : index
        %get3A_246 = vector.load %arg6[%get3A_244, %get3A_245] : memref<128x32xf32, #tpu.memory_space<vmem>>, vector<32x32xf32>
        %le3A_247 = vector.broadcast %broadcast_in_dim3A_224 : vector<32x1xf32> to vector<32x32xf32>
        %le3A_248 = arith.cmpf ole, %get3A_243, %le3A_247 : vector<32x32xf32>
        %convert_element_type3A_249 = arith.extui %le3A_248 : vector<32x32xi1> to vector<32x32xi32>
        %reduce_sum3A_250 = arith.constant dense<0> : vector<32xi32>
        %reduce_sum3A_251 = vector.multi_reduction <add>, %convert_element_type3A_249, %reduce_sum3A_250 [1] : vector<32x32xi32> to vector<32xi32>
        %broadcast_in_dim3A_252 = vector.shape_cast %reduce_sum3A_251 : vector<32xi32> to vector<32x1xi32>
        %slice3A_253 = vector.extract_strided_slice %get3A_243 {offsets = [0, 0], sizes = [32, 1], strides = [1, 1]} : vector<32x32xf32> to vector<32x1xf32>
        %slice3A_254 = vector.extract_strided_slice %get3A_243 {offsets = [0, 0], sizes = [32, 31], strides = [1, 1]} : vector<32x32xf32> to vector<32x31xf32>
        %concatenate3A_255 = tpu.concatenate %slice3A_253, %slice3A_254 in 1 : vector<32x1xf32>, vector<32x31xf32> -> vector<32x32xf32>
        %slice3A_256 = vector.extract_strided_slice %get3A_246 {offsets = [0, 0], sizes = [32, 1], strides = [1, 1]} : vector<32x32xf32> to vector<32x1xf32>
        %slice3A_257 = vector.extract_strided_slice %get3A_246 {offsets = [0, 0], sizes = [32, 31], strides = [1, 1]} : vector<32x32xf32> to vector<32x31xf32>
        %concatenate3A_258 = tpu.concatenate %slice3A_256, %slice3A_257 in 1 : vector<32x1xf32>, vector<32x31xf32> -> vector<32x32xf32>
        %lt3A_259 = vector.broadcast %broadcast_in_dim3A_252 : vector<32x1xi32> to vector<32x32xi32>
        %lt3A_260 = arith.cmpi slt, %slice3A_80, %lt3A_259 : vector<32x32xi32>
        %eq3A_261 = vector.broadcast %broadcast_in_dim3A_252 : vector<32x1xi32> to vector<32x32xi32>
        %eq3A_262 = arith.cmpi eq, %slice3A_80, %eq3A_261 : vector<32x32xi32>
        %broadcast_in_dim3A_263 = vector.shape_cast %broadcast_in_dim3A_224 : vector<32x1xf32> to vector<32x1xf32>
        %broadcast_in_dim3A_264 = vector.broadcast %broadcast_in_dim3A_263 : vector<32x1xf32> to vector<32x32xf32>
        %select_n3A_265 = arith.select %eq3A_262, %broadcast_in_dim3A_264, %concatenate3A_255 : vector<32x32xi1>, vector<32x32xf32>
        %select_n3A_266 = arith.select %lt3A_260, %get3A_243, %select_n3A_265 : vector<32x32xi1>, vector<32x32xf32>
        %swap3A_267 = arith.constant 64 : index
        %swap3A_268 = arith.constant 0 : index
        %swap3A_269 = vector.load %arg5[%swap3A_267, %swap3A_268] : memref<128x32xf32, #tpu.memory_space<vmem>>, vector<32x32xf32>
        tpu.vector_store %arg5[%swap3A_267, %swap3A_268], %select_n3A_266 {strides = array<i32>} : memref<128x32xf32, #tpu.memory_space<vmem>>, vector<32x32xf32>,
        %lt3A_270 = vector.broadcast %broadcast_in_dim3A_252 : vector<32x1xi32> to vector<32x32xi32>
        %lt3A_271 = arith.cmpi slt, %slice3A_80, %lt3A_270 : vector<32x32xi32>
        %eq3A_272 = vector.broadcast %broadcast_in_dim3A_252 : vector<32x1xi32> to vector<32x32xi32>
        %eq3A_273 = arith.cmpi eq, %slice3A_80, %eq3A_272 : vector<32x32xi32>
        %broadcast_in_dim3A_274 = vector.shape_cast %broadcast_in_dim3A_232 : vector<32x1xf32> to vector<32x1xf32>
        %broadcast_in_dim3A_275 = vector.broadcast %broadcast_in_dim3A_274 : vector<32x1xf32> to vector<32x32xf32>
        %select_n3A_276 = arith.select %eq3A_273, %broadcast_in_dim3A_275, %concatenate3A_258 : vector<32x32xi1>, vector<32x32xf32>
        %select_n3A_277 = arith.select %lt3A_271, %get3A_246, %select_n3A_276 : vector<32x32xi1>, vector<32x32xf32>
        %swap3A_278 = arith.constant 64 : index
        %swap3A_279 = arith.constant 0 : index
        %swap3A_280 = vector.load %arg6[%swap3A_278, %swap3A_279] : memref<128x32xf32, #tpu.memory_space<vmem>>, vector<32x32xf32>
        tpu.vector_store %arg6[%swap3A_278, %swap3A_279], %select_n3A_277 {strides = array<i32>} : memref<128x32xf32, #tpu.memory_space<vmem>>, vector<32x32xf32>,
        %get3A_281 = arith.constant 96 : index
        %get3A_282 = arith.constant 0 : index
        %get3A_283 = vector.load %arg7[%get3A_281, %get3A_282] : memref<128x1024xf32, #tpu.memory_space<vmem>>, vector<32x1024xf32>
        %get3A_284 = arith.constant 96 : index
        %get3A_285 = arith.constant 0 : index
        %get3A_286 = vector.load %arg8[%get3A_284, %get3A_285] : memref<128x1024xf32, #tpu.memory_space<vmem>>, vector<32x1024xf32>
        %reduce_min3A_287 = arith.constant dense<0x7F800000> : vector<32xf32>
        %reduce_min3A_288 = vector.multi_reduction <minimumf>, %get3A_283, %reduce_min3A_287 [1] : vector<32x1024xf32> to vector<32xf32>
        %broadcast_in_dim3A_289 = vector.shape_cast %reduce_min3A_288 : vector<32xf32> to vector<32x1xf32>
        %eq3A_290 = vector.broadcast %broadcast_in_dim3A_289 : vector<32x1xf32> to vector<32x1024xf32>
        %eq3A_291 = arith.cmpf oeq, %get3A_283, %eq3A_290 : vector<32x1024xf32>
        %jit3A_292 = arith.constant 1.000000e+09 : f32
        %broadcast_in_dim3A_293 = vector.broadcast %jit3A_292 : f32 to vector<32x1024xf32>
        %select_n3A_294 = arith.select %eq3A_291, %get3A_286, %broadcast_in_dim3A_293 : vector<32x1024xi1>, vector<32x1024xf32>
        %reduce_min3A_295 = arith.constant dense<0x7F800000> : vector<32xf32>
        %reduce_min3A_296 = vector.multi_reduction <minimumf>, %select_n3A_294, %reduce_min3A_295 [1] : vector<32x1024xf32> to vector<32xf32>
        %broadcast_in_dim3A_297 = vector.shape_cast %reduce_min3A_296 : vector<32xf32> to vector<32x1xf32>
        %eq3A_298 = vector.broadcast %broadcast_in_dim3A_297 : vector<32x1xf32> to vector<32x1024xf32>
        %eq3A_299 = arith.cmpf oeq, %get3A_286, %eq3A_298 : vector<32x1024xf32>
        %jit3A_300 = arith.constant 1.000000e+30 : f32
        %broadcast_in_dim3A_301 = vector.broadcast %jit3A_300 : f32 to vector<32x1024xf32>
        %select_n3A_302 = arith.select %eq3A_299, %broadcast_in_dim3A_301, %get3A_283 : vector<32x1024xi1>, vector<32x1024xf32>
        %swap3A_303 = arith.constant 96 : index
        %swap3A_304 = arith.constant 0 : index
        %swap3A_305 = vector.load %arg7[%swap3A_303, %swap3A_304] : memref<128x1024xf32, #tpu.memory_space<vmem>>, vector<32x1024xf32>
        tpu.vector_store %arg7[%swap3A_303, %swap3A_304], %select_n3A_302 {strides = array<i32>} : memref<128x1024xf32, #tpu.memory_space<vmem>>, vector<32x1024xf32>,
        %get3A_306 = arith.constant 96 : index
        %get3A_307 = arith.constant 0 : index
        %get3A_308 = vector.load %arg5[%get3A_306, %get3A_307] : memref<128x32xf32, #tpu.memory_space<vmem>>, vector<32x32xf32>
        %get3A_309 = arith.constant 96 : index
        %get3A_310 = arith.constant 0 : index
        %get3A_311 = vector.load %arg6[%get3A_309, %get3A_310] : memref<128x32xf32, #tpu.memory_space<vmem>>, vector<32x32xf32>
        %le3A_312 = vector.broadcast %broadcast_in_dim3A_289 : vector<32x1xf32> to vector<32x32xf32>
        %le3A_313 = arith.cmpf ole, %get3A_308, %le3A_312 : vector<32x32xf32>
        %convert_element_type3A_314 = arith.extui %le3A_313 : vector<32x32xi1> to vector<32x32xi32>
        %reduce_sum3A_315 = arith.constant dense<0> : vector<32xi32>
        %reduce_sum3A_316 = vector.multi_reduction <add>, %convert_element_type3A_314, %reduce_sum3A_315 [1] : vector<32x32xi32> to vector<32xi32>
        %broadcast_in_dim3A_317 = vector.shape_cast %reduce_sum3A_316 : vector<32xi32> to vector<32x1xi32>
        %slice3A_318 = vector.extract_strided_slice %get3A_308 {offsets = [0, 0], sizes = [32, 1], strides = [1, 1]} : vector<32x32xf32> to vector<32x1xf32>
        %slice3A_319 = vector.extract_strided_slice %get3A_308 {offsets = [0, 0], sizes = [32, 31], strides = [1, 1]} : vector<32x32xf32> to vector<32x31xf32>
        %concatenate3A_320 = tpu.concatenate %slice3A_318, %slice3A_319 in 1 : vector<32x1xf32>, vector<32x31xf32> -> vector<32x32xf32>
        %slice3A_321 = vector.extract_strided_slice %get3A_311 {offsets = [0, 0], sizes = [32, 1], strides = [1, 1]} : vector<32x32xf32> to vector<32x1xf32>
        %slice3A_322 = vector.extract_strided_slice %get3A_311 {offsets = [0, 0], sizes = [32, 31], strides = [1, 1]} : vector<32x32xf32> to vector<32x31xf32>
        %concatenate3A_323 = tpu.concatenate %slice3A_321, %slice3A_322 in 1 : vector<32x1xf32>, vector<32x31xf32> -> vector<32x32xf32>
        %lt3A_324 = vector.broadcast %broadcast_in_dim3A_317 : vector<32x1xi32> to vector<32x32xi32>
        %lt3A_325 = arith.cmpi slt, %slice3A_80, %lt3A_324 : vector<32x32xi32>
        %eq3A_326 = vector.broadcast %broadcast_in_dim3A_317 : vector<32x1xi32> to vector<32x32xi32>
        %eq3A_327 = arith.cmpi eq, %slice3A_80, %eq3A_326 : vector<32x32xi32>
        %broadcast_in_dim3A_328 = vector.shape_cast %broadcast_in_dim3A_289 : vector<32x1xf32> to vector<32x1xf32>
        %broadcast_in_dim3A_329 = vector.broadcast %broadcast_in_dim3A_328 : vector<32x1xf32> to vector<32x32xf32>
        %select_n3A_330 = arith.select %eq3A_327, %broadcast_in_dim3A_329, %concatenate3A_320 : vector<32x32xi1>, vector<32x32xf32>
        %select_n3A_331 = arith.select %lt3A_325, %get3A_308, %select_n3A_330 : vector<32x32xi1>, vector<32x32xf32>
        %swap3A_332 = arith.constant 96 : index
        %swap3A_333 = arith.constant 0 : index
        %swap3A_334 = vector.load %arg5[%swap3A_332, %swap3A_333] : memref<128x32xf32, #tpu.memory_space<vmem>>, vector<32x32xf32>
        tpu.vector_store %arg5[%swap3A_332, %swap3A_333], %select_n3A_331 {strides = array<i32>} : memref<128x32xf32, #tpu.memory_space<vmem>>, vector<32x32xf32>,
        %lt3A_335 = vector.broadcast %broadcast_in_dim3A_317 : vector<32x1xi32> to vector<32x32xi32>
        %lt3A_336 = arith.cmpi slt, %slice3A_80, %lt3A_335 : vector<32x32xi32>
        %eq3A_337 = vector.broadcast %broadcast_in_dim3A_317 : vector<32x1xi32> to vector<32x32xi32>
        %eq3A_338 = arith.cmpi eq, %slice3A_80, %eq3A_337 : vector<32x32xi32>
        %broadcast_in_dim3A_339 = vector.shape_cast %broadcast_in_dim3A_297 : vector<32x1xf32> to vector<32x1xf32>
        %broadcast_in_dim3A_340 = vector.broadcast %broadcast_in_dim3A_339 : vector<32x1xf32> to vector<32x32xf32>
        %select_n3A_341 = arith.select %eq3A_338, %broadcast_in_dim3A_340, %concatenate3A_323 : vector<32x32xi1>, vector<32x32xf32>
        %select_n3A_342 = arith.select %lt3A_336, %get3A_311, %select_n3A_341 : vector<32x32xi1>, vector<32x32xf32>
        %swap3A_343 = arith.constant 96 : index
        %swap3A_344 = arith.constant 0 : index
        %swap3A_345 = vector.load %arg6[%swap3A_343, %swap3A_344] : memref<128x32xf32, #tpu.memory_space<vmem>>, vector<32x32xf32>
        tpu.vector_store %arg6[%swap3A_343, %swap3A_344], %select_n3A_342 {strides = array<i32>} : memref<128x32xf32, #tpu.memory_space<vmem>>, vector<32x32xf32>,
      }
      %while3A_89 = arith.constant 1 : i32
      scf.for %while3A_90 = %while3A_87 to %while3A_83 step %while3A_89  : i32 {
        %get3A_91 = arith.constant 0 : index
        %get3A_92 = arith.constant 0 : index
        %get3A_93 = vector.load %arg7[%get3A_91, %get3A_92] : memref<128x1024xf32, #tpu.memory_space<vmem>>, vector<32x1024xf32>
        %get3A_94 = arith.constant 0 : index
        %get3A_95 = arith.constant 0 : index
        %get3A_96 = vector.load %arg8[%get3A_94, %get3A_95] : memref<128x1024xf32, #tpu.memory_space<vmem>>, vector<32x1024xf32>
        %reduce_min3A = arith.constant dense<0x7F800000> : vector<32xf32>
        %reduce_min3A_97 = vector.multi_reduction <minimumf>, %get3A_93, %reduce_min3A [1] : vector<32x1024xf32> to vector<32xf32>
        %broadcast_in_dim3A_98 = vector.shape_cast %reduce_min3A_97 : vector<32xf32> to vector<32x1xf32>
        %eq3A_99 = vector.broadcast %broadcast_in_dim3A_98 : vector<32x1xf32> to vector<32x1024xf32>
        %eq3A_100 = arith.cmpf oeq, %get3A_93, %eq3A_99 : vector<32x1024xf32>
        %jit3A = arith.constant 1.000000e+09 : f32
        %broadcast_in_dim3A_101 = vector.broadcast %jit3A : f32 to vector<32x1024xf32>
        %select_n3A = arith.select %eq3A_100, %get3A_96, %broadcast_in_dim3A_101 : vector<32x1024xi1>, vector<32x1024xf32>
        %reduce_min3A_102 = arith.constant dense<0x7F800000> : vector<32xf32>
        %reduce_min3A_103 = vector.multi_reduction <minimumf>, %select_n3A, %reduce_min3A_102 [1] : vector<32x1024xf32> to vector<32xf32>
        %broadcast_in_dim3A_104 = vector.shape_cast %reduce_min3A_103 : vector<32xf32> to vector<32x1xf32>
        %eq3A_105 = vector.broadcast %broadcast_in_dim3A_104 : vector<32x1xf32> to vector<32x1024xf32>
        %eq3A_106 = arith.cmpf oeq, %get3A_96, %eq3A_105 : vector<32x1024xf32>
        %jit3A_107 = arith.constant 1.000000e+30 : f32
        %broadcast_in_dim3A_108 = vector.broadcast %jit3A_107 : f32 to vector<32x1024xf32>
        %select_n3A_109 = arith.select %eq3A_106, %broadcast_in_dim3A_108, %get3A_93 : vector<32x1024xi1>, vector<32x1024xf32>
        %swap3A_110 = arith.constant 0 : index
        %swap3A_111 = arith.constant 0 : index
        %swap3A_112 = vector.load %arg7[%swap3A_110, %swap3A_111] : memref<128x1024xf32, #tpu.memory_space<vmem>>, vector<32x1024xf32>
        tpu.vector_store %arg7[%swap3A_110, %swap3A_111], %select_n3A_109 {strides = array<i32>} : memref<128x1024xf32, #tpu.memory_space<vmem>>, vector<32x1024xf32>,
        %get3A_113 = arith.constant 0 : index
        %get3A_114 = arith.constant 0 : index
        %get3A_115 = vector.load %arg5[%get3A_113, %get3A_114] : memref<128x32xf32, #tpu.memory_space<vmem>>, vector<32x32xf32>
        %get3A_116 = arith.constant 0 : index
        %get3A_117 = arith.constant 0 : index
        %get3A_118 = vector.load %arg6[%get3A_116, %get3A_117] : memref<128x32xf32, #tpu.memory_space<vmem>>, vector<32x32xf32>
        %le3A = vector.broadcast %broadcast_in_dim3A_98 : vector<32x1xf32> to vector<32x32xf32>
        %le3A_119 = arith.cmpf ole, %get3A_115, %le3A : vector<32x32xf32>
        %convert_element_type3A_120 = arith.extui %le3A_119 : vector<32x32xi1> to vector<32x32xi32>
        %reduce_sum3A_121 = arith.constant dense<0> : vector<32xi32>
        %reduce_sum3A_122 = vector.multi_reduction <add>, %convert_element_type3A_120, %reduce_sum3A_121 [1] : vector<32x32xi32> to vector<32xi32>
        %broadcast_in_dim3A_123 = vector.shape_cast %reduce_sum3A_122 : vector<32xi32> to vector<32x1xi32>
        %slice3A_124 = vector.extract_strided_slice %get3A_115 {offsets = [0, 0], sizes = [32, 1], strides = [1, 1]} : vector<32x32xf32> to vector<32x1xf32>
        %slice3A_125 = vector.extract_strided_slice %get3A_115 {offsets = [0, 0], sizes = [32, 31], strides = [1, 1]} : vector<32x32xf32> to vector<32x31xf32>
        %concatenate3A = tpu.concatenate %slice3A_124, %slice3A_125 in 1 : vector<32x1xf32>, vector<32x31xf32> -> vector<32x32xf32>
        %slice3A_126 = vector.extract_strided_slice %get3A_118 {offsets = [0, 0], sizes = [32, 1], strides = [1, 1]} : vector<32x32xf32> to vector<32x1xf32>
        %slice3A_127 = vector.extract_strided_slice %get3A_118 {offsets = [0, 0], sizes = [32, 31], strides = [1, 1]} : vector<32x32xf32> to vector<32x31xf32>
        %concatenate3A_128 = tpu.concatenate %slice3A_126, %slice3A_127 in 1 : vector<32x1xf32>, vector<32x31xf32> -> vector<32x32xf32>
        %lt3A_129 = vector.broadcast %broadcast_in_dim3A_123 : vector<32x1xi32> to vector<32x32xi32>
        %lt3A_130 = arith.cmpi slt, %slice3A_80, %lt3A_129 : vector<32x32xi32>
        %eq3A_131 = vector.broadcast %broadcast_in_dim3A_123 : vector<32x1xi32> to vector<32x32xi32>
        %eq3A_132 = arith.cmpi eq, %slice3A_80, %eq3A_131 : vector<32x32xi32>
        %broadcast_in_dim3A_133 = vector.shape_cast %broadcast_in_dim3A_98 : vector<32x1xf32> to vector<32x1xf32>
        %broadcast_in_dim3A_134 = vector.broadcast %broadcast_in_dim3A_133 : vector<32x1xf32> to vector<32x32xf32>
        %select_n3A_135 = arith.select %eq3A_132, %broadcast_in_dim3A_134, %concatenate3A : vector<32x32xi1>, vector<32x32xf32>
        %select_n3A_136 = arith.select %lt3A_130, %get3A_115, %select_n3A_135 : vector<32x32xi1>, vector<32x32xf32>
        %swap3A_137 = arith.constant 0 : index
        %swap3A_138 = arith.constant 0 : index
        %swap3A_139 = vector.load %arg5[%swap3A_137, %swap3A_138] : memref<128x32xf32, #tpu.memory_space<vmem>>, vector<32x32xf32>
        tpu.vector_store %arg5[%swap3A_137, %swap3A_138], %select_n3A_136 {strides = array<i32>} : memref<128x32xf32, #tpu.memory_space<vmem>>, vector<32x32xf32>,
        %lt3A_140 = vector.broadcast %broadcast_in_dim3A_123 : vector<32x1xi32> to vector<32x32xi32>
        %lt3A_141 = arith.cmpi slt, %slice3A_80, %lt3A_140 : vector<32x32xi32>
        %eq3A_142 = vector.broadcast %broadcast_in_dim3A_123 : vector<32x1xi32> to vector<32x32xi32>
        %eq3A_143 = arith.cmpi eq, %slice3A_80, %eq3A_142 : vector<32x32xi32>
        %broadcast_in_dim3A_144 = vector.shape_cast %broadcast_in_dim3A_104 : vector<32x1xf32> to vector<32x1xf32>
        %broadcast_in_dim3A_145 = vector.broadcast %broadcast_in_dim3A_144 : vector<32x1xf32> to vector<32x32xf32>
        %select_n3A_146 = arith.select %eq3A_143, %broadcast_in_dim3A_145, %concatenate3A_128 : vector<32x32xi1>, vector<32x32xf32>
        %select_n3A_147 = arith.select %lt3A_141, %get3A_118, %select_n3A_146 : vector<32x32xi1>, vector<32x32xf32>
        %swap3A_148 = arith.constant 0 : index
        %swap3A_149 = arith.constant 0 : index
        %swap3A_150 = vector.load %arg6[%swap3A_148, %swap3A_149] : memref<128x32xf32, #tpu.memory_space<vmem>>, vector<32x32xf32>
        tpu.vector_store %arg6[%swap3A_148, %swap3A_149], %select_n3A_147 {strides = array<i32>} : memref<128x32xf32, #tpu.memory_space<vmem>>, vector<32x32xf32>,
        %get3A_151 = arith.constant 32 : index
        %get3A_152 = arith.constant 0 : index
        %get3A_153 = vector.load %arg7[%get3A_151, %get3A_152] : memref<128x1024xf32, #tpu.memory_space<vmem>>, vector<32x1024xf32>
        %get3A_154 = arith.constant 32 : index
        %get3A_155 = arith.constant 0 : index
        %get3A_156 = vector.load %arg8[%get3A_154, %get3A_155] : memref<128x1024xf32, #tpu.memory_space<vmem>>, vector<32x1024xf32>
        %reduce_min3A_157 = arith.constant dense<0x7F800000> : vector<32xf32>
        %reduce_min3A_158 = vector.multi_reduction <minimumf>, %get3A_153, %reduce_min3A_157 [1] : vector<32x1024xf32> to vector<32xf32>
        %broadcast_in_dim3A_159 = vector.shape_cast %reduce_min3A_158 : vector<32xf32> to vector<32x1xf32>
        %eq3A_160 = vector.broadcast %broadcast_in_dim3A_159 : vector<32x1xf32> to vector<32x1024xf32>
        %eq3A_161 = arith.cmpf oeq, %get3A_153, %eq3A_160 : vector<32x1024xf32>
        %jit3A_162 = arith.constant 1.000000e+09 : f32
        %broadcast_in_dim3A_163 = vector.broadcast %jit3A_162 : f32 to vector<32x1024xf32>
        %select_n3A_164 = arith.select %eq3A_161, %get3A_156, %broadcast_in_dim3A_163 : vector<32x1024xi1>, vector<32x1024xf32>
        %reduce_min3A_165 = arith.constant dense<0x7F800000> : vector<32xf32>
        %reduce_min3A_166 = vector.multi_reduction <minimumf>, %select_n3A_164, %reduce_min3A_165 [1] : vector<32x1024xf32> to vector<32xf32>
        %broadcast_in_dim3A_167 = vector.shape_cast %reduce_min3A_166 : vector<32xf32> to vector<32x1xf32>
        %eq3A_168 = vector.broadcast %broadcast_in_dim3A_167 : vector<32x1xf32> to vector<32x1024xf32>
        %eq3A_169 = arith.cmpf oeq, %get3A_156, %eq3A_168 : vector<32x1024xf32>
        %jit3A_170 = arith.constant 1.000000e+30 : f32
        %broadcast_in_dim3A_171 = vector.broadcast %jit3A_170 : f32 to vector<32x1024xf32>
        %select_n3A_172 = arith.select %eq3A_169, %broadcast_in_dim3A_171, %get3A_153 : vector<32x1024xi1>, vector<32x1024xf32>
        %swap3A_173 = arith.constant 32 : index
        %swap3A_174 = arith.constant 0 : index
        %swap3A_175 = vector.load %arg7[%swap3A_173, %swap3A_174] : memref<128x1024xf32, #tpu.memory_space<vmem>>, vector<32x1024xf32>
        tpu.vector_store %arg7[%swap3A_173, %swap3A_174], %select_n3A_172 {strides = array<i32>} : memref<128x1024xf32, #tpu.memory_space<vmem>>, vector<32x1024xf32>,
        %get3A_176 = arith.constant 32 : index
        %get3A_177 = arith.constant 0 : index
        %get3A_178 = vector.load %arg5[%get3A_176, %get3A_177] : memref<128x32xf32, #tpu.memory_space<vmem>>, vector<32x32xf32>
        %get3A_179 = arith.constant 32 : index
        %get3A_180 = arith.constant 0 : index
        %get3A_181 = vector.load %arg6[%get3A_179, %get3A_180] : memref<128x32xf32, #tpu.memory_space<vmem>>, vector<32x32xf32>
        %le3A_182 = vector.broadcast %broadcast_in_dim3A_159 : vector<32x1xf32> to vector<32x32xf32>
        %le3A_183 = arith.cmpf ole, %get3A_178, %le3A_182 : vector<32x32xf32>
        %convert_element_type3A_184 = arith.extui %le3A_183 : vector<32x32xi1> to vector<32x32xi32>
        %reduce_sum3A_185 = arith.constant dense<0> : vector<32xi32>
        %reduce_sum3A_186 = vector.multi_reduction <add>, %convert_element_type3A_184, %reduce_sum3A_185 [1] : vector<32x32xi32> to vector<32xi32>
        %broadcast_in_dim3A_187 = vector.shape_cast %reduce_sum3A_186 : vector<32xi32> to vector<32x1xi32>
        %slice3A_188 = vector.extract_strided_slice %get3A_178 {offsets = [0, 0], sizes = [32, 1], strides = [1, 1]} : vector<32x32xf32> to vector<32x1xf32>
        %slice3A_189 = vector.extract_strided_slice %get3A_178 {offsets = [0, 0], sizes = [32, 31], strides = [1, 1]} : vector<32x32xf32> to vector<32x31xf32>
        %concatenate3A_190 = tpu.concatenate %slice3A_188, %slice3A_189 in 1 : vector<32x1xf32>, vector<32x31xf32> -> vector<32x32xf32>
        %slice3A_191 = vector.extract_strided_slice %get3A_181 {offsets = [0, 0], sizes = [32, 1], strides = [1, 1]} : vector<32x32xf32> to vector<32x1xf32>
        %slice3A_192 = vector.extract_strided_slice %get3A_181 {offsets = [0, 0], sizes = [32, 31], strides = [1, 1]} : vector<32x32xf32> to vector<32x31xf32>
        %concatenate3A_193 = tpu.concatenate %slice3A_191, %slice3A_192 in 1 : vector<32x1xf32>, vector<32x31xf32> -> vector<32x32xf32>
        %lt3A_194 = vector.broadcast %broadcast_in_dim3A_187 : vector<32x1xi32> to vector<32x32xi32>
        %lt3A_195 = arith.cmpi slt, %slice3A_80, %lt3A_194 : vector<32x32xi32>
        %eq3A_196 = vector.broadcast %broadcast_in_dim3A_187 : vector<32x1xi32> to vector<32x32xi32>
        %eq3A_197 = arith.cmpi eq, %slice3A_80, %eq3A_196 : vector<32x32xi32>
        %broadcast_in_dim3A_198 = vector.shape_cast %broadcast_in_dim3A_159 : vector<32x1xf32> to vector<32x1xf32>
        %broadcast_in_dim3A_199 = vector.broadcast %broadcast_in_dim3A_198 : vector<32x1xf32> to vector<32x32xf32>
        %select_n3A_200 = arith.select %eq3A_197, %broadcast_in_dim3A_199, %concatenate3A_190 : vector<32x32xi1>, vector<32x32xf32>
        %select_n3A_201 = arith.select %lt3A_195, %get3A_178, %select_n3A_200 : vector<32x32xi1>, vector<32x32xf32>
        %swap3A_202 = arith.constant 32 : index
        %swap3A_203 = arith.constant 0 : index
        %swap3A_204 = vector.load %arg5[%swap3A_202, %swap3A_203] : memref<128x32xf32, #tpu.memory_space<vmem>>, vector<32x32xf32>
        tpu.vector_store %arg5[%swap3A_202, %swap3A_203], %select_n3A_201 {strides = array<i32>} : memref<128x32xf32, #tpu.memory_space<vmem>>, vector<32x32xf32>,
        %lt3A_205 = vector.broadcast %broadcast_in_dim3A_187 : vector<32x1xi32> to vector<32x32xi32>
        %lt3A_206 = arith.cmpi slt, %slice3A_80, %lt3A_205 : vector<32x32xi32>
        %eq3A_207 = vector.broadcast %broadcast_in_dim3A_187 : vector<32x1xi32> to vector<32x32xi32>
        %eq3A_208 = arith.cmpi eq, %slice3A_80, %eq3A_207 : vector<32x32xi32>
        %broadcast_in_dim3A_209 = vector.shape_cast %broadcast_in_dim3A_167 : vector<32x1xf32> to vector<32x1xf32>
        %broadcast_in_dim3A_210 = vector.broadcast %broadcast_in_dim3A_209 : vector<32x1xf32> to vector<32x32xf32>
        %select_n3A_211 = arith.select %eq3A_208, %broadcast_in_dim3A_210, %concatenate3A_193 : vector<32x32xi1>, vector<32x32xf32>
        %select_n3A_212 = arith.select %lt3A_206, %get3A_181, %select_n3A_211 : vector<32x32xi1>, vector<32x32xf32>
        %swap3A_213 = arith.constant 32 : index
        %swap3A_214 = arith.constant 0 : index
        %swap3A_215 = vector.load %arg6[%swap3A_213, %swap3A_214] : memref<128x32xf32, #tpu.memory_space<vmem>>, vector<32x32xf32>
        tpu.vector_store %arg6[%swap3A_213, %swap3A_214], %select_n3A_212 {strides = array<i32>} : memref<128x32xf32, #tpu.memory_space<vmem>>, vector<32x32xf32>,
        %get3A_216 = arith.constant 64 : index
        %get3A_217 = arith.constant 0 : index
        %get3A_218 = vector.load %arg7[%get3A_216, %get3A_217] : memref<128x1024xf32, #tpu.memory_space<vmem>>, vector<32x1024xf32>
        %get3A_219 = arith.constant 64 : index
        %get3A_220 = arith.constant 0 : index
        %get3A_221 = vector.load %arg8[%get3A_219, %get3A_220] : memref<128x1024xf32, #tpu.memory_space<vmem>>, vector<32x1024xf32>
        %reduce_min3A_222 = arith.constant dense<0x7F800000> : vector<32xf32>
        %reduce_min3A_223 = vector.multi_reduction <minimumf>, %get3A_218, %reduce_min3A_222 [1] : vector<32x1024xf32> to vector<32xf32>
        %broadcast_in_dim3A_224 = vector.shape_cast %reduce_min3A_223 : vector<32xf32> to vector<32x1xf32>
        %eq3A_225 = vector.broadcast %broadcast_in_dim3A_224 : vector<32x1xf32> to vector<32x1024xf32>
        %eq3A_226 = arith.cmpf oeq, %get3A_218, %eq3A_225 : vector<32x1024xf32>
        %jit3A_227 = arith.constant 1.000000e+09 : f32
        %broadcast_in_dim3A_228 = vector.broadcast %jit3A_227 : f32 to vector<32x1024xf32>
        %select_n3A_229 = arith.select %eq3A_226, %get3A_221, %broadcast_in_dim3A_228 : vector<32x1024xi1>, vector<32x1024xf32>
        %reduce_min3A_230 = arith.constant dense<0x7F800000> : vector<32xf32>
        %reduce_min3A_231 = vector.multi_reduction <minimumf>, %select_n3A_229, %reduce_min3A_230 [1] : vector<32x1024xf32> to vector<32xf32>
        %broadcast_in_dim3A_232 = vector.shape_cast %reduce_min3A_231 : vector<32xf32> to vector<32x1xf32>
        %eq3A_233 = vector.broadcast %broadcast_in_dim3A_232 : vector<32x1xf32> to vector<32x1024xf32>
        %eq3A_234 = arith.cmpf oeq, %get3A_221, %eq3A_233 : vector<32x1024xf32>
        %jit3A_235 = arith.constant 1.000000e+30 : f32
        %broadcast_in_dim3A_236 = vector.broadcast %jit3A_235 : f32 to vector<32x1024xf32>
        %select_n3A_237 = arith.select %eq3A_234, %broadcast_in_dim3A_236, %get3A_218 : vector<32x1024xi1>, vector<32x1024xf32>
        %swap3A_238 = arith.constant 64 : index
        %swap3A_239 = arith.constant 0 : index
        %swap3A_240 = vector.load %arg7[%swap3A_238, %swap3A_239] : memref<128x1024xf32, #tpu.memory_space<vmem>>, vector<32x1024xf32>
        tpu.vector_store %arg7[%swap3A_238, %swap3A_239], %select_n3A_237 {strides = array<i32>} : memref<128x1024xf32, #tpu.memory_space<vmem>>, vector<32x1024xf32>,
        %get3A_241 = arith.constant 64 : index
        %get3A_242 = arith.constant 0 : index
        %get3A_243 = vector.load %arg5[%get3A_241, %get3A_242] : memref<128x32xf32, #tpu.memory_space<vmem>>, vector<32x32xf32>
        %get3A_244 = arith.constant 64 : index
        %get3A_245 = arith.constant 0 : index
        %get3A_246 = vector.load %arg6[%get3A_244, %get3A_245] : memref<128x32xf32, #tpu.memory_space<vmem>>, vector<32x32xf32>
        %le3A_247 = vector.broadcast %broadcast_in_dim3A_224 : vector<32x1xf32> to vector<32x32xf32>
        %le3A_248 = arith.cmpf ole, %get3A_243, %le3A_247 : vector<32x32xf32>
        %convert_element_type3A_249 = arith.extui %le3A_248 : vector<32x32xi1> to vector<32x32xi32>
        %reduce_sum3A_250 = arith.constant dense<0> : vector<32xi32>
        %reduce_sum3A_251 = vector.multi_reduction <add>, %convert_element_type3A_249, %reduce_sum3A_250 [1] : vector<32x32xi32> to vector<32xi32>
        %broadcast_in_dim3A_252 = vector.shape_cast %reduce_sum3A_251 : vector<32xi32> to vector<32x1xi32>
        %slice3A_253 = vector.extract_strided_slice %get3A_243 {offsets = [0, 0], sizes = [32, 1], strides = [1, 1]} : vector<32x32xf32> to vector<32x1xf32>
        %slice3A_254 = vector.extract_strided_slice %get3A_243 {offsets = [0, 0], sizes = [32, 31], strides = [1, 1]} : vector<32x32xf32> to vector<32x31xf32>
        %concatenate3A_255 = tpu.concatenate %slice3A_253, %slice3A_254 in 1 : vector<32x1xf32>, vector<32x31xf32> -> vector<32x32xf32>
        %slice3A_256 = vector.extract_strided_slice %get3A_246 {offsets = [0, 0], sizes = [32, 1], strides = [1, 1]} : vector<32x32xf32> to vector<32x1xf32>
        %slice3A_257 = vector.extract_strided_slice %get3A_246 {offsets = [0, 0], sizes = [32, 31], strides = [1, 1]} : vector<32x32xf32> to vector<32x31xf32>
        %concatenate3A_258 = tpu.concatenate %slice3A_256, %slice3A_257 in 1 : vector<32x1xf32>, vector<32x31xf32> -> vector<32x32xf32>
        %lt3A_259 = vector.broadcast %broadcast_in_dim3A_252 : vector<32x1xi32> to vector<32x32xi32>
        %lt3A_260 = arith.cmpi slt, %slice3A_80, %lt3A_259 : vector<32x32xi32>
        %eq3A_261 = vector.broadcast %broadcast_in_dim3A_252 : vector<32x1xi32> to vector<32x32xi32>
        %eq3A_262 = arith.cmpi eq, %slice3A_80, %eq3A_261 : vector<32x32xi32>
        %broadcast_in_dim3A_263 = vector.shape_cast %broadcast_in_dim3A_224 : vector<32x1xf32> to vector<32x1xf32>
        %broadcast_in_dim3A_264 = vector.broadcast %broadcast_in_dim3A_263 : vector<32x1xf32> to vector<32x32xf32>
        %select_n3A_265 = arith.select %eq3A_262, %broadcast_in_dim3A_264, %concatenate3A_255 : vector<32x32xi1>, vector<32x32xf32>
        %select_n3A_266 = arith.select %lt3A_260, %get3A_243, %select_n3A_265 : vector<32x32xi1>, vector<32x32xf32>
        %swap3A_267 = arith.constant 64 : index
        %swap3A_268 = arith.constant 0 : index
        %swap3A_269 = vector.load %arg5[%swap3A_267, %swap3A_268] : memref<128x32xf32, #tpu.memory_space<vmem>>, vector<32x32xf32>
        tpu.vector_store %arg5[%swap3A_267, %swap3A_268], %select_n3A_266 {strides = array<i32>} : memref<128x32xf32, #tpu.memory_space<vmem>>, vector<32x32xf32>,
        %lt3A_270 = vector.broadcast %broadcast_in_dim3A_252 : vector<32x1xi32> to vector<32x32xi32>
        %lt3A_271 = arith.cmpi slt, %slice3A_80, %lt3A_270 : vector<32x32xi32>
        %eq3A_272 = vector.broadcast %broadcast_in_dim3A_252 : vector<32x1xi32> to vector<32x32xi32>
        %eq3A_273 = arith.cmpi eq, %slice3A_80, %eq3A_272 : vector<32x32xi32>
        %broadcast_in_dim3A_274 = vector.shape_cast %broadcast_in_dim3A_232 : vector<32x1xf32> to vector<32x1xf32>
        %broadcast_in_dim3A_275 = vector.broadcast %broadcast_in_dim3A_274 : vector<32x1xf32> to vector<32x32xf32>
        %select_n3A_276 = arith.select %eq3A_273, %broadcast_in_dim3A_275, %concatenate3A_258 : vector<32x32xi1>, vector<32x32xf32>
        %select_n3A_277 = arith.select %lt3A_271, %get3A_246, %select_n3A_276 : vector<32x32xi1>, vector<32x32xf32>
        %swap3A_278 = arith.constant 64 : index
        %swap3A_279 = arith.constant 0 : index
        %swap3A_280 = vector.load %arg6[%swap3A_278, %swap3A_279] : memref<128x32xf32, #tpu.memory_space<vmem>>, vector<32x32xf32>
        tpu.vector_store %arg6[%swap3A_278, %swap3A_279], %select_n3A_277 {strides = array<i32>} : memref<128x32xf32, #tpu.memory_space<vmem>>, vector<32x32xf32>,
        %get3A_281 = arith.constant 96 : index
        %get3A_282 = arith.constant 0 : index
        %get3A_283 = vector.load %arg7[%get3A_281, %get3A_282] : memref<128x1024xf32, #tpu.memory_space<vmem>>, vector<32x1024xf32>
        %get3A_284 = arith.constant 96 : index
        %get3A_285 = arith.constant 0 : index
        %get3A_286 = vector.load %arg8[%get3A_284, %get3A_285] : memref<128x1024xf32, #tpu.memory_space<vmem>>, vector<32x1024xf32>
        %reduce_min3A_287 = arith.constant dense<0x7F800000> : vector<32xf32>
        %reduce_min3A_288 = vector.multi_reduction <minimumf>, %get3A_283, %reduce_min3A_287 [1] : vector<32x1024xf32> to vector<32xf32>
        %broadcast_in_dim3A_289 = vector.shape_cast %reduce_min3A_288 : vector<32xf32> to vector<32x1xf32>
        %eq3A_290 = vector.broadcast %broadcast_in_dim3A_289 : vector<32x1xf32> to vector<32x1024xf32>
        %eq3A_291 = arith.cmpf oeq, %get3A_283, %eq3A_290 : vector<32x1024xf32>
        %jit3A_292 = arith.constant 1.000000e+09 : f32
        %broadcast_in_dim3A_293 = vector.broadcast %jit3A_292 : f32 to vector<32x1024xf32>
        %select_n3A_294 = arith.select %eq3A_291, %get3A_286, %broadcast_in_dim3A_293 : vector<32x1024xi1>, vector<32x1024xf32>
        %reduce_min3A_295 = arith.constant dense<0x7F800000> : vector<32xf32>
        %reduce_min3A_296 = vector.multi_reduction <minimumf>, %select_n3A_294, %reduce_min3A_295 [1] : vector<32x1024xf32> to vector<32xf32>
        %broadcast_in_dim3A_297 = vector.shape_cast %reduce_min3A_296 : vector<32xf32> to vector<32x1xf32>
        %eq3A_298 = vector.broadcast %broadcast_in_dim3A_297 : vector<32x1xf32> to vector<32x1024xf32>
        %eq3A_299 = arith.cmpf oeq, %get3A_286, %eq3A_298 : vector<32x1024xf32>
        %jit3A_300 = arith.constant 1.000000e+30 : f32
        %broadcast_in_dim3A_301 = vector.broadcast %jit3A_300 : f32 to vector<32x1024xf32>
        %select_n3A_302 = arith.select %eq3A_299, %broadcast_in_dim3A_301, %get3A_283 : vector<32x1024xi1>, vector<32x1024xf32>
        %swap3A_303 = arith.constant 96 : index
        %swap3A_304 = arith.constant 0 : index
        %swap3A_305 = vector.load %arg7[%swap3A_303, %swap3A_304] : memref<128x1024xf32, #tpu.memory_space<vmem>>, vector<32x1024xf32>
        tpu.vector_store %arg7[%swap3A_303, %swap3A_304], %select_n3A_302 {strides = array<i32>} : memref<128x1024xf32, #tpu.memory_space<vmem>>, vector<32x1024xf32>,
        %get3A_306 = arith.constant 96 : index
        %get3A_307 = arith.constant 0 : index
        %get3A_308 = vector.load %arg5[%get3A_306, %get3A_307] : memref<128x32xf32, #tpu.memory_space<vmem>>, vector<32x32xf32>
        %get3A_309 = arith.constant 96 : index
        %get3A_310 = arith.constant 0 : index
        %get3A_311 = vector.load %arg6[%get3A_309, %get3A_310] : memref<128x32xf32, #tpu.memory_space<vmem>>, vector<32x32xf32>
        %le3A_312 = vector.broadcast %broadcast_in_dim3A_289 : vector<32x1xf32> to vector<32x32xf32>
        %le3A_313 = arith.cmpf ole, %get3A_308, %le3A_312 : vector<32x32xf32>
        %convert_element_type3A_314 = arith.extui %le3A_313 : vector<32x32xi1> to vector<32x32xi32>
        %reduce_sum3A_315 = arith.constant dense<0> : vector<32xi32>
        %reduce_sum3A_316 = vector.multi_reduction <add>, %convert_element_type3A_314, %reduce_sum3A_315 [1] : vector<32x32xi32> to vector<32xi32>
        %broadcast_in_dim3A_317 = vector.shape_cast %reduce_sum3A_316 : vector<32xi32> to vector<32x1xi32>
        %slice3A_318 = vector.extract_strided_slice %get3A_308 {offsets = [0, 0], sizes = [32, 1], strides = [1, 1]} : vector<32x32xf32> to vector<32x1xf32>
        %slice3A_319 = vector.extract_strided_slice %get3A_308 {offsets = [0, 0], sizes = [32, 31], strides = [1, 1]} : vector<32x32xf32> to vector<32x31xf32>
        %concatenate3A_320 = tpu.concatenate %slice3A_318, %slice3A_319 in 1 : vector<32x1xf32>, vector<32x31xf32> -> vector<32x32xf32>
        %slice3A_321 = vector.extract_strided_slice %get3A_311 {offsets = [0, 0], sizes = [32, 1], strides = [1, 1]} : vector<32x32xf32> to vector<32x1xf32>
        %slice3A_322 = vector.extract_strided_slice %get3A_311 {offsets = [0, 0], sizes = [32, 31], strides = [1, 1]} : vector<32x32xf32> to vector<32x31xf32>
        %concatenate3A_323 = tpu.concatenate %slice3A_321, %slice3A_322 in 1 : vector<32x1xf32>, vector<32x31xf32> -> vector<32x32xf32>
        %lt3A_324 = vector.broadcast %broadcast_in_dim3A_317 : vector<32x1xi32> to vector<32x32xi32>
        %lt3A_325 = arith.cmpi slt, %slice3A_80, %lt3A_324 : vector<32x32xi32>
        %eq3A_326 = vector.broadcast %broadcast_in_dim3A_317 : vector<32x1xi32> to vector<32x32xi32>
        %eq3A_327 = arith.cmpi eq, %slice3A_80, %eq3A_326 : vector<32x32xi32>
        %broadcast_in_dim3A_328 = vector.shape_cast %broadcast_in_dim3A_289 : vector<32x1xf32> to vector<32x1xf32>
        %broadcast_in_dim3A_329 = vector.broadcast %broadcast_in_dim3A_328 : vector<32x1xf32> to vector<32x32xf32>
        %select_n3A_330 = arith.select %eq3A_327, %broadcast_in_dim3A_329, %concatenate3A_320 : vector<32x32xi1>, vector<32x32xf32>
        %select_n3A_331 = arith.select %lt3A_325, %get3A_308, %select_n3A_330 : vector<32x32xi1>, vector<32x32xf32>
        %swap3A_332 = arith.constant 96 : index
        %swap3A_333 = arith.constant 0 : index
        %swap3A_334 = vector.load %arg5[%swap3A_332, %swap3A_333] : memref<128x32xf32, #tpu.memory_space<vmem>>, vector<32x32xf32>
        tpu.vector_store %arg5[%swap3A_332, %swap3A_333], %select_n3A_331 {strides = array<i32>} : memref<128x32xf32, #tpu.memory_space<vmem>>, vector<32x32xf32>,
        %lt3A_335 = vector.broadcast %broadcast_in_dim3A_317 : vector<32x1xi32> to vector<32x32xi32>
        %lt3A_336 = arith.cmpi slt, %slice3A_80, %lt3A_335 : vector<32x32xi32>
        %eq3A_337 = vector.broadcast %broadcast_in_dim3A_317 : vector<32x1xi32> to vector<32x32xi32>
        %eq3A_338 = arith.cmpi eq, %slice3A_80, %eq3A_337 : vector<32x32xi32>
        %broadcast_in_dim3A_339 = vector.shape_cast %broadcast_in_dim3A_297 : vector<32x1xf32> to vector<32x1xf32>
        %broadcast_in_dim3A_340 = vector.broadcast %broadcast_in_dim3A_339 : vector<32x1xf32> to vector<32x32xf32>
        %select_n3A_341 = arith.select %eq3A_338, %broadcast_in_dim3A_340, %concatenate3A_323 : vector<32x32xi1>, vector<32x32xf32>
        %select_n3A_342 = arith.select %lt3A_336, %get3A_311, %select_n3A_341 : vector<32x32xi1>, vector<32x32xf32>
        %swap3A_343 = arith.constant 96 : index
        %swap3A_344 = arith.constant 0 : index
        %swap3A_345 = vector.load %arg6[%swap3A_343, %swap3A_344] : memref<128x32xf32, #tpu.memory_space<vmem>>, vector<32x32xf32>
        tpu.vector_store %arg6[%swap3A_343, %swap3A_344], %select_n3A_342 {strides = array<i32>} : memref<128x32xf32, #tpu.memory_space<vmem>>, vector<32x32xf32>,
      }
    } else {
    }
    %slice3A_39 = vector.extract_strided_slice %add3A_22 {offsets = [0, 1024], sizes = [128, 1024], strides = [1, 1]} : vector<128x2048xf32> to vector<128x1024xf32>
    %get3A_40 = arith.constant 0 : index
    %get3A_41 = arith.constant 31 : index
    %get3A_42 = vector.load %arg5[%get3A_40, %get3A_41] : memref<128x32xf32, #tpu.memory_space<vmem>>, vector<128x1xf32>
    %lt3A_43 = vector.broadcast %get3A_42 : vector<128x1xf32> to vector<128x1024xf32>
    %lt3A_44 = arith.cmpf olt, %slice3A_39, %lt3A_43 : vector<128x1024xf32>
    %convert_element_type3A_45 = arith.extui %lt3A_44 : vector<128x1024xi1> to vector<128x1024xi32>
    %reduce_sum3A_46 = arith.constant dense<0> : vector<128xi32>
    %reduce_sum3A_47 = vector.multi_reduction <add>, %convert_element_type3A_45, %reduce_sum3A_46 [1] : vector<128x1024xi32> to vector<128xi32>
    %broadcast_in_dim3A_48 = vector.shape_cast %reduce_sum3A_47 : vector<128xi32> to vector<128x1xi32>
    %reduce_max3A_49 = vector.shape_cast %broadcast_in_dim3A_48 : vector<128x1xi32> to vector<1x128x1xi32>
    %reduce_max3A_50 = arith.constant dense<-2147483648> : vector<1xi32>
    %reduce_max3A_51 = vector.multi_reduction <maxsi>, %reduce_max3A_49, %reduce_max3A_50 [1, 2] : vector<1x128x1xi32> to vector<1xi32>
    %reduce_max3A_52 = vector.shape_cast %reduce_max3A_51 : vector<1xi32> to vector<1x1x1xi32>
    %reduce_max3A_53 = vector.extract %reduce_max3A_52[0, 0, 0] : i32 from vector<1x1x1xi32>
    %min3A_54 = arith.constant 32 : i32
    %min3A_55 = arith.minsi %reduce_max3A_53, %min3A_54 : i32
    %gt3A_56 = arith.constant 0 : i32
    %gt3A_57 = arith.cmpi sgt, %min3A_55, %gt3A_56 : i32
    %convert_element_type3A_58 = arith.extui %gt3A_57 : i1 to i32
    %cond3A_59 = arith.constant 0 : i32
    %cond3A_60 = arith.cmpi ne, %convert_element_type3A_58, %cond3A_59 : i32
    scf.if %cond3A_60 {
      %mul3A_66 = arith.constant 2048 : i32
      %mul3A_67 = arith.muli %arg1, %mul3A_66 : i32
      %add3A_68 = arith.constant 1024 : i32
      %add3A_69 = arith.addi %mul3A_67, %add3A_68 : i32
      %convert_element_type3A_70 = arith.sitofp %add3A_69 : i32 to f32
      %swap3A = arith.constant 0 : index
      %swap3A_71 = arith.constant 0 : index
      %swap3A_72 = vector.load %arg7[%swap3A, %swap3A_71] : memref<128x1024xf32, #tpu.memory_space<vmem>>, vector<128x1024xf32>
      tpu.vector_store %arg7[%swap3A, %swap3A_71], %slice3A_39 {strides = array<i32>} : memref<128x1024xf32, #tpu.memory_space<vmem>>, vector<128x1024xf32>,
      %iota3A_73 = tpu.iota {dimensions = array<i32: 1>} : vector<128x1024xi32>
      %convert_element_type3A_74 = arith.sitofp %iota3A_73 : vector<128x1024xi32> to vector<128x1024xf32>
      %add3A_75 = vector.broadcast %convert_element_type3A_70 : f32 to vector<128x1024xf32>
      %add3A_76 = arith.addf %convert_element_type3A_74, %add3A_75 : vector<128x1024xf32>
      %swap3A_77 = arith.constant 0 : index
      %swap3A_78 = arith.constant 0 : index
      %swap3A_79 = vector.load %arg8[%swap3A_77, %swap3A_78] : memref<128x1024xf32, #tpu.memory_space<vmem>>, vector<128x1024xf32>
      tpu.vector_store %arg8[%swap3A_77, %swap3A_78], %add3A_76 {strides = array<i32>} : memref<128x1024xf32, #tpu.memory_space<vmem>>, vector<128x1024xf32>,
      %slice3A_80 = vector.extract_strided_slice %iota3A {offsets = [0, 0], sizes = [32, 32], strides = [1, 1]} : vector<128x32xi32> to vector<32x32xi32>
      %while3A = arith.constant 0 : i32
      %while3A_81 = arith.constant 0 : i32
      %while3A_82 = arith.subi %min3A_55, %while3A_81 : i32
      %while3A_83 = arith.addi %while3A_81, %while3A_82 : i32
      %while3A_84 = arith.constant 1 : i32
      %while3A_85 = arith.divsi %while3A_82, %while3A_84 : i32
      %while3A_86 = arith.muli %while3A_85, %while3A_84 : i32
      %while3A_87 = arith.addi %while3A_81, %while3A_86 : i32
      %while3A_88 = arith.constant 1 : i32
      scf.for %while3A_90 = %while3A_81 to %while3A_87 step %while3A_88  : i32 {
        %get3A_91 = arith.constant 0 : index
        %get3A_92 = arith.constant 0 : index
        %get3A_93 = vector.load %arg7[%get3A_91, %get3A_92] : memref<128x1024xf32, #tpu.memory_space<vmem>>, vector<32x1024xf32>
        %get3A_94 = arith.constant 0 : index
        %get3A_95 = arith.constant 0 : index
        %get3A_96 = vector.load %arg8[%get3A_94, %get3A_95] : memref<128x1024xf32, #tpu.memory_space<vmem>>, vector<32x1024xf32>
        %reduce_min3A = arith.constant dense<0x7F800000> : vector<32xf32>
        %reduce_min3A_97 = vector.multi_reduction <minimumf>, %get3A_93, %reduce_min3A [1] : vector<32x1024xf32> to vector<32xf32>
        %broadcast_in_dim3A_98 = vector.shape_cast %reduce_min3A_97 : vector<32xf32> to vector<32x1xf32>
        %eq3A_99 = vector.broadcast %broadcast_in_dim3A_98 : vector<32x1xf32> to vector<32x1024xf32>
        %eq3A_100 = arith.cmpf oeq, %get3A_93, %eq3A_99 : vector<32x1024xf32>
        %jit3A = arith.constant 1.000000e+09 : f32
        %broadcast_in_dim3A_101 = vector.broadcast %jit3A : f32 to vector<32x1024xf32>
        %select_n3A = arith.select %eq3A_100, %get3A_96, %broadcast_in_dim3A_101 : vector<32x1024xi1>, vector<32x1024xf32>
        %reduce_min3A_102 = arith.constant dense<0x7F800000> : vector<32xf32>
        %reduce_min3A_103 = vector.multi_reduction <minimumf>, %select_n3A, %reduce_min3A_102 [1] : vector<32x1024xf32> to vector<32xf32>
        %broadcast_in_dim3A_104 = vector.shape_cast %reduce_min3A_103 : vector<32xf32> to vector<32x1xf32>
        %eq3A_105 = vector.broadcast %broadcast_in_dim3A_104 : vector<32x1xf32> to vector<32x1024xf32>
        %eq3A_106 = arith.cmpf oeq, %get3A_96, %eq3A_105 : vector<32x1024xf32>
        %jit3A_107 = arith.constant 1.000000e+30 : f32
        %broadcast_in_dim3A_108 = vector.broadcast %jit3A_107 : f32 to vector<32x1024xf32>
        %select_n3A_109 = arith.select %eq3A_106, %broadcast_in_dim3A_108, %get3A_93 : vector<32x1024xi1>, vector<32x1024xf32>
        %swap3A_110 = arith.constant 0 : index
        %swap3A_111 = arith.constant 0 : index
        %swap3A_112 = vector.load %arg7[%swap3A_110, %swap3A_111] : memref<128x1024xf32, #tpu.memory_space<vmem>>, vector<32x1024xf32>
        tpu.vector_store %arg7[%swap3A_110, %swap3A_111], %select_n3A_109 {strides = array<i32>} : memref<128x1024xf32, #tpu.memory_space<vmem>>, vector<32x1024xf32>,
        %get3A_113 = arith.constant 0 : index
        %get3A_114 = arith.constant 0 : index
        %get3A_115 = vector.load %arg5[%get3A_113, %get3A_114] : memref<128x32xf32, #tpu.memory_space<vmem>>, vector<32x32xf32>
        %get3A_116 = arith.constant 0 : index
        %get3A_117 = arith.constant 0 : index
        %get3A_118 = vector.load %arg6[%get3A_116, %get3A_117] : memref<128x32xf32, #tpu.memory_space<vmem>>, vector<32x32xf32>
        %le3A = vector.broadcast %broadcast_in_dim3A_98 : vector<32x1xf32> to vector<32x32xf32>
        %le3A_119 = arith.cmpf ole, %get3A_115, %le3A : vector<32x32xf32>
        %convert_element_type3A_120 = arith.extui %le3A_119 : vector<32x32xi1> to vector<32x32xi32>
        %reduce_sum3A_121 = arith.constant dense<0> : vector<32xi32>
        %reduce_sum3A_122 = vector.multi_reduction <add>, %convert_element_type3A_120, %reduce_sum3A_121 [1] : vector<32x32xi32> to vector<32xi32>
        %broadcast_in_dim3A_123 = vector.shape_cast %reduce_sum3A_122 : vector<32xi32> to vector<32x1xi32>
        %slice3A_124 = vector.extract_strided_slice %get3A_115 {offsets = [0, 0], sizes = [32, 1], strides = [1, 1]} : vector<32x32xf32> to vector<32x1xf32>
        %slice3A_125 = vector.extract_strided_slice %get3A_115 {offsets = [0, 0], sizes = [32, 31], strides = [1, 1]} : vector<32x32xf32> to vector<32x31xf32>
        %concatenate3A = tpu.concatenate %slice3A_124, %slice3A_125 in 1 : vector<32x1xf32>, vector<32x31xf32> -> vector<32x32xf32>
        %slice3A_126 = vector.extract_strided_slice %get3A_118 {offsets = [0, 0], sizes = [32, 1], strides = [1, 1]} : vector<32x32xf32> to vector<32x1xf32>
        %slice3A_127 = vector.extract_strided_slice %get3A_118 {offsets = [0, 0], sizes = [32, 31], strides = [1, 1]} : vector<32x32xf32> to vector<32x31xf32>
        %concatenate3A_128 = tpu.concatenate %slice3A_126, %slice3A_127 in 1 : vector<32x1xf32>, vector<32x31xf32> -> vector<32x32xf32>
        %lt3A_129 = vector.broadcast %broadcast_in_dim3A_123 : vector<32x1xi32> to vector<32x32xi32>
        %lt3A_130 = arith.cmpi slt, %slice3A_80, %lt3A_129 : vector<32x32xi32>
        %eq3A_131 = vector.broadcast %broadcast_in_dim3A_123 : vector<32x1xi32> to vector<32x32xi32>
        %eq3A_132 = arith.cmpi eq, %slice3A_80, %eq3A_131 : vector<32x32xi32>
        %broadcast_in_dim3A_133 = vector.shape_cast %broadcast_in_dim3A_98 : vector<32x1xf32> to vector<32x1xf32>
        %broadcast_in_dim3A_134 = vector.broadcast %broadcast_in_dim3A_133 : vector<32x1xf32> to vector<32x32xf32>
        %select_n3A_135 = arith.select %eq3A_132, %broadcast_in_dim3A_134, %concatenate3A : vector<32x32xi1>, vector<32x32xf32>
        %select_n3A_136 = arith.select %lt3A_130, %get3A_115, %select_n3A_135 : vector<32x32xi1>, vector<32x32xf32>
        %swap3A_137 = arith.constant 0 : index
        %swap3A_138 = arith.constant 0 : index
        %swap3A_139 = vector.load %arg5[%swap3A_137, %swap3A_138] : memref<128x32xf32, #tpu.memory_space<vmem>>, vector<32x32xf32>
        tpu.vector_store %arg5[%swap3A_137, %swap3A_138], %select_n3A_136 {strides = array<i32>} : memref<128x32xf32, #tpu.memory_space<vmem>>, vector<32x32xf32>,
        %lt3A_140 = vector.broadcast %broadcast_in_dim3A_123 : vector<32x1xi32> to vector<32x32xi32>
        %lt3A_141 = arith.cmpi slt, %slice3A_80, %lt3A_140 : vector<32x32xi32>
        %eq3A_142 = vector.broadcast %broadcast_in_dim3A_123 : vector<32x1xi32> to vector<32x32xi32>
        %eq3A_143 = arith.cmpi eq, %slice3A_80, %eq3A_142 : vector<32x32xi32>
        %broadcast_in_dim3A_144 = vector.shape_cast %broadcast_in_dim3A_104 : vector<32x1xf32> to vector<32x1xf32>
        %broadcast_in_dim3A_145 = vector.broadcast %broadcast_in_dim3A_144 : vector<32x1xf32> to vector<32x32xf32>
        %select_n3A_146 = arith.select %eq3A_143, %broadcast_in_dim3A_145, %concatenate3A_128 : vector<32x32xi1>, vector<32x32xf32>
        %select_n3A_147 = arith.select %lt3A_141, %get3A_118, %select_n3A_146 : vector<32x32xi1>, vector<32x32xf32>
        %swap3A_148 = arith.constant 0 : index
        %swap3A_149 = arith.constant 0 : index
        %swap3A_150 = vector.load %arg6[%swap3A_148, %swap3A_149] : memref<128x32xf32, #tpu.memory_space<vmem>>, vector<32x32xf32>
        tpu.vector_store %arg6[%swap3A_148, %swap3A_149], %select_n3A_147 {strides = array<i32>} : memref<128x32xf32, #tpu.memory_space<vmem>>, vector<32x32xf32>,
        %get3A_151 = arith.constant 32 : index
        %get3A_152 = arith.constant 0 : index
        %get3A_153 = vector.load %arg7[%get3A_151, %get3A_152] : memref<128x1024xf32, #tpu.memory_space<vmem>>, vector<32x1024xf32>
        %get3A_154 = arith.constant 32 : index
        %get3A_155 = arith.constant 0 : index
        %get3A_156 = vector.load %arg8[%get3A_154, %get3A_155] : memref<128x1024xf32, #tpu.memory_space<vmem>>, vector<32x1024xf32>
        %reduce_min3A_157 = arith.constant dense<0x7F800000> : vector<32xf32>
        %reduce_min3A_158 = vector.multi_reduction <minimumf>, %get3A_153, %reduce_min3A_157 [1] : vector<32x1024xf32> to vector<32xf32>
        %broadcast_in_dim3A_159 = vector.shape_cast %reduce_min3A_158 : vector<32xf32> to vector<32x1xf32>
        %eq3A_160 = vector.broadcast %broadcast_in_dim3A_159 : vector<32x1xf32> to vector<32x1024xf32>
        %eq3A_161 = arith.cmpf oeq, %get3A_153, %eq3A_160 : vector<32x1024xf32>
        %jit3A_162 = arith.constant 1.000000e+09 : f32
        %broadcast_in_dim3A_163 = vector.broadcast %jit3A_162 : f32 to vector<32x1024xf32>
        %select_n3A_164 = arith.select %eq3A_161, %get3A_156, %broadcast_in_dim3A_163 : vector<32x1024xi1>, vector<32x1024xf32>
        %reduce_min3A_165 = arith.constant dense<0x7F800000> : vector<32xf32>
        %reduce_min3A_166 = vector.multi_reduction <minimumf>, %select_n3A_164, %reduce_min3A_165 [1] : vector<32x1024xf32> to vector<32xf32>
        %broadcast_in_dim3A_167 = vector.shape_cast %reduce_min3A_166 : vector<32xf32> to vector<32x1xf32>
        %eq3A_168 = vector.broadcast %broadcast_in_dim3A_167 : vector<32x1xf32> to vector<32x1024xf32>
        %eq3A_169 = arith.cmpf oeq, %get3A_156, %eq3A_168 : vector<32x1024xf32>
        %jit3A_170 = arith.constant 1.000000e+30 : f32
        %broadcast_in_dim3A_171 = vector.broadcast %jit3A_170 : f32 to vector<32x1024xf32>
        %select_n3A_172 = arith.select %eq3A_169, %broadcast_in_dim3A_171, %get3A_153 : vector<32x1024xi1>, vector<32x1024xf32>
        %swap3A_173 = arith.constant 32 : index
        %swap3A_174 = arith.constant 0 : index
        %swap3A_175 = vector.load %arg7[%swap3A_173, %swap3A_174] : memref<128x1024xf32, #tpu.memory_space<vmem>>, vector<32x1024xf32>
        tpu.vector_store %arg7[%swap3A_173, %swap3A_174], %select_n3A_172 {strides = array<i32>} : memref<128x1024xf32, #tpu.memory_space<vmem>>, vector<32x1024xf32>,
        %get3A_176 = arith.constant 32 : index
        %get3A_177 = arith.constant 0 : index
        %get3A_178 = vector.load %arg5[%get3A_176, %get3A_177] : memref<128x32xf32, #tpu.memory_space<vmem>>, vector<32x32xf32>
        %get3A_179 = arith.constant 32 : index
        %get3A_180 = arith.constant 0 : index
        %get3A_181 = vector.load %arg6[%get3A_179, %get3A_180] : memref<128x32xf32, #tpu.memory_space<vmem>>, vector<32x32xf32>
        %le3A_182 = vector.broadcast %broadcast_in_dim3A_159 : vector<32x1xf32> to vector<32x32xf32>
        %le3A_183 = arith.cmpf ole, %get3A_178, %le3A_182 : vector<32x32xf32>
        %convert_element_type3A_184 = arith.extui %le3A_183 : vector<32x32xi1> to vector<32x32xi32>
        %reduce_sum3A_185 = arith.constant dense<0> : vector<32xi32>
        %reduce_sum3A_186 = vector.multi_reduction <add>, %convert_element_type3A_184, %reduce_sum3A_185 [1] : vector<32x32xi32> to vector<32xi32>
        %broadcast_in_dim3A_187 = vector.shape_cast %reduce_sum3A_186 : vector<32xi32> to vector<32x1xi32>
        %slice3A_188 = vector.extract_strided_slice %get3A_178 {offsets = [0, 0], sizes = [32, 1], strides = [1, 1]} : vector<32x32xf32> to vector<32x1xf32>
        %slice3A_189 = vector.extract_strided_slice %get3A_178 {offsets = [0, 0], sizes = [32, 31], strides = [1, 1]} : vector<32x32xf32> to vector<32x31xf32>
        %concatenate3A_190 = tpu.concatenate %slice3A_188, %slice3A_189 in 1 : vector<32x1xf32>, vector<32x31xf32> -> vector<32x32xf32>
        %slice3A_191 = vector.extract_strided_slice %get3A_181 {offsets = [0, 0], sizes = [32, 1], strides = [1, 1]} : vector<32x32xf32> to vector<32x1xf32>
        %slice3A_192 = vector.extract_strided_slice %get3A_181 {offsets = [0, 0], sizes = [32, 31], strides = [1, 1]} : vector<32x32xf32> to vector<32x31xf32>
        %concatenate3A_193 = tpu.concatenate %slice3A_191, %slice3A_192 in 1 : vector<32x1xf32>, vector<32x31xf32> -> vector<32x32xf32>
        %lt3A_194 = vector.broadcast %broadcast_in_dim3A_187 : vector<32x1xi32> to vector<32x32xi32>
        %lt3A_195 = arith.cmpi slt, %slice3A_80, %lt3A_194 : vector<32x32xi32>
        %eq3A_196 = vector.broadcast %broadcast_in_dim3A_187 : vector<32x1xi32> to vector<32x32xi32>
        %eq3A_197 = arith.cmpi eq, %slice3A_80, %eq3A_196 : vector<32x32xi32>
        %broadcast_in_dim3A_198 = vector.shape_cast %broadcast_in_dim3A_159 : vector<32x1xf32> to vector<32x1xf32>
        %broadcast_in_dim3A_199 = vector.broadcast %broadcast_in_dim3A_198 : vector<32x1xf32> to vector<32x32xf32>
        %select_n3A_200 = arith.select %eq3A_197, %broadcast_in_dim3A_199, %concatenate3A_190 : vector<32x32xi1>, vector<32x32xf32>
        %select_n3A_201 = arith.select %lt3A_195, %get3A_178, %select_n3A_200 : vector<32x32xi1>, vector<32x32xf32>
        %swap3A_202 = arith.constant 32 : index
        %swap3A_203 = arith.constant 0 : index
        %swap3A_204 = vector.load %arg5[%swap3A_202, %swap3A_203] : memref<128x32xf32, #tpu.memory_space<vmem>>, vector<32x32xf32>
        tpu.vector_store %arg5[%swap3A_202, %swap3A_203], %select_n3A_201 {strides = array<i32>} : memref<128x32xf32, #tpu.memory_space<vmem>>, vector<32x32xf32>,
        %lt3A_205 = vector.broadcast %broadcast_in_dim3A_187 : vector<32x1xi32> to vector<32x32xi32>
        %lt3A_206 = arith.cmpi slt, %slice3A_80, %lt3A_205 : vector<32x32xi32>
        %eq3A_207 = vector.broadcast %broadcast_in_dim3A_187 : vector<32x1xi32> to vector<32x32xi32>
        %eq3A_208 = arith.cmpi eq, %slice3A_80, %eq3A_207 : vector<32x32xi32>
        %broadcast_in_dim3A_209 = vector.shape_cast %broadcast_in_dim3A_167 : vector<32x1xf32> to vector<32x1xf32>
        %broadcast_in_dim3A_210 = vector.broadcast %broadcast_in_dim3A_209 : vector<32x1xf32> to vector<32x32xf32>
        %select_n3A_211 = arith.select %eq3A_208, %broadcast_in_dim3A_210, %concatenate3A_193 : vector<32x32xi1>, vector<32x32xf32>
        %select_n3A_212 = arith.select %lt3A_206, %get3A_181, %select_n3A_211 : vector<32x32xi1>, vector<32x32xf32>
        %swap3A_213 = arith.constant 32 : index
        %swap3A_214 = arith.constant 0 : index
        %swap3A_215 = vector.load %arg6[%swap3A_213, %swap3A_214] : memref<128x32xf32, #tpu.memory_space<vmem>>, vector<32x32xf32>
        tpu.vector_store %arg6[%swap3A_213, %swap3A_214], %select_n3A_212 {strides = array<i32>} : memref<128x32xf32, #tpu.memory_space<vmem>>, vector<32x32xf32>,
        %get3A_216 = arith.constant 64 : index
        %get3A_217 = arith.constant 0 : index
        %get3A_218 = vector.load %arg7[%get3A_216, %get3A_217] : memref<128x1024xf32, #tpu.memory_space<vmem>>, vector<32x1024xf32>
        %get3A_219 = arith.constant 64 : index
        %get3A_220 = arith.constant 0 : index
        %get3A_221 = vector.load %arg8[%get3A_219, %get3A_220] : memref<128x1024xf32, #tpu.memory_space<vmem>>, vector<32x1024xf32>
        %reduce_min3A_222 = arith.constant dense<0x7F800000> : vector<32xf32>
        %reduce_min3A_223 = vector.multi_reduction <minimumf>, %get3A_218, %reduce_min3A_222 [1] : vector<32x1024xf32> to vector<32xf32>
        %broadcast_in_dim3A_224 = vector.shape_cast %reduce_min3A_223 : vector<32xf32> to vector<32x1xf32>
        %eq3A_225 = vector.broadcast %broadcast_in_dim3A_224 : vector<32x1xf32> to vector<32x1024xf32>
        %eq3A_226 = arith.cmpf oeq, %get3A_218, %eq3A_225 : vector<32x1024xf32>
        %jit3A_227 = arith.constant 1.000000e+09 : f32
        %broadcast_in_dim3A_228 = vector.broadcast %jit3A_227 : f32 to vector<32x1024xf32>
        %select_n3A_229 = arith.select %eq3A_226, %get3A_221, %broadcast_in_dim3A_228 : vector<32x1024xi1>, vector<32x1024xf32>
        %reduce_min3A_230 = arith.constant dense<0x7F800000> : vector<32xf32>
        %reduce_min3A_231 = vector.multi_reduction <minimumf>, %select_n3A_229, %reduce_min3A_230 [1] : vector<32x1024xf32> to vector<32xf32>
        %broadcast_in_dim3A_232 = vector.shape_cast %reduce_min3A_231 : vector<32xf32> to vector<32x1xf32>
        %eq3A_233 = vector.broadcast %broadcast_in_dim3A_232 : vector<32x1xf32> to vector<32x1024xf32>
        %eq3A_234 = arith.cmpf oeq, %get3A_221, %eq3A_233 : vector<32x1024xf32>
        %jit3A_235 = arith.constant 1.000000e+30 : f32
        %broadcast_in_dim3A_236 = vector.broadcast %jit3A_235 : f32 to vector<32x1024xf32>
        %select_n3A_237 = arith.select %eq3A_234, %broadcast_in_dim3A_236, %get3A_218 : vector<32x1024xi1>, vector<32x1024xf32>
        %swap3A_238 = arith.constant 64 : index
        %swap3A_239 = arith.constant 0 : index
        %swap3A_240 = vector.load %arg7[%swap3A_238, %swap3A_239] : memref<128x1024xf32, #tpu.memory_space<vmem>>, vector<32x1024xf32>
        tpu.vector_store %arg7[%swap3A_238, %swap3A_239], %select_n3A_237 {strides = array<i32>} : memref<128x1024xf32, #tpu.memory_space<vmem>>, vector<32x1024xf32>,
        %get3A_241 = arith.constant 64 : index
        %get3A_242 = arith.constant 0 : index
        %get3A_243 = vector.load %arg5[%get3A_241, %get3A_242] : memref<128x32xf32, #tpu.memory_space<vmem>>, vector<32x32xf32>
        %get3A_244 = arith.constant 64 : index
        %get3A_245 = arith.constant 0 : index
        %get3A_246 = vector.load %arg6[%get3A_244, %get3A_245] : memref<128x32xf32, #tpu.memory_space<vmem>>, vector<32x32xf32>
        %le3A_247 = vector.broadcast %broadcast_in_dim3A_224 : vector<32x1xf32> to vector<32x32xf32>
        %le3A_248 = arith.cmpf ole, %get3A_243, %le3A_247 : vector<32x32xf32>
        %convert_element_type3A_249 = arith.extui %le3A_248 : vector<32x32xi1> to vector<32x32xi32>
        %reduce_sum3A_250 = arith.constant dense<0> : vector<32xi32>
        %reduce_sum3A_251 = vector.multi_reduction <add>, %convert_element_type3A_249, %reduce_sum3A_250 [1] : vector<32x32xi32> to vector<32xi32>
        %broadcast_in_dim3A_252 = vector.shape_cast %reduce_sum3A_251 : vector<32xi32> to vector<32x1xi32>
        %slice3A_253 = vector.extract_strided_slice %get3A_243 {offsets = [0, 0], sizes = [32, 1], strides = [1, 1]} : vector<32x32xf32> to vector<32x1xf32>
        %slice3A_254 = vector.extract_strided_slice %get3A_243 {offsets = [0, 0], sizes = [32, 31], strides = [1, 1]} : vector<32x32xf32> to vector<32x31xf32>
        %concatenate3A_255 = tpu.concatenate %slice3A_253, %slice3A_254 in 1 : vector<32x1xf32>, vector<32x31xf32> -> vector<32x32xf32>
        %slice3A_256 = vector.extract_strided_slice %get3A_246 {offsets = [0, 0], sizes = [32, 1], strides = [1, 1]} : vector<32x32xf32> to vector<32x1xf32>
        %slice3A_257 = vector.extract_strided_slice %get3A_246 {offsets = [0, 0], sizes = [32, 31], strides = [1, 1]} : vector<32x32xf32> to vector<32x31xf32>
        %concatenate3A_258 = tpu.concatenate %slice3A_256, %slice3A_257 in 1 : vector<32x1xf32>, vector<32x31xf32> -> vector<32x32xf32>
        %lt3A_259 = vector.broadcast %broadcast_in_dim3A_252 : vector<32x1xi32> to vector<32x32xi32>
        %lt3A_260 = arith.cmpi slt, %slice3A_80, %lt3A_259 : vector<32x32xi32>
        %eq3A_261 = vector.broadcast %broadcast_in_dim3A_252 : vector<32x1xi32> to vector<32x32xi32>
        %eq3A_262 = arith.cmpi eq, %slice3A_80, %eq3A_261 : vector<32x32xi32>
        %broadcast_in_dim3A_263 = vector.shape_cast %broadcast_in_dim3A_224 : vector<32x1xf32> to vector<32x1xf32>
        %broadcast_in_dim3A_264 = vector.broadcast %broadcast_in_dim3A_263 : vector<32x1xf32> to vector<32x32xf32>
        %select_n3A_265 = arith.select %eq3A_262, %broadcast_in_dim3A_264, %concatenate3A_255 : vector<32x32xi1>, vector<32x32xf32>
        %select_n3A_266 = arith.select %lt3A_260, %get3A_243, %select_n3A_265 : vector<32x32xi1>, vector<32x32xf32>
        %swap3A_267 = arith.constant 64 : index
        %swap3A_268 = arith.constant 0 : index
        %swap3A_269 = vector.load %arg5[%swap3A_267, %swap3A_268] : memref<128x32xf32, #tpu.memory_space<vmem>>, vector<32x32xf32>
        tpu.vector_store %arg5[%swap3A_267, %swap3A_268], %select_n3A_266 {strides = array<i32>} : memref<128x32xf32, #tpu.memory_space<vmem>>, vector<32x32xf32>,
        %lt3A_270 = vector.broadcast %broadcast_in_dim3A_252 : vector<32x1xi32> to vector<32x32xi32>
        %lt3A_271 = arith.cmpi slt, %slice3A_80, %lt3A_270 : vector<32x32xi32>
        %eq3A_272 = vector.broadcast %broadcast_in_dim3A_252 : vector<32x1xi32> to vector<32x32xi32>
        %eq3A_273 = arith.cmpi eq, %slice3A_80, %eq3A_272 : vector<32x32xi32>
        %broadcast_in_dim3A_274 = vector.shape_cast %broadcast_in_dim3A_232 : vector<32x1xf32> to vector<32x1xf32>
        %broadcast_in_dim3A_275 = vector.broadcast %broadcast_in_dim3A_274 : vector<32x1xf32> to vector<32x32xf32>
        %select_n3A_276 = arith.select %eq3A_273, %broadcast_in_dim3A_275, %concatenate3A_258 : vector<32x32xi1>, vector<32x32xf32>
        %select_n3A_277 = arith.select %lt3A_271, %get3A_246, %select_n3A_276 : vector<32x32xi1>, vector<32x32xf32>
        %swap3A_278 = arith.constant 64 : index
        %swap3A_279 = arith.constant 0 : index
        %swap3A_280 = vector.load %arg6[%swap3A_278, %swap3A_279] : memref<128x32xf32, #tpu.memory_space<vmem>>, vector<32x32xf32>
        tpu.vector_store %arg6[%swap3A_278, %swap3A_279], %select_n3A_277 {strides = array<i32>} : memref<128x32xf32, #tpu.memory_space<vmem>>, vector<32x32xf32>,
        %get3A_281 = arith.constant 96 : index
        %get3A_282 = arith.constant 0 : index
        %get3A_283 = vector.load %arg7[%get3A_281, %get3A_282] : memref<128x1024xf32, #tpu.memory_space<vmem>>, vector<32x1024xf32>
        %get3A_284 = arith.constant 96 : index
        %get3A_285 = arith.constant 0 : index
        %get3A_286 = vector.load %arg8[%get3A_284, %get3A_285] : memref<128x1024xf32, #tpu.memory_space<vmem>>, vector<32x1024xf32>
        %reduce_min3A_287 = arith.constant dense<0x7F800000> : vector<32xf32>
        %reduce_min3A_288 = vector.multi_reduction <minimumf>, %get3A_283, %reduce_min3A_287 [1] : vector<32x1024xf32> to vector<32xf32>
        %broadcast_in_dim3A_289 = vector.shape_cast %reduce_min3A_288 : vector<32xf32> to vector<32x1xf32>
        %eq3A_290 = vector.broadcast %broadcast_in_dim3A_289 : vector<32x1xf32> to vector<32x1024xf32>
        %eq3A_291 = arith.cmpf oeq, %get3A_283, %eq3A_290 : vector<32x1024xf32>
        %jit3A_292 = arith.constant 1.000000e+09 : f32
        %broadcast_in_dim3A_293 = vector.broadcast %jit3A_292 : f32 to vector<32x1024xf32>
        %select_n3A_294 = arith.select %eq3A_291, %get3A_286, %broadcast_in_dim3A_293 : vector<32x1024xi1>, vector<32x1024xf32>
        %reduce_min3A_295 = arith.constant dense<0x7F800000> : vector<32xf32>
        %reduce_min3A_296 = vector.multi_reduction <minimumf>, %select_n3A_294, %reduce_min3A_295 [1] : vector<32x1024xf32> to vector<32xf32>
        %broadcast_in_dim3A_297 = vector.shape_cast %reduce_min3A_296 : vector<32xf32> to vector<32x1xf32>
        %eq3A_298 = vector.broadcast %broadcast_in_dim3A_297 : vector<32x1xf32> to vector<32x1024xf32>
        %eq3A_299 = arith.cmpf oeq, %get3A_286, %eq3A_298 : vector<32x1024xf32>
        %jit3A_300 = arith.constant 1.000000e+30 : f32
        %broadcast_in_dim3A_301 = vector.broadcast %jit3A_300 : f32 to vector<32x1024xf32>
        %select_n3A_302 = arith.select %eq3A_299, %broadcast_in_dim3A_301, %get3A_283 : vector<32x1024xi1>, vector<32x1024xf32>
        %swap3A_303 = arith.constant 96 : index
        %swap3A_304 = arith.constant 0 : index
        %swap3A_305 = vector.load %arg7[%swap3A_303, %swap3A_304] : memref<128x1024xf32, #tpu.memory_space<vmem>>, vector<32x1024xf32>
        tpu.vector_store %arg7[%swap3A_303, %swap3A_304], %select_n3A_302 {strides = array<i32>} : memref<128x1024xf32, #tpu.memory_space<vmem>>, vector<32x1024xf32>,
        %get3A_306 = arith.constant 96 : index
        %get3A_307 = arith.constant 0 : index
        %get3A_308 = vector.load %arg5[%get3A_306, %get3A_307] : memref<128x32xf32, #tpu.memory_space<vmem>>, vector<32x32xf32>
        %get3A_309 = arith.constant 96 : index
        %get3A_310 = arith.constant 0 : index
        %get3A_311 = vector.load %arg6[%get3A_309, %get3A_310] : memref<128x32xf32, #tpu.memory_space<vmem>>, vector<32x32xf32>
        %le3A_312 = vector.broadcast %broadcast_in_dim3A_289 : vector<32x1xf32> to vector<32x32xf32>
        %le3A_313 = arith.cmpf ole, %get3A_308, %le3A_312 : vector<32x32xf32>
        %convert_element_type3A_314 = arith.extui %le3A_313 : vector<32x32xi1> to vector<32x32xi32>
        %reduce_sum3A_315 = arith.constant dense<0> : vector<32xi32>
        %reduce_sum3A_316 = vector.multi_reduction <add>, %convert_element_type3A_314, %reduce_sum3A_315 [1] : vector<32x32xi32> to vector<32xi32>
        %broadcast_in_dim3A_317 = vector.shape_cast %reduce_sum3A_316 : vector<32xi32> to vector<32x1xi32>
        %slice3A_318 = vector.extract_strided_slice %get3A_308 {offsets = [0, 0], sizes = [32, 1], strides = [1, 1]} : vector<32x32xf32> to vector<32x1xf32>
        %slice3A_319 = vector.extract_strided_slice %get3A_308 {offsets = [0, 0], sizes = [32, 31], strides = [1, 1]} : vector<32x32xf32> to vector<32x31xf32>
        %concatenate3A_320 = tpu.concatenate %slice3A_318, %slice3A_319 in 1 : vector<32x1xf32>, vector<32x31xf32> -> vector<32x32xf32>
        %slice3A_321 = vector.extract_strided_slice %get3A_311 {offsets = [0, 0], sizes = [32, 1], strides = [1, 1]} : vector<32x32xf32> to vector<32x1xf32>
        %slice3A_322 = vector.extract_strided_slice %get3A_311 {offsets = [0, 0], sizes = [32, 31], strides = [1, 1]} : vector<32x32xf32> to vector<32x31xf32>
        %concatenate3A_323 = tpu.concatenate %slice3A_321, %slice3A_322 in 1 : vector<32x1xf32>, vector<32x31xf32> -> vector<32x32xf32>
        %lt3A_324 = vector.broadcast %broadcast_in_dim3A_317 : vector<32x1xi32> to vector<32x32xi32>
        %lt3A_325 = arith.cmpi slt, %slice3A_80, %lt3A_324 : vector<32x32xi32>
        %eq3A_326 = vector.broadcast %broadcast_in_dim3A_317 : vector<32x1xi32> to vector<32x32xi32>
        %eq3A_327 = arith.cmpi eq, %slice3A_80, %eq3A_326 : vector<32x32xi32>
        %broadcast_in_dim3A_328 = vector.shape_cast %broadcast_in_dim3A_289 : vector<32x1xf32> to vector<32x1xf32>
        %broadcast_in_dim3A_329 = vector.broadcast %broadcast_in_dim3A_328 : vector<32x1xf32> to vector<32x32xf32>
        %select_n3A_330 = arith.select %eq3A_327, %broadcast_in_dim3A_329, %concatenate3A_320 : vector<32x32xi1>, vector<32x32xf32>
        %select_n3A_331 = arith.select %lt3A_325, %get3A_308, %select_n3A_330 : vector<32x32xi1>, vector<32x32xf32>
        %swap3A_332 = arith.constant 96 : index
        %swap3A_333 = arith.constant 0 : index
        %swap3A_334 = vector.load %arg5[%swap3A_332, %swap3A_333] : memref<128x32xf32, #tpu.memory_space<vmem>>, vector<32x32xf32>
        tpu.vector_store %arg5[%swap3A_332, %swap3A_333], %select_n3A_331 {strides = array<i32>} : memref<128x32xf32, #tpu.memory_space<vmem>>, vector<32x32xf32>,
        %lt3A_335 = vector.broadcast %broadcast_in_dim3A_317 : vector<32x1xi32> to vector<32x32xi32>
        %lt3A_336 = arith.cmpi slt, %slice3A_80, %lt3A_335 : vector<32x32xi32>
        %eq3A_337 = vector.broadcast %broadcast_in_dim3A_317 : vector<32x1xi32> to vector<32x32xi32>
        %eq3A_338 = arith.cmpi eq, %slice3A_80, %eq3A_337 : vector<32x32xi32>
        %broadcast_in_dim3A_339 = vector.shape_cast %broadcast_in_dim3A_297 : vector<32x1xf32> to vector<32x1xf32>
        %broadcast_in_dim3A_340 = vector.broadcast %broadcast_in_dim3A_339 : vector<32x1xf32> to vector<32x32xf32>
        %select_n3A_341 = arith.select %eq3A_338, %broadcast_in_dim3A_340, %concatenate3A_323 : vector<32x32xi1>, vector<32x32xf32>
        %select_n3A_342 = arith.select %lt3A_336, %get3A_311, %select_n3A_341 : vector<32x32xi1>, vector<32x32xf32>
        %swap3A_343 = arith.constant 96 : index
        %swap3A_344 = arith.constant 0 : index
        %swap3A_345 = vector.load %arg6[%swap3A_343, %swap3A_344] : memref<128x32xf32, #tpu.memory_space<vmem>>, vector<32x32xf32>
        tpu.vector_store %arg6[%swap3A_343, %swap3A_344], %select_n3A_342 {strides = array<i32>} : memref<128x32xf32, #tpu.memory_space<vmem>>, vector<32x32xf32>,
      }
      %while3A_89 = arith.constant 1 : i32
      scf.for %while3A_90 = %while3A_87 to %while3A_83 step %while3A_89  : i32 {
        %get3A_91 = arith.constant 0 : index
        %get3A_92 = arith.constant 0 : index
        %get3A_93 = vector.load %arg7[%get3A_91, %get3A_92] : memref<128x1024xf32, #tpu.memory_space<vmem>>, vector<32x1024xf32>
        %get3A_94 = arith.constant 0 : index
        %get3A_95 = arith.constant 0 : index
        %get3A_96 = vector.load %arg8[%get3A_94, %get3A_95] : memref<128x1024xf32, #tpu.memory_space<vmem>>, vector<32x1024xf32>
        %reduce_min3A = arith.constant dense<0x7F800000> : vector<32xf32>
        %reduce_min3A_97 = vector.multi_reduction <minimumf>, %get3A_93, %reduce_min3A [1] : vector<32x1024xf32> to vector<32xf32>
        %broadcast_in_dim3A_98 = vector.shape_cast %reduce_min3A_97 : vector<32xf32> to vector<32x1xf32>
        %eq3A_99 = vector.broadcast %broadcast_in_dim3A_98 : vector<32x1xf32> to vector<32x1024xf32>
        %eq3A_100 = arith.cmpf oeq, %get3A_93, %eq3A_99 : vector<32x1024xf32>
        %jit3A = arith.constant 1.000000e+09 : f32
        %broadcast_in_dim3A_101 = vector.broadcast %jit3A : f32 to vector<32x1024xf32>
        %select_n3A = arith.select %eq3A_100, %get3A_96, %broadcast_in_dim3A_101 : vector<32x1024xi1>, vector<32x1024xf32>
        %reduce_min3A_102 = arith.constant dense<0x7F800000> : vector<32xf32>
        %reduce_min3A_103 = vector.multi_reduction <minimumf>, %select_n3A, %reduce_min3A_102 [1] : vector<32x1024xf32> to vector<32xf32>
        %broadcast_in_dim3A_104 = vector.shape_cast %reduce_min3A_103 : vector<32xf32> to vector<32x1xf32>
        %eq3A_105 = vector.broadcast %broadcast_in_dim3A_104 : vector<32x1xf32> to vector<32x1024xf32>
        %eq3A_106 = arith.cmpf oeq, %get3A_96, %eq3A_105 : vector<32x1024xf32>
        %jit3A_107 = arith.constant 1.000000e+30 : f32
        %broadcast_in_dim3A_108 = vector.broadcast %jit3A_107 : f32 to vector<32x1024xf32>
        %select_n3A_109 = arith.select %eq3A_106, %broadcast_in_dim3A_108, %get3A_93 : vector<32x1024xi1>, vector<32x1024xf32>
        %swap3A_110 = arith.constant 0 : index
        %swap3A_111 = arith.constant 0 : index
        %swap3A_112 = vector.load %arg7[%swap3A_110, %swap3A_111] : memref<128x1024xf32, #tpu.memory_space<vmem>>, vector<32x1024xf32>
        tpu.vector_store %arg7[%swap3A_110, %swap3A_111], %select_n3A_109 {strides = array<i32>} : memref<128x1024xf32, #tpu.memory_space<vmem>>, vector<32x1024xf32>,
        %get3A_113 = arith.constant 0 : index
        %get3A_114 = arith.constant 0 : index
        %get3A_115 = vector.load %arg5[%get3A_113, %get3A_114] : memref<128x32xf32, #tpu.memory_space<vmem>>, vector<32x32xf32>
        %get3A_116 = arith.constant 0 : index
        %get3A_117 = arith.constant 0 : index
        %get3A_118 = vector.load %arg6[%get3A_116, %get3A_117] : memref<128x32xf32, #tpu.memory_space<vmem>>, vector<32x32xf32>
        %le3A = vector.broadcast %broadcast_in_dim3A_98 : vector<32x1xf32> to vector<32x32xf32>
        %le3A_119 = arith.cmpf ole, %get3A_115, %le3A : vector<32x32xf32>
        %convert_element_type3A_120 = arith.extui %le3A_119 : vector<32x32xi1> to vector<32x32xi32>
        %reduce_sum3A_121 = arith.constant dense<0> : vector<32xi32>
        %reduce_sum3A_122 = vector.multi_reduction <add>, %convert_element_type3A_120, %reduce_sum3A_121 [1] : vector<32x32xi32> to vector<32xi32>
        %broadcast_in_dim3A_123 = vector.shape_cast %reduce_sum3A_122 : vector<32xi32> to vector<32x1xi32>
        %slice3A_124 = vector.extract_strided_slice %get3A_115 {offsets = [0, 0], sizes = [32, 1], strides = [1, 1]} : vector<32x32xf32> to vector<32x1xf32>
        %slice3A_125 = vector.extract_strided_slice %get3A_115 {offsets = [0, 0], sizes = [32, 31], strides = [1, 1]} : vector<32x32xf32> to vector<32x31xf32>
        %concatenate3A = tpu.concatenate %slice3A_124, %slice3A_125 in 1 : vector<32x1xf32>, vector<32x31xf32> -> vector<32x32xf32>
        %slice3A_126 = vector.extract_strided_slice %get3A_118 {offsets = [0, 0], sizes = [32, 1], strides = [1, 1]} : vector<32x32xf32> to vector<32x1xf32>
        %slice3A_127 = vector.extract_strided_slice %get3A_118 {offsets = [0, 0], sizes = [32, 31], strides = [1, 1]} : vector<32x32xf32> to vector<32x31xf32>
        %concatenate3A_128 = tpu.concatenate %slice3A_126, %slice3A_127 in 1 : vector<32x1xf32>, vector<32x31xf32> -> vector<32x32xf32>
        %lt3A_129 = vector.broadcast %broadcast_in_dim3A_123 : vector<32x1xi32> to vector<32x32xi32>
        %lt3A_130 = arith.cmpi slt, %slice3A_80, %lt3A_129 : vector<32x32xi32>
        %eq3A_131 = vector.broadcast %broadcast_in_dim3A_123 : vector<32x1xi32> to vector<32x32xi32>
        %eq3A_132 = arith.cmpi eq, %slice3A_80, %eq3A_131 : vector<32x32xi32>
        %broadcast_in_dim3A_133 = vector.shape_cast %broadcast_in_dim3A_98 : vector<32x1xf32> to vector<32x1xf32>
        %broadcast_in_dim3A_134 = vector.broadcast %broadcast_in_dim3A_133 : vector<32x1xf32> to vector<32x32xf32>
        %select_n3A_135 = arith.select %eq3A_132, %broadcast_in_dim3A_134, %concatenate3A : vector<32x32xi1>, vector<32x32xf32>
        %select_n3A_136 = arith.select %lt3A_130, %get3A_115, %select_n3A_135 : vector<32x32xi1>, vector<32x32xf32>
        %swap3A_137 = arith.constant 0 : index
        %swap3A_138 = arith.constant 0 : index
        %swap3A_139 = vector.load %arg5[%swap3A_137, %swap3A_138] : memref<128x32xf32, #tpu.memory_space<vmem>>, vector<32x32xf32>
        tpu.vector_store %arg5[%swap3A_137, %swap3A_138], %select_n3A_136 {strides = array<i32>} : memref<128x32xf32, #tpu.memory_space<vmem>>, vector<32x32xf32>,
        %lt3A_140 = vector.broadcast %broadcast_in_dim3A_123 : vector<32x1xi32> to vector<32x32xi32>
        %lt3A_141 = arith.cmpi slt, %slice3A_80, %lt3A_140 : vector<32x32xi32>
        %eq3A_142 = vector.broadcast %broadcast_in_dim3A_123 : vector<32x1xi32> to vector<32x32xi32>
        %eq3A_143 = arith.cmpi eq, %slice3A_80, %eq3A_142 : vector<32x32xi32>
        %broadcast_in_dim3A_144 = vector.shape_cast %broadcast_in_dim3A_104 : vector<32x1xf32> to vector<32x1xf32>
        %broadcast_in_dim3A_145 = vector.broadcast %broadcast_in_dim3A_144 : vector<32x1xf32> to vector<32x32xf32>
        %select_n3A_146 = arith.select %eq3A_143, %broadcast_in_dim3A_145, %concatenate3A_128 : vector<32x32xi1>, vector<32x32xf32>
        %select_n3A_147 = arith.select %lt3A_141, %get3A_118, %select_n3A_146 : vector<32x32xi1>, vector<32x32xf32>
        %swap3A_148 = arith.constant 0 : index
        %swap3A_149 = arith.constant 0 : index
        %swap3A_150 = vector.load %arg6[%swap3A_148, %swap3A_149] : memref<128x32xf32, #tpu.memory_space<vmem>>, vector<32x32xf32>
        tpu.vector_store %arg6[%swap3A_148, %swap3A_149], %select_n3A_147 {strides = array<i32>} : memref<128x32xf32, #tpu.memory_space<vmem>>, vector<32x32xf32>,
        %get3A_151 = arith.constant 32 : index
        %get3A_152 = arith.constant 0 : index
        %get3A_153 = vector.load %arg7[%get3A_151, %get3A_152] : memref<128x1024xf32, #tpu.memory_space<vmem>>, vector<32x1024xf32>
        %get3A_154 = arith.constant 32 : index
        %get3A_155 = arith.constant 0 : index
        %get3A_156 = vector.load %arg8[%get3A_154, %get3A_155] : memref<128x1024xf32, #tpu.memory_space<vmem>>, vector<32x1024xf32>
        %reduce_min3A_157 = arith.constant dense<0x7F800000> : vector<32xf32>
        %reduce_min3A_158 = vector.multi_reduction <minimumf>, %get3A_153, %reduce_min3A_157 [1] : vector<32x1024xf32> to vector<32xf32>
        %broadcast_in_dim3A_159 = vector.shape_cast %reduce_min3A_158 : vector<32xf32> to vector<32x1xf32>
        %eq3A_160 = vector.broadcast %broadcast_in_dim3A_159 : vector<32x1xf32> to vector<32x1024xf32>
        %eq3A_161 = arith.cmpf oeq, %get3A_153, %eq3A_160 : vector<32x1024xf32>
        %jit3A_162 = arith.constant 1.000000e+09 : f32
        %broadcast_in_dim3A_163 = vector.broadcast %jit3A_162 : f32 to vector<32x1024xf32>
        %select_n3A_164 = arith.select %eq3A_161, %get3A_156, %broadcast_in_dim3A_163 : vector<32x1024xi1>, vector<32x1024xf32>
        %reduce_min3A_165 = arith.constant dense<0x7F800000> : vector<32xf32>
        %reduce_min3A_166 = vector.multi_reduction <minimumf>, %select_n3A_164, %reduce_min3A_165 [1] : vector<32x1024xf32> to vector<32xf32>
        %broadcast_in_dim3A_167 = vector.shape_cast %reduce_min3A_166 : vector<32xf32> to vector<32x1xf32>
        %eq3A_168 = vector.broadcast %broadcast_in_dim3A_167 : vector<32x1xf32> to vector<32x1024xf32>
        %eq3A_169 = arith.cmpf oeq, %get3A_156, %eq3A_168 : vector<32x1024xf32>
        %jit3A_170 = arith.constant 1.000000e+30 : f32
        %broadcast_in_dim3A_171 = vector.broadcast %jit3A_170 : f32 to vector<32x1024xf32>
        %select_n3A_172 = arith.select %eq3A_169, %broadcast_in_dim3A_171, %get3A_153 : vector<32x1024xi1>, vector<32x1024xf32>
        %swap3A_173 = arith.constant 32 : index
        %swap3A_174 = arith.constant 0 : index
        %swap3A_175 = vector.load %arg7[%swap3A_173, %swap3A_174] : memref<128x1024xf32, #tpu.memory_space<vmem>>, vector<32x1024xf32>
        tpu.vector_store %arg7[%swap3A_173, %swap3A_174], %select_n3A_172 {strides = array<i32>} : memref<128x1024xf32, #tpu.memory_space<vmem>>, vector<32x1024xf32>,
        %get3A_176 = arith.constant 32 : index
        %get3A_177 = arith.constant 0 : index
        %get3A_178 = vector.load %arg5[%get3A_176, %get3A_177] : memref<128x32xf32, #tpu.memory_space<vmem>>, vector<32x32xf32>
        %get3A_179 = arith.constant 32 : index
        %get3A_180 = arith.constant 0 : index
        %get3A_181 = vector.load %arg6[%get3A_179, %get3A_180] : memref<128x32xf32, #tpu.memory_space<vmem>>, vector<32x32xf32>
        %le3A_182 = vector.broadcast %broadcast_in_dim3A_159 : vector<32x1xf32> to vector<32x32xf32>
        %le3A_183 = arith.cmpf ole, %get3A_178, %le3A_182 : vector<32x32xf32>
        %convert_element_type3A_184 = arith.extui %le3A_183 : vector<32x32xi1> to vector<32x32xi32>
        %reduce_sum3A_185 = arith.constant dense<0> : vector<32xi32>
        %reduce_sum3A_186 = vector.multi_reduction <add>, %convert_element_type3A_184, %reduce_sum3A_185 [1] : vector<32x32xi32> to vector<32xi32>
        %broadcast_in_dim3A_187 = vector.shape_cast %reduce_sum3A_186 : vector<32xi32> to vector<32x1xi32>
        %slice3A_188 = vector.extract_strided_slice %get3A_178 {offsets = [0, 0], sizes = [32, 1], strides = [1, 1]} : vector<32x32xf32> to vector<32x1xf32>
        %slice3A_189 = vector.extract_strided_slice %get3A_178 {offsets = [0, 0], sizes = [32, 31], strides = [1, 1]} : vector<32x32xf32> to vector<32x31xf32>
        %concatenate3A_190 = tpu.concatenate %slice3A_188, %slice3A_189 in 1 : vector<32x1xf32>, vector<32x31xf32> -> vector<32x32xf32>
        %slice3A_191 = vector.extract_strided_slice %get3A_181 {offsets = [0, 0], sizes = [32, 1], strides = [1, 1]} : vector<32x32xf32> to vector<32x1xf32>
        %slice3A_192 = vector.extract_strided_slice %get3A_181 {offsets = [0, 0], sizes = [32, 31], strides = [1, 1]} : vector<32x32xf32> to vector<32x31xf32>
        %concatenate3A_193 = tpu.concatenate %slice3A_191, %slice3A_192 in 1 : vector<32x1xf32>, vector<32x31xf32> -> vector<32x32xf32>
        %lt3A_194 = vector.broadcast %broadcast_in_dim3A_187 : vector<32x1xi32> to vector<32x32xi32>
        %lt3A_195 = arith.cmpi slt, %slice3A_80, %lt3A_194 : vector<32x32xi32>
        %eq3A_196 = vector.broadcast %broadcast_in_dim3A_187 : vector<32x1xi32> to vector<32x32xi32>
        %eq3A_197 = arith.cmpi eq, %slice3A_80, %eq3A_196 : vector<32x32xi32>
        %broadcast_in_dim3A_198 = vector.shape_cast %broadcast_in_dim3A_159 : vector<32x1xf32> to vector<32x1xf32>
        %broadcast_in_dim3A_199 = vector.broadcast %broadcast_in_dim3A_198 : vector<32x1xf32> to vector<32x32xf32>
        %select_n3A_200 = arith.select %eq3A_197, %broadcast_in_dim3A_199, %concatenate3A_190 : vector<32x32xi1>, vector<32x32xf32>
        %select_n3A_201 = arith.select %lt3A_195, %get3A_178, %select_n3A_200 : vector<32x32xi1>, vector<32x32xf32>
        %swap3A_202 = arith.constant 32 : index
        %swap3A_203 = arith.constant 0 : index
        %swap3A_204 = vector.load %arg5[%swap3A_202, %swap3A_203] : memref<128x32xf32, #tpu.memory_space<vmem>>, vector<32x32xf32>
        tpu.vector_store %arg5[%swap3A_202, %swap3A_203], %select_n3A_201 {strides = array<i32>} : memref<128x32xf32, #tpu.memory_space<vmem>>, vector<32x32xf32>,
        %lt3A_205 = vector.broadcast %broadcast_in_dim3A_187 : vector<32x1xi32> to vector<32x32xi32>
        %lt3A_206 = arith.cmpi slt, %slice3A_80, %lt3A_205 : vector<32x32xi32>
        %eq3A_207 = vector.broadcast %broadcast_in_dim3A_187 : vector<32x1xi32> to vector<32x32xi32>
        %eq3A_208 = arith.cmpi eq, %slice3A_80, %eq3A_207 : vector<32x32xi32>
        %broadcast_in_dim3A_209 = vector.shape_cast %broadcast_in_dim3A_167 : vector<32x1xf32> to vector<32x1xf32>
        %broadcast_in_dim3A_210 = vector.broadcast %broadcast_in_dim3A_209 : vector<32x1xf32> to vector<32x32xf32>
        %select_n3A_211 = arith.select %eq3A_208, %broadcast_in_dim3A_210, %concatenate3A_193 : vector<32x32xi1>, vector<32x32xf32>
        %select_n3A_212 = arith.select %lt3A_206, %get3A_181, %select_n3A_211 : vector<32x32xi1>, vector<32x32xf32>
        %swap3A_213 = arith.constant 32 : index
        %swap3A_214 = arith.constant 0 : index
        %swap3A_215 = vector.load %arg6[%swap3A_213, %swap3A_214] : memref<128x32xf32, #tpu.memory_space<vmem>>, vector<32x32xf32>
        tpu.vector_store %arg6[%swap3A_213, %swap3A_214], %select_n3A_212 {strides = array<i32>} : memref<128x32xf32, #tpu.memory_space<vmem>>, vector<32x32xf32>,
        %get3A_216 = arith.constant 64 : index
        %get3A_217 = arith.constant 0 : index
        %get3A_218 = vector.load %arg7[%get3A_216, %get3A_217] : memref<128x1024xf32, #tpu.memory_space<vmem>>, vector<32x1024xf32>
        %get3A_219 = arith.constant 64 : index
        %get3A_220 = arith.constant 0 : index
        %get3A_221 = vector.load %arg8[%get3A_219, %get3A_220] : memref<128x1024xf32, #tpu.memory_space<vmem>>, vector<32x1024xf32>
        %reduce_min3A_222 = arith.constant dense<0x7F800000> : vector<32xf32>
        %reduce_min3A_223 = vector.multi_reduction <minimumf>, %get3A_218, %reduce_min3A_222 [1] : vector<32x1024xf32> to vector<32xf32>
        %broadcast_in_dim3A_224 = vector.shape_cast %reduce_min3A_223 : vector<32xf32> to vector<32x1xf32>
        %eq3A_225 = vector.broadcast %broadcast_in_dim3A_224 : vector<32x1xf32> to vector<32x1024xf32>
        %eq3A_226 = arith.cmpf oeq, %get3A_218, %eq3A_225 : vector<32x1024xf32>
        %jit3A_227 = arith.constant 1.000000e+09 : f32
        %broadcast_in_dim3A_228 = vector.broadcast %jit3A_227 : f32 to vector<32x1024xf32>
        %select_n3A_229 = arith.select %eq3A_226, %get3A_221, %broadcast_in_dim3A_228 : vector<32x1024xi1>, vector<32x1024xf32>
        %reduce_min3A_230 = arith.constant dense<0x7F800000> : vector<32xf32>
        %reduce_min3A_231 = vector.multi_reduction <minimumf>, %select_n3A_229, %reduce_min3A_230 [1] : vector<32x1024xf32> to vector<32xf32>
        %broadcast_in_dim3A_232 = vector.shape_cast %reduce_min3A_231 : vector<32xf32> to vector<32x1xf32>
        %eq3A_233 = vector.broadcast %broadcast_in_dim3A_232 : vector<32x1xf32> to vector<32x1024xf32>
        %eq3A_234 = arith.cmpf oeq, %get3A_221, %eq3A_233 : vector<32x1024xf32>
        %jit3A_235 = arith.constant 1.000000e+30 : f32
        %broadcast_in_dim3A_236 = vector.broadcast %jit3A_235 : f32 to vector<32x1024xf32>
        %select_n3A_237 = arith.select %eq3A_234, %broadcast_in_dim3A_236, %get3A_218 : vector<32x1024xi1>, vector<32x1024xf32>
        %swap3A_238 = arith.constant 64 : index
        %swap3A_239 = arith.constant 0 : index
        %swap3A_240 = vector.load %arg7[%swap3A_238, %swap3A_239] : memref<128x1024xf32, #tpu.memory_space<vmem>>, vector<32x1024xf32>
        tpu.vector_store %arg7[%swap3A_238, %swap3A_239], %select_n3A_237 {strides = array<i32>} : memref<128x1024xf32, #tpu.memory_space<vmem>>, vector<32x1024xf32>,
        %get3A_241 = arith.constant 64 : index
        %get3A_242 = arith.constant 0 : index
        %get3A_243 = vector.load %arg5[%get3A_241, %get3A_242] : memref<128x32xf32, #tpu.memory_space<vmem>>, vector<32x32xf32>
        %get3A_244 = arith.constant 64 : index
        %get3A_245 = arith.constant 0 : index
        %get3A_246 = vector.load %arg6[%get3A_244, %get3A_245] : memref<128x32xf32, #tpu.memory_space<vmem>>, vector<32x32xf32>
        %le3A_247 = vector.broadcast %broadcast_in_dim3A_224 : vector<32x1xf32> to vector<32x32xf32>
        %le3A_248 = arith.cmpf ole, %get3A_243, %le3A_247 : vector<32x32xf32>
        %convert_element_type3A_249 = arith.extui %le3A_248 : vector<32x32xi1> to vector<32x32xi32>
        %reduce_sum3A_250 = arith.constant dense<0> : vector<32xi32>
        %reduce_sum3A_251 = vector.multi_reduction <add>, %convert_element_type3A_249, %reduce_sum3A_250 [1] : vector<32x32xi32> to vector<32xi32>
        %broadcast_in_dim3A_252 = vector.shape_cast %reduce_sum3A_251 : vector<32xi32> to vector<32x1xi32>
        %slice3A_253 = vector.extract_strided_slice %get3A_243 {offsets = [0, 0], sizes = [32, 1], strides = [1, 1]} : vector<32x32xf32> to vector<32x1xf32>
        %slice3A_254 = vector.extract_strided_slice %get3A_243 {offsets = [0, 0], sizes = [32, 31], strides = [1, 1]} : vector<32x32xf32> to vector<32x31xf32>
        %concatenate3A_255 = tpu.concatenate %slice3A_253, %slice3A_254 in 1 : vector<32x1xf32>, vector<32x31xf32> -> vector<32x32xf32>
        %slice3A_256 = vector.extract_strided_slice %get3A_246 {offsets = [0, 0], sizes = [32, 1], strides = [1, 1]} : vector<32x32xf32> to vector<32x1xf32>
        %slice3A_257 = vector.extract_strided_slice %get3A_246 {offsets = [0, 0], sizes = [32, 31], strides = [1, 1]} : vector<32x32xf32> to vector<32x31xf32>
        %concatenate3A_258 = tpu.concatenate %slice3A_256, %slice3A_257 in 1 : vector<32x1xf32>, vector<32x31xf32> -> vector<32x32xf32>
        %lt3A_259 = vector.broadcast %broadcast_in_dim3A_252 : vector<32x1xi32> to vector<32x32xi32>
        %lt3A_260 = arith.cmpi slt, %slice3A_80, %lt3A_259 : vector<32x32xi32>
        %eq3A_261 = vector.broadcast %broadcast_in_dim3A_252 : vector<32x1xi32> to vector<32x32xi32>
        %eq3A_262 = arith.cmpi eq, %slice3A_80, %eq3A_261 : vector<32x32xi32>
        %broadcast_in_dim3A_263 = vector.shape_cast %broadcast_in_dim3A_224 : vector<32x1xf32> to vector<32x1xf32>
        %broadcast_in_dim3A_264 = vector.broadcast %broadcast_in_dim3A_263 : vector<32x1xf32> to vector<32x32xf32>
        %select_n3A_265 = arith.select %eq3A_262, %broadcast_in_dim3A_264, %concatenate3A_255 : vector<32x32xi1>, vector<32x32xf32>
        %select_n3A_266 = arith.select %lt3A_260, %get3A_243, %select_n3A_265 : vector<32x32xi1>, vector<32x32xf32>
        %swap3A_267 = arith.constant 64 : index
        %swap3A_268 = arith.constant 0 : index
        %swap3A_269 = vector.load %arg5[%swap3A_267, %swap3A_268] : memref<128x32xf32, #tpu.memory_space<vmem>>, vector<32x32xf32>
        tpu.vector_store %arg5[%swap3A_267, %swap3A_268], %select_n3A_266 {strides = array<i32>} : memref<128x32xf32, #tpu.memory_space<vmem>>, vector<32x32xf32>,
        %lt3A_270 = vector.broadcast %broadcast_in_dim3A_252 : vector<32x1xi32> to vector<32x32xi32>
        %lt3A_271 = arith.cmpi slt, %slice3A_80, %lt3A_270 : vector<32x32xi32>
        %eq3A_272 = vector.broadcast %broadcast_in_dim3A_252 : vector<32x1xi32> to vector<32x32xi32>
        %eq3A_273 = arith.cmpi eq, %slice3A_80, %eq3A_272 : vector<32x32xi32>
        %broadcast_in_dim3A_274 = vector.shape_cast %broadcast_in_dim3A_232 : vector<32x1xf32> to vector<32x1xf32>
        %broadcast_in_dim3A_275 = vector.broadcast %broadcast_in_dim3A_274 : vector<32x1xf32> to vector<32x32xf32>
        %select_n3A_276 = arith.select %eq3A_273, %broadcast_in_dim3A_275, %concatenate3A_258 : vector<32x32xi1>, vector<32x32xf32>
        %select_n3A_277 = arith.select %lt3A_271, %get3A_246, %select_n3A_276 : vector<32x32xi1>, vector<32x32xf32>
        %swap3A_278 = arith.constant 64 : index
        %swap3A_279 = arith.constant 0 : index
        %swap3A_280 = vector.load %arg6[%swap3A_278, %swap3A_279] : memref<128x32xf32, #tpu.memory_space<vmem>>, vector<32x32xf32>
        tpu.vector_store %arg6[%swap3A_278, %swap3A_279], %select_n3A_277 {strides = array<i32>} : memref<128x32xf32, #tpu.memory_space<vmem>>, vector<32x32xf32>,
        %get3A_281 = arith.constant 96 : index
        %get3A_282 = arith.constant 0 : index
        %get3A_283 = vector.load %arg7[%get3A_281, %get3A_282] : memref<128x1024xf32, #tpu.memory_space<vmem>>, vector<32x1024xf32>
        %get3A_284 = arith.constant 96 : index
        %get3A_285 = arith.constant 0 : index
        %get3A_286 = vector.load %arg8[%get3A_284, %get3A_285] : memref<128x1024xf32, #tpu.memory_space<vmem>>, vector<32x1024xf32>
        %reduce_min3A_287 = arith.constant dense<0x7F800000> : vector<32xf32>
        %reduce_min3A_288 = vector.multi_reduction <minimumf>, %get3A_283, %reduce_min3A_287 [1] : vector<32x1024xf32> to vector<32xf32>
        %broadcast_in_dim3A_289 = vector.shape_cast %reduce_min3A_288 : vector<32xf32> to vector<32x1xf32>
        %eq3A_290 = vector.broadcast %broadcast_in_dim3A_289 : vector<32x1xf32> to vector<32x1024xf32>
        %eq3A_291 = arith.cmpf oeq, %get3A_283, %eq3A_290 : vector<32x1024xf32>
        %jit3A_292 = arith.constant 1.000000e+09 : f32
        %broadcast_in_dim3A_293 = vector.broadcast %jit3A_292 : f32 to vector<32x1024xf32>
        %select_n3A_294 = arith.select %eq3A_291, %get3A_286, %broadcast_in_dim3A_293 : vector<32x1024xi1>, vector<32x1024xf32>
        %reduce_min3A_295 = arith.constant dense<0x7F800000> : vector<32xf32>
        %reduce_min3A_296 = vector.multi_reduction <minimumf>, %select_n3A_294, %reduce_min3A_295 [1] : vector<32x1024xf32> to vector<32xf32>
        %broadcast_in_dim3A_297 = vector.shape_cast %reduce_min3A_296 : vector<32xf32> to vector<32x1xf32>
        %eq3A_298 = vector.broadcast %broadcast_in_dim3A_297 : vector<32x1xf32> to vector<32x1024xf32>
        %eq3A_299 = arith.cmpf oeq, %get3A_286, %eq3A_298 : vector<32x1024xf32>
        %jit3A_300 = arith.constant 1.000000e+30 : f32
        %broadcast_in_dim3A_301 = vector.broadcast %jit3A_300 : f32 to vector<32x1024xf32>
        %select_n3A_302 = arith.select %eq3A_299, %broadcast_in_dim3A_301, %get3A_283 : vector<32x1024xi1>, vector<32x1024xf32>
        %swap3A_303 = arith.constant 96 : index
        %swap3A_304 = arith.constant 0 : index
        %swap3A_305 = vector.load %arg7[%swap3A_303, %swap3A_304] : memref<128x1024xf32, #tpu.memory_space<vmem>>, vector<32x1024xf32>
        tpu.vector_store %arg7[%swap3A_303, %swap3A_304], %select_n3A_302 {strides = array<i32>} : memref<128x1024xf32, #tpu.memory_space<vmem>>, vector<32x1024xf32>,
        %get3A_306 = arith.constant 96 : index
        %get3A_307 = arith.constant 0 : index
        %get3A_308 = vector.load %arg5[%get3A_306, %get3A_307] : memref<128x32xf32, #tpu.memory_space<vmem>>, vector<32x32xf32>
        %get3A_309 = arith.constant 96 : index
        %get3A_310 = arith.constant 0 : index
        %get3A_311 = vector.load %arg6[%get3A_309, %get3A_310] : memref<128x32xf32, #tpu.memory_space<vmem>>, vector<32x32xf32>
        %le3A_312 = vector.broadcast %broadcast_in_dim3A_289 : vector<32x1xf32> to vector<32x32xf32>
        %le3A_313 = arith.cmpf ole, %get3A_308, %le3A_312 : vector<32x32xf32>
        %convert_element_type3A_314 = arith.extui %le3A_313 : vector<32x32xi1> to vector<32x32xi32>
        %reduce_sum3A_315 = arith.constant dense<0> : vector<32xi32>
        %reduce_sum3A_316 = vector.multi_reduction <add>, %convert_element_type3A_314, %reduce_sum3A_315 [1] : vector<32x32xi32> to vector<32xi32>
        %broadcast_in_dim3A_317 = vector.shape_cast %reduce_sum3A_316 : vector<32xi32> to vector<32x1xi32>
        %slice3A_318 = vector.extract_strided_slice %get3A_308 {offsets = [0, 0], sizes = [32, 1], strides = [1, 1]} : vector<32x32xf32> to vector<32x1xf32>
        %slice3A_319 = vector.extract_strided_slice %get3A_308 {offsets = [0, 0], sizes = [32, 31], strides = [1, 1]} : vector<32x32xf32> to vector<32x31xf32>
        %concatenate3A_320 = tpu.concatenate %slice3A_318, %slice3A_319 in 1 : vector<32x1xf32>, vector<32x31xf32> -> vector<32x32xf32>
        %slice3A_321 = vector.extract_strided_slice %get3A_311 {offsets = [0, 0], sizes = [32, 1], strides = [1, 1]} : vector<32x32xf32> to vector<32x1xf32>
        %slice3A_322 = vector.extract_strided_slice %get3A_311 {offsets = [0, 0], sizes = [32, 31], strides = [1, 1]} : vector<32x32xf32> to vector<32x31xf32>
        %concatenate3A_323 = tpu.concatenate %slice3A_321, %slice3A_322 in 1 : vector<32x1xf32>, vector<32x31xf32> -> vector<32x32xf32>
        %lt3A_324 = vector.broadcast %broadcast_in_dim3A_317 : vector<32x1xi32> to vector<32x32xi32>
        %lt3A_325 = arith.cmpi slt, %slice3A_80, %lt3A_324 : vector<32x32xi32>
        %eq3A_326 = vector.broadcast %broadcast_in_dim3A_317 : vector<32x1xi32> to vector<32x32xi32>
        %eq3A_327 = arith.cmpi eq, %slice3A_80, %eq3A_326 : vector<32x32xi32>
        %broadcast_in_dim3A_328 = vector.shape_cast %broadcast_in_dim3A_289 : vector<32x1xf32> to vector<32x1xf32>
        %broadcast_in_dim3A_329 = vector.broadcast %broadcast_in_dim3A_328 : vector<32x1xf32> to vector<32x32xf32>
        %select_n3A_330 = arith.select %eq3A_327, %broadcast_in_dim3A_329, %concatenate3A_320 : vector<32x32xi1>, vector<32x32xf32>
        %select_n3A_331 = arith.select %lt3A_325, %get3A_308, %select_n3A_330 : vector<32x32xi1>, vector<32x32xf32>
        %swap3A_332 = arith.constant 96 : index
        %swap3A_333 = arith.constant 0 : index
        %swap3A_334 = vector.load %arg5[%swap3A_332, %swap3A_333] : memref<128x32xf32, #tpu.memory_space<vmem>>, vector<32x32xf32>
        tpu.vector_store %arg5[%swap3A_332, %swap3A_333], %select_n3A_331 {strides = array<i32>} : memref<128x32xf32, #tpu.memory_space<vmem>>, vector<32x32xf32>,
        %lt3A_335 = vector.broadcast %broadcast_in_dim3A_317 : vector<32x1xi32> to vector<32x32xi32>
        %lt3A_336 = arith.cmpi slt, %slice3A_80, %lt3A_335 : vector<32x32xi32>
        %eq3A_337 = vector.broadcast %broadcast_in_dim3A_317 : vector<32x1xi32> to vector<32x32xi32>
        %eq3A_338 = arith.cmpi eq, %slice3A_80, %eq3A_337 : vector<32x32xi32>
        %broadcast_in_dim3A_339 = vector.shape_cast %broadcast_in_dim3A_297 : vector<32x1xf32> to vector<32x1xf32>
        %broadcast_in_dim3A_340 = vector.broadcast %broadcast_in_dim3A_339 : vector<32x1xf32> to vector<32x32xf32>
        %select_n3A_341 = arith.select %eq3A_338, %broadcast_in_dim3A_340, %concatenate3A_323 : vector<32x32xi1>, vector<32x32xf32>
        %select_n3A_342 = arith.select %lt3A_336, %get3A_311, %select_n3A_341 : vector<32x32xi1>, vector<32x32xf32>
        %swap3A_343 = arith.constant 96 : index
        %swap3A_344 = arith.constant 0 : index
        %swap3A_345 = vector.load %arg6[%swap3A_343, %swap3A_344] : memref<128x32xf32, #tpu.memory_space<vmem>>, vector<32x32xf32>
        tpu.vector_store %arg6[%swap3A_343, %swap3A_344], %select_n3A_342 {strides = array<i32>} : memref<128x32xf32, #tpu.memory_space<vmem>>, vector<32x32xf32>,
      }
    } else {
    }
    %eq3A_61 = arith.constant 24 : i32
    %eq3A_62 = arith.cmpi eq, %arg1, %eq3A_61 : i32
    %convert_element_type3A_63 = arith.extui %eq3A_62 : i1 to i32
    %cond3A_64 = arith.constant 0 : i32
    %cond3A_65 = arith.cmpi ne, %convert_element_type3A_63, %cond3A_64 : i32
    scf.if %cond3A_65 {
      %get3A_66 = arith.constant 0 : index
      %get3A_67 = arith.constant 0 : index
      %get3A_68 = vector.load %arg6[%get3A_66, %get3A_67] : memref<128x32xf32, #tpu.memory_space<vmem>>, vector<128x32xf32>
      %convert_element_type3A_69 = arith.fptosi %get3A_68 : vector<128x32xf32> to vector<128x32xi32>
      %swap3A = arith.constant 0 : index
      %swap3A_70 = arith.constant 0 : index
      %swap3A_71 = vector.load %arg4[%swap3A, %swap3A_70] : memref<128x32xi32, #tpu.memory_space<vmem>>, vector<128x32xi32>
      tpu.vector_store %arg4[%swap3A, %swap3A_70], %convert_element_type3A_69 {strides = array<i32>} : memref<128x32xi32, #tpu.memory_space<vmem>>, vector<128x32xi32>,
    } else {
    }
    return
  }
  func.func @transform_0(%arg0: i32, %arg1: i32) -> (i32, i32) {
    %c0_i32 = arith.constant 0 : i32
    %c0_i32_0 = arith.constant 0 : i32
    return %arg0, %c0_i32 : i32, i32
  }
  func.func @transform_1(%arg0: i32, %arg1: i32) -> (i32, i32) {
    %c0_i32 = arith.constant 0 : i32
    %c0_i32_0 = arith.constant 0 : i32
    return %c0_i32, %arg1 : i32, i32
  }
  func.func @transform_2(%arg0: i32, %arg1: i32) -> (i32, i32) {
    %c0_i32 = arith.constant 0 : i32
    %c0_i32_0 = arith.constant 0 : i32
    return %arg0, %c0_i32 : i32, i32
  }
}

module attributes {stable_mosaic.version = 14 : i64} {
  func.func @_proj_body(%arg0: i32, %arg1: memref<256x128xf32, #tpu.memory_space<vmem>>, %arg2: memref<256x8xf32, #tpu.memory_space<vmem>>, %arg3: memref<128x256xf32, #tpu.memory_space<vmem>>, %arg4: memref<8x128xf32, #tpu.memory_space<vmem>>, %arg5: memref<256x384xf32, #tpu.memory_space<vmem>>) attributes {dimension_semantics = [#tpu.dimension_semantics<arbitrary>], iteration_bounds = array<i64: 200>, scalar_prefetch = 0 : i64, scratch_operands = 0 : i64, tpu.core_type = #tpu.core_type<tc>, window_params = [{transform_indices = @transform_0, window_bounds = array<i64: 256, 128>}, {transform_indices = @transform_1, window_bounds = array<i64: 256, 8>}, {pipeline_mode = #tpu.pipeline_mode<synchronous>, transform_indices = @transform_2, window_bounds = array<i64: 128, 256>}, {pipeline_mode = #tpu.pipeline_mode<synchronous>, transform_indices = @transform_3, window_bounds = array<i64: 8, 128>}, {transform_indices = @transform_4, window_bounds = array<i64: 256, 384>}]} {
    %get3A = arith.constant 0 : index
    %get3A_0 = arith.constant 0 : index
    %get3A_1 = vector.load %arg1[%get3A, %get3A_0] : memref<256x128xf32, #tpu.memory_space<vmem>>, vector<256x128xf32>
    %get3A_2 = arith.constant 0 : index
    %get3A_3 = arith.constant 0 : index
    %get3A_4 = vector.load %arg3[%get3A_2, %get3A_3] : memref<128x256xf32, #tpu.memory_space<vmem>>, vector<128x256xf32>
    %dot_general3A = arith.constant dense<0.000000e+00> : vector<256x256xf32>
    %dot_general3A_5 = tpu.matmul %get3A_1, %get3A_4, %dot_general3A {dimension_numbers = #tpu.dot_dimension_numbers<[1], [0], [0], [1], [0, 0, 1, 1], [], []>, transpose_lhs_hint = false} : vector<256x128xf32>, vector<128x256xf32>, vector<256x256xf32> -> vector<256x256xf32>
    %swap3A = arith.constant 0 : index
    %swap3A_6 = arith.constant 0 : index
    %swap3A_7 = vector.load %arg5[%swap3A, %swap3A_6] : memref<256x384xf32, #tpu.memory_space<vmem>>, vector<256x256xf32>
    tpu.vector_store %arg5[%swap3A, %swap3A_6], %dot_general3A_5 {strides = array<i32>} : memref<256x384xf32, #tpu.memory_space<vmem>>, vector<256x256xf32>,
    %get3A_8 = arith.constant 0 : index
    %get3A_9 = arith.constant 0 : index
    %get3A_10 = vector.load %arg2[%get3A_8, %get3A_9] : memref<256x8xf32, #tpu.memory_space<vmem>>, vector<256x8xf32>
    %get3A_11 = arith.constant 0 : index
    %get3A_12 = arith.constant 0 : index
    %get3A_13 = vector.load %arg4[%get3A_11, %get3A_12] : memref<8x128xf32, #tpu.memory_space<vmem>>, vector<8x128xf32>
    %broadcast_in_dim3A = arith.constant 0.000000e+00 : f32
    %broadcast_in_dim3A_14 = vector.broadcast %broadcast_in_dim3A : f32 to vector<256x128xf32>
    %slice3A = vector.extract_strided_slice %get3A_10 {offsets = [0, 0], sizes = [256, 1], strides = [1, 1]} : vector<256x8xf32> to vector<256x1xf32>
    %slice3A_15 = vector.extract_strided_slice %get3A_13 {offsets = [0, 0], sizes = [1, 128], strides = [1, 1]} : vector<8x128xf32> to vector<1x128xf32>
    %mul3A = vector.broadcast %slice3A : vector<256x1xf32> to vector<256x128xf32>
    %mul3A_16 = vector.broadcast %slice3A_15 : vector<1x128xf32> to vector<256x128xf32>
    %mul3A_17 = arith.mulf %mul3A, %mul3A_16 : vector<256x128xf32>
    %add3A = arith.addf %broadcast_in_dim3A_14, %mul3A_17 : vector<256x128xf32>
    %slice3A_18 = vector.extract_strided_slice %get3A_10 {offsets = [0, 1], sizes = [256, 1], strides = [1, 1]} : vector<256x8xf32> to vector<256x1xf32>
    %slice3A_19 = vector.extract_strided_slice %get3A_13 {offsets = [1, 0], sizes = [1, 128], strides = [1, 1]} : vector<8x128xf32> to vector<1x128xf32>
    %mul3A_20 = vector.broadcast %slice3A_18 : vector<256x1xf32> to vector<256x128xf32>
    %mul3A_21 = vector.broadcast %slice3A_19 : vector<1x128xf32> to vector<256x128xf32>
    %mul3A_22 = arith.mulf %mul3A_20, %mul3A_21 : vector<256x128xf32>
    %add3A_23 = arith.addf %add3A, %mul3A_22 : vector<256x128xf32>
    %slice3A_24 = vector.extract_strided_slice %get3A_10 {offsets = [0, 2], sizes = [256, 1], strides = [1, 1]} : vector<256x8xf32> to vector<256x1xf32>
    %slice3A_25 = vector.extract_strided_slice %get3A_13 {offsets = [2, 0], sizes = [1, 128], strides = [1, 1]} : vector<8x128xf32> to vector<1x128xf32>
    %mul3A_26 = vector.broadcast %slice3A_24 : vector<256x1xf32> to vector<256x128xf32>
    %mul3A_27 = vector.broadcast %slice3A_25 : vector<1x128xf32> to vector<256x128xf32>
    %mul3A_28 = arith.mulf %mul3A_26, %mul3A_27 : vector<256x128xf32>
    %add3A_29 = arith.addf %add3A_23, %mul3A_28 : vector<256x128xf32>
    %swap3A_30 = arith.constant 0 : index
    %swap3A_31 = arith.constant 256 : index
    %swap3A_32 = vector.load %arg5[%swap3A_30, %swap3A_31] : memref<256x384xf32, #tpu.memory_space<vmem>>, vector<256x128xf32>
    tpu.vector_store %arg5[%swap3A_30, %swap3A_31], %add3A_29 {strides = array<i32>} : memref<256x384xf32, #tpu.memory_space<vmem>>, vector<256x128xf32>,
    return
  }
  func.func @transform_0(%arg0: i32) -> (i32, i32) {
    %c0_i32 = arith.constant 0 : i32
    %c0_i32_0 = arith.constant 0 : i32
    return %arg0, %c0_i32 : i32, i32
  }
  func.func @transform_1(%arg0: i32) -> (i32, i32) {
    %c0_i32 = arith.constant 0 : i32
    %c0_i32_0 = arith.constant 0 : i32
    return %arg0, %c0_i32 : i32, i32
  }
  func.func @transform_2(%arg0: i32) -> (i32, i32) {
    %c0_i32 = arith.constant 0 : i32
    %c0_i32_0 = arith.constant 0 : i32
    %c0_i32_1 = arith.constant 0 : i32
    return %c0_i32, %c0_i32_0 : i32, i32
  }
  func.func @transform_3(%arg0: i32) -> (i32, i32) {
    %c0_i32 = arith.constant 0 : i32
    %c0_i32_0 = arith.constant 0 : i32
    %c0_i32_1 = arith.constant 0 : i32
    return %c0_i32, %c0_i32_0 : i32, i32
  }
  func.func @transform_4(%arg0: i32) -> (i32, i32) {
    %c0_i32 = arith.constant 0 : i32
    %c0_i32_0 = arith.constant 0 : i32
    return %arg0, %c0_i32 : i32, i32
  }
}

module attributes {stable_mosaic.version = 14 : i64} {
  func.func @_attn_body(%arg0: i32, %arg1: memref<64x32x384xf32, #tpu.memory_space<vmem>>, %arg2: memref<64x128xf32, #tpu.memory_space<vmem>>, %arg3: memref<64x8xf32, #tpu.memory_space<vmem>>, %arg4: memref<128x128xf32, #tpu.memory_space<vmem>>, %arg5: memref<8x128xf32, #tpu.memory_space<vmem>>, %arg6: memref<1x128xf32, #tpu.memory_space<vmem>>, %arg7: memref<128x128xf32, #tpu.memory_space<vmem>>, %arg8: memref<1x128xf32, #tpu.memory_space<vmem>>, %arg9: memref<64x128xf32, #tpu.memory_space<vmem>>) attributes {dimension_semantics = [#tpu.dimension_semantics<arbitrary>], iteration_bounds = array<i64: 158>, scalar_prefetch = 0 : i64, scratch_operands = 0 : i64, tpu.core_type = #tpu.core_type<tc>, window_params = [{transform_indices = @transform_0, window_bounds = array<i64: 64, 32, 384>}, {transform_indices = @transform_1, window_bounds = array<i64: 64, 128>}, {transform_indices = @transform_2, window_bounds = array<i64: 64, 8>}, {pipeline_mode = #tpu.pipeline_mode<synchronous>, transform_indices = @transform_3, window_bounds = array<i64: 128, 128>}, {pipeline_mode = #tpu.pipeline_mode<synchronous>, transform_indices = @transform_4, window_bounds = array<i64: 8, 128>}, {pipeline_mode = #tpu.pipeline_mode<synchronous>, transform_indices = @transform_5, window_bounds = array<i64: 1, 128>}, {pipeline_mode = #tpu.pipeline_mode<synchronous>, transform_indices = @transform_6, window_bounds = array<i64: 128, 128>}, {pipeline_mode = #tpu.pipeline_mode<synchronous>, transform_indices = @transform_7, window_bounds = array<i64: 1, 128>}, {transform_indices = @transform_8, window_bounds = array<i64: 64, 128>}]} {
    %get3A = arith.constant 0 : index
    %get3A_0 = arith.constant 0 : index
    %get3A_1 = arith.constant 0 : index
    %get3A_2 = vector.load %arg1[%get3A, %get3A_0, %get3A_1] : memref<64x32x384xf32, #tpu.memory_space<vmem>>, vector<64x32x384xf32>
    %slice3A = vector.extract_strided_slice %get3A_2 {offsets = [0, 0, 0], sizes = [64, 32, 128], strides = [1, 1, 1]} : vector<64x32x384xf32> to vector<64x32x128xf32>
    %slice3A_3 = vector.extract_strided_slice %get3A_2 {offsets = [0, 0, 128], sizes = [64, 32, 128], strides = [1, 1, 1]} : vector<64x32x384xf32> to vector<64x32x128xf32>
    %slice3A_4 = vector.extract_strided_slice %get3A_2 {offsets = [0, 0, 256], sizes = [64, 32, 128], strides = [1, 1, 1]} : vector<64x32x384xf32> to vector<64x32x128xf32>
    %get3A_5 = arith.constant 0 : index
    %get3A_6 = arith.constant 0 : index
    %get3A_7 = vector.load %arg2[%get3A_5, %get3A_6] : memref<64x128xf32, #tpu.memory_space<vmem>>, vector<64x128xf32>
    %get3A_8 = arith.constant 0 : index
    %get3A_9 = arith.constant 0 : index
    %get3A_10 = vector.load %arg4[%get3A_8, %get3A_9] : memref<128x128xf32, #tpu.memory_space<vmem>>, vector<128x128xf32>
    %dot_general3A = arith.constant dense<0.000000e+00> : vector<64x128xf32>
    %dot_general3A_11 = tpu.matmul %get3A_7, %get3A_10, %dot_general3A {dimension_numbers = #tpu.dot_dimension_numbers<[1], [0], [0], [1], [0, 0, 1, 1], [], []>, transpose_lhs_hint = false} : vector<64x128xf32>, vector<128x128xf32>, vector<64x128xf32> -> vector<64x128xf32>
    %get3A_12 = arith.constant 0 : index
    %get3A_13 = arith.constant 0 : index
    %get3A_14 = vector.load %arg3[%get3A_12, %get3A_13] : memref<64x8xf32, #tpu.memory_space<vmem>>, vector<64x8xf32>
    %get3A_15 = arith.constant 0 : index
    %get3A_16 = arith.constant 0 : index
    %get3A_17 = vector.load %arg5[%get3A_15, %get3A_16] : memref<8x128xf32, #tpu.memory_space<vmem>>, vector<8x128xf32>
    %get3A_18 = arith.constant 0 : index
    %get3A_19 = arith.constant 0 : index
    %get3A_20 = vector.load %arg6[%get3A_18, %get3A_19] : memref<1x128xf32, #tpu.memory_space<vmem>>, vector<1x128xf32>
    %broadcast_in_dim3A = vector.shape_cast %get3A_20 : vector<1x128xf32> to vector<1x128xf32>
    %broadcast_in_dim3A_21 = vector.broadcast %broadcast_in_dim3A : vector<1x128xf32> to vector<64x128xf32>
    %slice3A_22 = vector.extract_strided_slice %get3A_14 {offsets = [0, 0], sizes = [64, 1], strides = [1, 1]} : vector<64x8xf32> to vector<64x1xf32>
    %slice3A_23 = vector.extract_strided_slice %get3A_17 {offsets = [0, 0], sizes = [1, 128], strides = [1, 1]} : vector<8x128xf32> to vector<1x128xf32>
    %mul3A = vector.broadcast %slice3A_22 : vector<64x1xf32> to vector<64x128xf32>
    %mul3A_24 = vector.broadcast %slice3A_23 : vector<1x128xf32> to vector<64x128xf32>
    %mul3A_25 = arith.mulf %mul3A, %mul3A_24 : vector<64x128xf32>
    %add3A = arith.addf %broadcast_in_dim3A_21, %mul3A_25 : vector<64x128xf32>
    %slice3A_26 = vector.extract_strided_slice %get3A_14 {offsets = [0, 1], sizes = [64, 1], strides = [1, 1]} : vector<64x8xf32> to vector<64x1xf32>
    %slice3A_27 = vector.extract_strided_slice %get3A_17 {offsets = [1, 0], sizes = [1, 128], strides = [1, 1]} : vector<8x128xf32> to vector<1x128xf32>
    %mul3A_28 = vector.broadcast %slice3A_26 : vector<64x1xf32> to vector<64x128xf32>
    %mul3A_29 = vector.broadcast %slice3A_27 : vector<1x128xf32> to vector<64x128xf32>
    %mul3A_30 = arith.mulf %mul3A_28, %mul3A_29 : vector<64x128xf32>
    %add3A_31 = arith.addf %add3A, %mul3A_30 : vector<64x128xf32>
    %slice3A_32 = vector.extract_strided_slice %get3A_14 {offsets = [0, 2], sizes = [64, 1], strides = [1, 1]} : vector<64x8xf32> to vector<64x1xf32>
    %slice3A_33 = vector.extract_strided_slice %get3A_17 {offsets = [2, 0], sizes = [1, 128], strides = [1, 1]} : vector<8x128xf32> to vector<1x128xf32>
    %mul3A_34 = vector.broadcast %slice3A_32 : vector<64x1xf32> to vector<64x128xf32>
    %mul3A_35 = vector.broadcast %slice3A_33 : vector<1x128xf32> to vector<64x128xf32>
    %mul3A_36 = arith.mulf %mul3A_34, %mul3A_35 : vector<64x128xf32>
    %add3A_37 = arith.addf %add3A_31, %mul3A_36 : vector<64x128xf32>
    %broadcast_in_dim3A_38 = vector.shape_cast %add3A_37 : vector<64x128xf32> to vector<64x1x128xf32>
    %sub3A = vector.broadcast %broadcast_in_dim3A_38 : vector<64x1x128xf32> to vector<64x32x128xf32>
    %sub3A_39 = arith.subf %sub3A, %slice3A_4 : vector<64x32x128xf32>
    %neg3A = arith.constant 0.000000e+00 : f32
    %neg3A_40 = vector.broadcast %neg3A : f32 to vector<64x32x128xf32>
    %neg3A_41 = arith.subf %neg3A_40, %sub3A_39 : vector<64x32x128xf32>
    %exp3A = math.exp %neg3A_41 : vector<64x32x128xf32>
    %add3A_42 = arith.constant 1.000000e+00 : f32
    %add3A_43 = vector.broadcast %add3A_42 : f32 to vector<64x32x128xf32>
    %add3A_44 = arith.addf %add3A_43, %exp3A : vector<64x32x128xf32>
    %div3A = arith.constant 1.000000e+00 : f32
    %div3A_45 = vector.broadcast %div3A : f32 to vector<64x32x128xf32>
    %div3A_46 = arith.divf %div3A_45, %add3A_44 : vector<64x32x128xf32>
    %mul3A_47 = arith.mulf %sub3A_39, %div3A_46 : vector<64x32x128xf32>
    %broadcast_in_dim3A_48 = vector.shape_cast %dot_general3A_11 : vector<64x128xf32> to vector<64x1x128xf32>
    %sub3A_49 = vector.broadcast %broadcast_in_dim3A_48 : vector<64x1x128xf32> to vector<64x32x128xf32>
    %sub3A_50 = arith.subf %sub3A_49, %slice3A_3 : vector<64x32x128xf32>
    %add3A_51 = arith.addf %sub3A_50, %mul3A_47 : vector<64x32x128xf32>
    %reshape3A = vector.shape_cast %add3A_51 : vector<64x32x128xf32> to vector<2048x128xf32>
    %get3A_52 = arith.constant 0 : index
    %get3A_53 = arith.constant 0 : index
    %get3A_54 = vector.load %arg7[%get3A_52, %get3A_53] : memref<128x128xf32, #tpu.memory_space<vmem>>, vector<128x128xf32>
    %dot_general3A_55 = arith.constant dense<0.000000e+00> : vector<2048x128xf32>
    %dot_general3A_56 = tpu.matmul %reshape3A, %get3A_54, %dot_general3A_55 {dimension_numbers = #tpu.dot_dimension_numbers<[1], [0], [0], [1], [0, 0, 1, 1], [], []>, transpose_lhs_hint = false} : vector<2048x128xf32>, vector<128x128xf32>, vector<2048x128xf32> -> vector<2048x128xf32>
    %get3A_57 = arith.constant 0 : index
    %get3A_58 = arith.constant 0 : index
    %get3A_59 = vector.load %arg8[%get3A_57, %get3A_58] : memref<1x128xf32, #tpu.memory_space<vmem>>, vector<1x128xf32>
    %add3A_60 = vector.broadcast %get3A_59 : vector<1x128xf32> to vector<2048x128xf32>
    %add3A_61 = arith.addf %dot_general3A_56, %add3A_60 : vector<2048x128xf32>
    %neg3A_62 = arith.constant 0.000000e+00 : f32
    %neg3A_63 = vector.broadcast %neg3A_62 : f32 to vector<2048x128xf32>
    %neg3A_64 = arith.subf %neg3A_63, %add3A_61 : vector<2048x128xf32>
    %exp3A_65 = math.exp %neg3A_64 : vector<2048x128xf32>
    %add3A_66 = arith.constant 1.000000e+00 : f32
    %add3A_67 = vector.broadcast %add3A_66 : f32 to vector<2048x128xf32>
    %add3A_68 = arith.addf %add3A_67, %exp3A_65 : vector<2048x128xf32>
    %div3A_69 = arith.constant 1.000000e+00 : f32
    %div3A_70 = vector.broadcast %div3A_69 : f32 to vector<2048x128xf32>
    %div3A_71 = arith.divf %div3A_70, %add3A_68 : vector<2048x128xf32>
    %mul3A_72 = arith.mulf %add3A_61, %div3A_71 : vector<2048x128xf32>
    %reshape3A_73 = vector.shape_cast %mul3A_72 : vector<2048x128xf32> to vector<64x32x128xf32>
    %slice3A_74 = vector.extract_strided_slice %reshape3A_73 {offsets = [0, 0, 0], sizes = [64, 1, 128], strides = [1, 1, 1]} : vector<64x32x128xf32> to vector<64x1x128xf32>
    %squeeze3A = vector.shape_cast %slice3A_74 : vector<64x1x128xf32> to vector<64x128xf32>
    %slice3A_75 = vector.extract_strided_slice %reshape3A_73 {offsets = [0, 1, 0], sizes = [64, 1, 128], strides = [1, 1, 1]} : vector<64x32x128xf32> to vector<64x1x128xf32>
    %squeeze3A_76 = vector.shape_cast %slice3A_75 : vector<64x1x128xf32> to vector<64x128xf32>
    %max3A = arith.maximumf %squeeze3A, %squeeze3A_76 : vector<64x128xf32>
    %slice3A_77 = vector.extract_strided_slice %reshape3A_73 {offsets = [0, 2, 0], sizes = [64, 1, 128], strides = [1, 1, 1]} : vector<64x32x128xf32> to vector<64x1x128xf32>
    %squeeze3A_78 = vector.shape_cast %slice3A_77 : vector<64x1x128xf32> to vector<64x128xf32>
    %max3A_79 = arith.maximumf %max3A, %squeeze3A_78 : vector<64x128xf32>
    %slice3A_80 = vector.extract_strided_slice %reshape3A_73 {offsets = [0, 3, 0], sizes = [64, 1, 128], strides = [1, 1, 1]} : vector<64x32x128xf32> to vector<64x1x128xf32>
    %squeeze3A_81 = vector.shape_cast %slice3A_80 : vector<64x1x128xf32> to vector<64x128xf32>
    %max3A_82 = arith.maximumf %max3A_79, %squeeze3A_81 : vector<64x128xf32>
    %slice3A_83 = vector.extract_strided_slice %reshape3A_73 {offsets = [0, 4, 0], sizes = [64, 1, 128], strides = [1, 1, 1]} : vector<64x32x128xf32> to vector<64x1x128xf32>
    %squeeze3A_84 = vector.shape_cast %slice3A_83 : vector<64x1x128xf32> to vector<64x128xf32>
    %max3A_85 = arith.maximumf %max3A_82, %squeeze3A_84 : vector<64x128xf32>
    %slice3A_86 = vector.extract_strided_slice %reshape3A_73 {offsets = [0, 5, 0], sizes = [64, 1, 128], strides = [1, 1, 1]} : vector<64x32x128xf32> to vector<64x1x128xf32>
    %squeeze3A_87 = vector.shape_cast %slice3A_86 : vector<64x1x128xf32> to vector<64x128xf32>
    %max3A_88 = arith.maximumf %max3A_85, %squeeze3A_87 : vector<64x128xf32>
    %slice3A_89 = vector.extract_strided_slice %reshape3A_73 {offsets = [0, 6, 0], sizes = [64, 1, 128], strides = [1, 1, 1]} : vector<64x32x128xf32> to vector<64x1x128xf32>
    %squeeze3A_90 = vector.shape_cast %slice3A_89 : vector<64x1x128xf32> to vector<64x128xf32>
    %max3A_91 = arith.maximumf %max3A_88, %squeeze3A_90 : vector<64x128xf32>
    %slice3A_92 = vector.extract_strided_slice %reshape3A_73 {offsets = [0, 7, 0], sizes = [64, 1, 128], strides = [1, 1, 1]} : vector<64x32x128xf32> to vector<64x1x128xf32>
    %squeeze3A_93 = vector.shape_cast %slice3A_92 : vector<64x1x128xf32> to vector<64x128xf32>
    %max3A_94 = arith.maximumf %max3A_91, %squeeze3A_93 : vector<64x128xf32>
    %slice3A_95 = vector.extract_strided_slice %reshape3A_73 {offsets = [0, 8, 0], sizes = [64, 1, 128], strides = [1, 1, 1]} : vector<64x32x128xf32> to vector<64x1x128xf32>
    %squeeze3A_96 = vector.shape_cast %slice3A_95 : vector<64x1x128xf32> to vector<64x128xf32>
    %max3A_97 = arith.maximumf %max3A_94, %squeeze3A_96 : vector<64x128xf32>
    %slice3A_98 = vector.extract_strided_slice %reshape3A_73 {offsets = [0, 9, 0], sizes = [64, 1, 128], strides = [1, 1, 1]} : vector<64x32x128xf32> to vector<64x1x128xf32>
    %squeeze3A_99 = vector.shape_cast %slice3A_98 : vector<64x1x128xf32> to vector<64x128xf32>
    %max3A_100 = arith.maximumf %max3A_97, %squeeze3A_99 : vector<64x128xf32>
    %slice3A_101 = vector.extract_strided_slice %reshape3A_73 {offsets = [0, 10, 0], sizes = [64, 1, 128], strides = [1, 1, 1]} : vector<64x32x128xf32> to vector<64x1x128xf32>
    %squeeze3A_102 = vector.shape_cast %slice3A_101 : vector<64x1x128xf32> to vector<64x128xf32>
    %max3A_103 = arith.maximumf %max3A_100, %squeeze3A_102 : vector<64x128xf32>
    %slice3A_104 = vector.extract_strided_slice %reshape3A_73 {offsets = [0, 11, 0], sizes = [64, 1, 128], strides = [1, 1, 1]} : vector<64x32x128xf32> to vector<64x1x128xf32>
    %squeeze3A_105 = vector.shape_cast %slice3A_104 : vector<64x1x128xf32> to vector<64x128xf32>
    %max3A_106 = arith.maximumf %max3A_103, %squeeze3A_105 : vector<64x128xf32>
    %slice3A_107 = vector.extract_strided_slice %reshape3A_73 {offsets = [0, 12, 0], sizes = [64, 1, 128], strides = [1, 1, 1]} : vector<64x32x128xf32> to vector<64x1x128xf32>
    %squeeze3A_108 = vector.shape_cast %slice3A_107 : vector<64x1x128xf32> to vector<64x128xf32>
    %max3A_109 = arith.maximumf %max3A_106, %squeeze3A_108 : vector<64x128xf32>
    %slice3A_110 = vector.extract_strided_slice %reshape3A_73 {offsets = [0, 13, 0], sizes = [64, 1, 128], strides = [1, 1, 1]} : vector<64x32x128xf32> to vector<64x1x128xf32>
    %squeeze3A_111 = vector.shape_cast %slice3A_110 : vector<64x1x128xf32> to vector<64x128xf32>
    %max3A_112 = arith.maximumf %max3A_109, %squeeze3A_111 : vector<64x128xf32>
    %slice3A_113 = vector.extract_strided_slice %reshape3A_73 {offsets = [0, 14, 0], sizes = [64, 1, 128], strides = [1, 1, 1]} : vector<64x32x128xf32> to vector<64x1x128xf32>
    %squeeze3A_114 = vector.shape_cast %slice3A_113 : vector<64x1x128xf32> to vector<64x128xf32>
    %max3A_115 = arith.maximumf %max3A_112, %squeeze3A_114 : vector<64x128xf32>
    %slice3A_116 = vector.extract_strided_slice %reshape3A_73 {offsets = [0, 15, 0], sizes = [64, 1, 128], strides = [1, 1, 1]} : vector<64x32x128xf32> to vector<64x1x128xf32>
    %squeeze3A_117 = vector.shape_cast %slice3A_116 : vector<64x1x128xf32> to vector<64x128xf32>
    %max3A_118 = arith.maximumf %max3A_115, %squeeze3A_117 : vector<64x128xf32>
    %slice3A_119 = vector.extract_strided_slice %reshape3A_73 {offsets = [0, 16, 0], sizes = [64, 1, 128], strides = [1, 1, 1]} : vector<64x32x128xf32> to vector<64x1x128xf32>
    %squeeze3A_120 = vector.shape_cast %slice3A_119 : vector<64x1x128xf32> to vector<64x128xf32>
    %max3A_121 = arith.maximumf %max3A_118, %squeeze3A_120 : vector<64x128xf32>
    %slice3A_122 = vector.extract_strided_slice %reshape3A_73 {offsets = [0, 17, 0], sizes = [64, 1, 128], strides = [1, 1, 1]} : vector<64x32x128xf32> to vector<64x1x128xf32>
    %squeeze3A_123 = vector.shape_cast %slice3A_122 : vector<64x1x128xf32> to vector<64x128xf32>
    %max3A_124 = arith.maximumf %max3A_121, %squeeze3A_123 : vector<64x128xf32>
    %slice3A_125 = vector.extract_strided_slice %reshape3A_73 {offsets = [0, 18, 0], sizes = [64, 1, 128], strides = [1, 1, 1]} : vector<64x32x128xf32> to vector<64x1x128xf32>
    %squeeze3A_126 = vector.shape_cast %slice3A_125 : vector<64x1x128xf32> to vector<64x128xf32>
    %max3A_127 = arith.maximumf %max3A_124, %squeeze3A_126 : vector<64x128xf32>
    %slice3A_128 = vector.extract_strided_slice %reshape3A_73 {offsets = [0, 19, 0], sizes = [64, 1, 128], strides = [1, 1, 1]} : vector<64x32x128xf32> to vector<64x1x128xf32>
    %squeeze3A_129 = vector.shape_cast %slice3A_128 : vector<64x1x128xf32> to vector<64x128xf32>
    %max3A_130 = arith.maximumf %max3A_127, %squeeze3A_129 : vector<64x128xf32>
    %slice3A_131 = vector.extract_strided_slice %reshape3A_73 {offsets = [0, 20, 0], sizes = [64, 1, 128], strides = [1, 1, 1]} : vector<64x32x128xf32> to vector<64x1x128xf32>
    %squeeze3A_132 = vector.shape_cast %slice3A_131 : vector<64x1x128xf32> to vector<64x128xf32>
    %max3A_133 = arith.maximumf %max3A_130, %squeeze3A_132 : vector<64x128xf32>
    %slice3A_134 = vector.extract_strided_slice %reshape3A_73 {offsets = [0, 21, 0], sizes = [64, 1, 128], strides = [1, 1, 1]} : vector<64x32x128xf32> to vector<64x1x128xf32>
    %squeeze3A_135 = vector.shape_cast %slice3A_134 : vector<64x1x128xf32> to vector<64x128xf32>
    %max3A_136 = arith.maximumf %max3A_133, %squeeze3A_135 : vector<64x128xf32>
    %slice3A_137 = vector.extract_strided_slice %reshape3A_73 {offsets = [0, 22, 0], sizes = [64, 1, 128], strides = [1, 1, 1]} : vector<64x32x128xf32> to vector<64x1x128xf32>
    %squeeze3A_138 = vector.shape_cast %slice3A_137 : vector<64x1x128xf32> to vector<64x128xf32>
    %max3A_139 = arith.maximumf %max3A_136, %squeeze3A_138 : vector<64x128xf32>
    %slice3A_140 = vector.extract_strided_slice %reshape3A_73 {offsets = [0, 23, 0], sizes = [64, 1, 128], strides = [1, 1, 1]} : vector<64x32x128xf32> to vector<64x1x128xf32>
    %squeeze3A_141 = vector.shape_cast %slice3A_140 : vector<64x1x128xf32> to vector<64x128xf32>
    %max3A_142 = arith.maximumf %max3A_139, %squeeze3A_141 : vector<64x128xf32>
    %slice3A_143 = vector.extract_strided_slice %reshape3A_73 {offsets = [0, 24, 0], sizes = [64, 1, 128], strides = [1, 1, 1]} : vector<64x32x128xf32> to vector<64x1x128xf32>
    %squeeze3A_144 = vector.shape_cast %slice3A_143 : vector<64x1x128xf32> to vector<64x128xf32>
    %max3A_145 = arith.maximumf %max3A_142, %squeeze3A_144 : vector<64x128xf32>
    %slice3A_146 = vector.extract_strided_slice %reshape3A_73 {offsets = [0, 25, 0], sizes = [64, 1, 128], strides = [1, 1, 1]} : vector<64x32x128xf32> to vector<64x1x128xf32>
    %squeeze3A_147 = vector.shape_cast %slice3A_146 : vector<64x1x128xf32> to vector<64x128xf32>
    %max3A_148 = arith.maximumf %max3A_145, %squeeze3A_147 : vector<64x128xf32>
    %slice3A_149 = vector.extract_strided_slice %reshape3A_73 {offsets = [0, 26, 0], sizes = [64, 1, 128], strides = [1, 1, 1]} : vector<64x32x128xf32> to vector<64x1x128xf32>
    %squeeze3A_150 = vector.shape_cast %slice3A_149 : vector<64x1x128xf32> to vector<64x128xf32>
    %max3A_151 = arith.maximumf %max3A_148, %squeeze3A_150 : vector<64x128xf32>
    %slice3A_152 = vector.extract_strided_slice %reshape3A_73 {offsets = [0, 27, 0], sizes = [64, 1, 128], strides = [1, 1, 1]} : vector<64x32x128xf32> to vector<64x1x128xf32>
    %squeeze3A_153 = vector.shape_cast %slice3A_152 : vector<64x1x128xf32> to vector<64x128xf32>
    %max3A_154 = arith.maximumf %max3A_151, %squeeze3A_153 : vector<64x128xf32>
    %slice3A_155 = vector.extract_strided_slice %reshape3A_73 {offsets = [0, 28, 0], sizes = [64, 1, 128], strides = [1, 1, 1]} : vector<64x32x128xf32> to vector<64x1x128xf32>
    %squeeze3A_156 = vector.shape_cast %slice3A_155 : vector<64x1x128xf32> to vector<64x128xf32>
    %max3A_157 = arith.maximumf %max3A_154, %squeeze3A_156 : vector<64x128xf32>
    %slice3A_158 = vector.extract_strided_slice %reshape3A_73 {offsets = [0, 29, 0], sizes = [64, 1, 128], strides = [1, 1, 1]} : vector<64x32x128xf32> to vector<64x1x128xf32>
    %squeeze3A_159 = vector.shape_cast %slice3A_158 : vector<64x1x128xf32> to vector<64x128xf32>
    %max3A_160 = arith.maximumf %max3A_157, %squeeze3A_159 : vector<64x128xf32>
    %slice3A_161 = vector.extract_strided_slice %reshape3A_73 {offsets = [0, 30, 0], sizes = [64, 1, 128], strides = [1, 1, 1]} : vector<64x32x128xf32> to vector<64x1x128xf32>
    %squeeze3A_162 = vector.shape_cast %slice3A_161 : vector<64x1x128xf32> to vector<64x128xf32>
    %max3A_163 = arith.maximumf %max3A_160, %squeeze3A_162 : vector<64x128xf32>
    %slice3A_164 = vector.extract_strided_slice %reshape3A_73 {offsets = [0, 31, 0], sizes = [64, 1, 128], strides = [1, 1, 1]} : vector<64x32x128xf32> to vector<64x1x128xf32>
    %squeeze3A_165 = vector.shape_cast %slice3A_164 : vector<64x1x128xf32> to vector<64x128xf32>
    %max3A_166 = arith.maximumf %max3A_163, %squeeze3A_165 : vector<64x128xf32>
    %broadcast_in_dim3A_167 = arith.constant 0.000000e+00 : f32
    %broadcast_in_dim3A_168 = vector.broadcast %broadcast_in_dim3A_167 : f32 to vector<64x128xf32>
    %broadcast_in_dim3A_169 = arith.constant 0.000000e+00 : f32
    %broadcast_in_dim3A_170 = vector.broadcast %broadcast_in_dim3A_169 : f32 to vector<64x128xf32>
    %slice3A_171 = vector.extract_strided_slice %reshape3A_73 {offsets = [0, 0, 0], sizes = [64, 1, 128], strides = [1, 1, 1]} : vector<64x32x128xf32> to vector<64x1x128xf32>
    %squeeze3A_172 = vector.shape_cast %slice3A_171 : vector<64x1x128xf32> to vector<64x128xf32>
    %sub3A_173 = arith.subf %squeeze3A_172, %max3A_166 : vector<64x128xf32>
    %exp3A_174 = math.exp %sub3A_173 : vector<64x128xf32>
    %add3A_175 = arith.addf %broadcast_in_dim3A_168, %exp3A_174 : vector<64x128xf32>
    %slice3A_176 = vector.extract_strided_slice %slice3A {offsets = [0, 0, 0], sizes = [64, 1, 128], strides = [1, 1, 1]} : vector<64x32x128xf32> to vector<64x1x128xf32>
    %squeeze3A_177 = vector.shape_cast %slice3A_176 : vector<64x1x128xf32> to vector<64x128xf32>
    %slice3A_178 = vector.extract_strided_slice %mul3A_47 {offsets = [0, 0, 0], sizes = [64, 1, 128], strides = [1, 1, 1]} : vector<64x32x128xf32> to vector<64x1x128xf32>
    %squeeze3A_179 = vector.shape_cast %slice3A_178 : vector<64x1x128xf32> to vector<64x128xf32>
    %add3A_180 = arith.addf %squeeze3A_177, %squeeze3A_179 : vector<64x128xf32>
    %mul3A_181 = arith.mulf %exp3A_174, %add3A_180 : vector<64x128xf32>
    %add3A_182 = arith.addf %broadcast_in_dim3A_170, %mul3A_181 : vector<64x128xf32>
    %slice3A_183 = vector.extract_strided_slice %reshape3A_73 {offsets = [0, 1, 0], sizes = [64, 1, 128], strides = [1, 1, 1]} : vector<64x32x128xf32> to vector<64x1x128xf32>
    %squeeze3A_184 = vector.shape_cast %slice3A_183 : vector<64x1x128xf32> to vector<64x128xf32>
    %sub3A_185 = arith.subf %squeeze3A_184, %max3A_166 : vector<64x128xf32>
    %exp3A_186 = math.exp %sub3A_185 : vector<64x128xf32>
    %add3A_187 = arith.addf %add3A_175, %exp3A_186 : vector<64x128xf32>
    %slice3A_188 = vector.extract_strided_slice %slice3A {offsets = [0, 1, 0], sizes = [64, 1, 128], strides = [1, 1, 1]} : vector<64x32x128xf32> to vector<64x1x128xf32>
    %squeeze3A_189 = vector.shape_cast %slice3A_188 : vector<64x1x128xf32> to vector<64x128xf32>
    %slice3A_190 = vector.extract_strided_slice %mul3A_47 {offsets = [0, 1, 0], sizes = [64, 1, 128], strides = [1, 1, 1]} : vector<64x32x128xf32> to vector<64x1x128xf32>
    %squeeze3A_191 = vector.shape_cast %slice3A_190 : vector<64x1x128xf32> to vector<64x128xf32>
    %add3A_192 = arith.addf %squeeze3A_189, %squeeze3A_191 : vector<64x128xf32>
    %mul3A_193 = arith.mulf %exp3A_186, %add3A_192 : vector<64x128xf32>
    %add3A_194 = arith.addf %add3A_182, %mul3A_193 : vector<64x128xf32>
    %slice3A_195 = vector.extract_strided_slice %reshape3A_73 {offsets = [0, 2, 0], sizes = [64, 1, 128], strides = [1, 1, 1]} : vector<64x32x128xf32> to vector<64x1x128xf32>
    %squeeze3A_196 = vector.shape_cast %slice3A_195 : vector<64x1x128xf32> to vector<64x128xf32>
    %sub3A_197 = arith.subf %squeeze3A_196, %max3A_166 : vector<64x128xf32>
    %exp3A_198 = math.exp %sub3A_197 : vector<64x128xf32>
    %add3A_199 = arith.addf %add3A_187, %exp3A_198 : vector<64x128xf32>
    %slice3A_200 = vector.extract_strided_slice %slice3A {offsets = [0, 2, 0], sizes = [64, 1, 128], strides = [1, 1, 1]} : vector<64x32x128xf32> to vector<64x1x128xf32>
    %squeeze3A_201 = vector.shape_cast %slice3A_200 : vector<64x1x128xf32> to vector<64x128xf32>
    %slice3A_202 = vector.extract_strided_slice %mul3A_47 {offsets = [0, 2, 0], sizes = [64, 1, 128], strides = [1, 1, 1]} : vector<64x32x128xf32> to vector<64x1x128xf32>
    %squeeze3A_203 = vector.shape_cast %slice3A_202 : vector<64x1x128xf32> to vector<64x128xf32>
    %add3A_204 = arith.addf %squeeze3A_201, %squeeze3A_203 : vector<64x128xf32>
    %mul3A_205 = arith.mulf %exp3A_198, %add3A_204 : vector<64x128xf32>
    %add3A_206 = arith.addf %add3A_194, %mul3A_205 : vector<64x128xf32>
    %slice3A_207 = vector.extract_strided_slice %reshape3A_73 {offsets = [0, 3, 0], sizes = [64, 1, 128], strides = [1, 1, 1]} : vector<64x32x128xf32> to vector<64x1x128xf32>
    %squeeze3A_208 = vector.shape_cast %slice3A_207 : vector<64x1x128xf32> to vector<64x128xf32>
    %sub3A_209 = arith.subf %squeeze3A_208, %max3A_166 : vector<64x128xf32>
    %exp3A_210 = math.exp %sub3A_209 : vector<64x128xf32>
    %add3A_211 = arith.addf %add3A_199, %exp3A_210 : vector<64x128xf32>
    %slice3A_212 = vector.extract_strided_slice %slice3A {offsets = [0, 3, 0], sizes = [64, 1, 128], strides = [1, 1, 1]} : vector<64x32x128xf32> to vector<64x1x128xf32>
    %squeeze3A_213 = vector.shape_cast %slice3A_212 : vector<64x1x128xf32> to vector<64x128xf32>
    %slice3A_214 = vector.extract_strided_slice %mul3A_47 {offsets = [0, 3, 0], sizes = [64, 1, 128], strides = [1, 1, 1]} : vector<64x32x128xf32> to vector<64x1x128xf32>
    %squeeze3A_215 = vector.shape_cast %slice3A_214 : vector<64x1x128xf32> to vector<64x128xf32>
    %add3A_216 = arith.addf %squeeze3A_213, %squeeze3A_215 : vector<64x128xf32>
    %mul3A_217 = arith.mulf %exp3A_210, %add3A_216 : vector<64x128xf32>
    %add3A_218 = arith.addf %add3A_206, %mul3A_217 : vector<64x128xf32>
    %slice3A_219 = vector.extract_strided_slice %reshape3A_73 {offsets = [0, 4, 0], sizes = [64, 1, 128], strides = [1, 1, 1]} : vector<64x32x128xf32> to vector<64x1x128xf32>
    %squeeze3A_220 = vector.shape_cast %slice3A_219 : vector<64x1x128xf32> to vector<64x128xf32>
    %sub3A_221 = arith.subf %squeeze3A_220, %max3A_166 : vector<64x128xf32>
    %exp3A_222 = math.exp %sub3A_221 : vector<64x128xf32>
    %add3A_223 = arith.addf %add3A_211, %exp3A_222 : vector<64x128xf32>
    %slice3A_224 = vector.extract_strided_slice %slice3A {offsets = [0, 4, 0], sizes = [64, 1, 128], strides = [1, 1, 1]} : vector<64x32x128xf32> to vector<64x1x128xf32>
    %squeeze3A_225 = vector.shape_cast %slice3A_224 : vector<64x1x128xf32> to vector<64x128xf32>
    %slice3A_226 = vector.extract_strided_slice %mul3A_47 {offsets = [0, 4, 0], sizes = [64, 1, 128], strides = [1, 1, 1]} : vector<64x32x128xf32> to vector<64x1x128xf32>
    %squeeze3A_227 = vector.shape_cast %slice3A_226 : vector<64x1x128xf32> to vector<64x128xf32>
    %add3A_228 = arith.addf %squeeze3A_225, %squeeze3A_227 : vector<64x128xf32>
    %mul3A_229 = arith.mulf %exp3A_222, %add3A_228 : vector<64x128xf32>
    %add3A_230 = arith.addf %add3A_218, %mul3A_229 : vector<64x128xf32>
    %slice3A_231 = vector.extract_strided_slice %reshape3A_73 {offsets = [0, 5, 0], sizes = [64, 1, 128], strides = [1, 1, 1]} : vector<64x32x128xf32> to vector<64x1x128xf32>
    %squeeze3A_232 = vector.shape_cast %slice3A_231 : vector<64x1x128xf32> to vector<64x128xf32>
    %sub3A_233 = arith.subf %squeeze3A_232, %max3A_166 : vector<64x128xf32>
    %exp3A_234 = math.exp %sub3A_233 : vector<64x128xf32>
    %add3A_235 = arith.addf %add3A_223, %exp3A_234 : vector<64x128xf32>
    %slice3A_236 = vector.extract_strided_slice %slice3A {offsets = [0, 5, 0], sizes = [64, 1, 128], strides = [1, 1, 1]} : vector<64x32x128xf32> to vector<64x1x128xf32>
    %squeeze3A_237 = vector.shape_cast %slice3A_236 : vector<64x1x128xf32> to vector<64x128xf32>
    %slice3A_238 = vector.extract_strided_slice %mul3A_47 {offsets = [0, 5, 0], sizes = [64, 1, 128], strides = [1, 1, 1]} : vector<64x32x128xf32> to vector<64x1x128xf32>
    %squeeze3A_239 = vector.shape_cast %slice3A_238 : vector<64x1x128xf32> to vector<64x128xf32>
    %add3A_240 = arith.addf %squeeze3A_237, %squeeze3A_239 : vector<64x128xf32>
    %mul3A_241 = arith.mulf %exp3A_234, %add3A_240 : vector<64x128xf32>
    %add3A_242 = arith.addf %add3A_230, %mul3A_241 : vector<64x128xf32>
    %slice3A_243 = vector.extract_strided_slice %reshape3A_73 {offsets = [0, 6, 0], sizes = [64, 1, 128], strides = [1, 1, 1]} : vector<64x32x128xf32> to vector<64x1x128xf32>
    %squeeze3A_244 = vector.shape_cast %slice3A_243 : vector<64x1x128xf32> to vector<64x128xf32>
    %sub3A_245 = arith.subf %squeeze3A_244, %max3A_166 : vector<64x128xf32>
    %exp3A_246 = math.exp %sub3A_245 : vector<64x128xf32>
    %add3A_247 = arith.addf %add3A_235, %exp3A_246 : vector<64x128xf32>
    %slice3A_248 = vector.extract_strided_slice %slice3A {offsets = [0, 6, 0], sizes = [64, 1, 128], strides = [1, 1, 1]} : vector<64x32x128xf32> to vector<64x1x128xf32>
    %squeeze3A_249 = vector.shape_cast %slice3A_248 : vector<64x1x128xf32> to vector<64x128xf32>
    %slice3A_250 = vector.extract_strided_slice %mul3A_47 {offsets = [0, 6, 0], sizes = [64, 1, 128], strides = [1, 1, 1]} : vector<64x32x128xf32> to vector<64x1x128xf32>
    %squeeze3A_251 = vector.shape_cast %slice3A_250 : vector<64x1x128xf32> to vector<64x128xf32>
    %add3A_252 = arith.addf %squeeze3A_249, %squeeze3A_251 : vector<64x128xf32>
    %mul3A_253 = arith.mulf %exp3A_246, %add3A_252 : vector<64x128xf32>
    %add3A_254 = arith.addf %add3A_242, %mul3A_253 : vector<64x128xf32>
    %slice3A_255 = vector.extract_strided_slice %reshape3A_73 {offsets = [0, 7, 0], sizes = [64, 1, 128], strides = [1, 1, 1]} : vector<64x32x128xf32> to vector<64x1x128xf32>
    %squeeze3A_256 = vector.shape_cast %slice3A_255 : vector<64x1x128xf32> to vector<64x128xf32>
    %sub3A_257 = arith.subf %squeeze3A_256, %max3A_166 : vector<64x128xf32>
    %exp3A_258 = math.exp %sub3A_257 : vector<64x128xf32>
    %add3A_259 = arith.addf %add3A_247, %exp3A_258 : vector<64x128xf32>
    %slice3A_260 = vector.extract_strided_slice %slice3A {offsets = [0, 7, 0], sizes = [64, 1, 128], strides = [1, 1, 1]} : vector<64x32x128xf32> to vector<64x1x128xf32>
    %squeeze3A_261 = vector.shape_cast %slice3A_260 : vector<64x1x128xf32> to vector<64x128xf32>
    %slice3A_262 = vector.extract_strided_slice %mul3A_47 {offsets = [0, 7, 0], sizes = [64, 1, 128], strides = [1, 1, 1]} : vector<64x32x128xf32> to vector<64x1x128xf32>
    %squeeze3A_263 = vector.shape_cast %slice3A_262 : vector<64x1x128xf32> to vector<64x128xf32>
    %add3A_264 = arith.addf %squeeze3A_261, %squeeze3A_263 : vector<64x128xf32>
    %mul3A_265 = arith.mulf %exp3A_258, %add3A_264 : vector<64x128xf32>
    %add3A_266 = arith.addf %add3A_254, %mul3A_265 : vector<64x128xf32>
    %slice3A_267 = vector.extract_strided_slice %reshape3A_73 {offsets = [0, 8, 0], sizes = [64, 1, 128], strides = [1, 1, 1]} : vector<64x32x128xf32> to vector<64x1x128xf32>
    %squeeze3A_268 = vector.shape_cast %slice3A_267 : vector<64x1x128xf32> to vector<64x128xf32>
    %sub3A_269 = arith.subf %squeeze3A_268, %max3A_166 : vector<64x128xf32>
    %exp3A_270 = math.exp %sub3A_269 : vector<64x128xf32>
    %add3A_271 = arith.addf %add3A_259, %exp3A_270 : vector<64x128xf32>
    %slice3A_272 = vector.extract_strided_slice %slice3A {offsets = [0, 8, 0], sizes = [64, 1, 128], strides = [1, 1, 1]} : vector<64x32x128xf32> to vector<64x1x128xf32>
    %squeeze3A_273 = vector.shape_cast %slice3A_272 : vector<64x1x128xf32> to vector<64x128xf32>
    %slice3A_274 = vector.extract_strided_slice %mul3A_47 {offsets = [0, 8, 0], sizes = [64, 1, 128], strides = [1, 1, 1]} : vector<64x32x128xf32> to vector<64x1x128xf32>
    %squeeze3A_275 = vector.shape_cast %slice3A_274 : vector<64x1x128xf32> to vector<64x128xf32>
    %add3A_276 = arith.addf %squeeze3A_273, %squeeze3A_275 : vector<64x128xf32>
    %mul3A_277 = arith.mulf %exp3A_270, %add3A_276 : vector<64x128xf32>
    %add3A_278 = arith.addf %add3A_266, %mul3A_277 : vector<64x128xf32>
    %slice3A_279 = vector.extract_strided_slice %reshape3A_73 {offsets = [0, 9, 0], sizes = [64, 1, 128], strides = [1, 1, 1]} : vector<64x32x128xf32> to vector<64x1x128xf32>
    %squeeze3A_280 = vector.shape_cast %slice3A_279 : vector<64x1x128xf32> to vector<64x128xf32>
    %sub3A_281 = arith.subf %squeeze3A_280, %max3A_166 : vector<64x128xf32>
    %exp3A_282 = math.exp %sub3A_281 : vector<64x128xf32>
    %add3A_283 = arith.addf %add3A_271, %exp3A_282 : vector<64x128xf32>
    %slice3A_284 = vector.extract_strided_slice %slice3A {offsets = [0, 9, 0], sizes = [64, 1, 128], strides = [1, 1, 1]} : vector<64x32x128xf32> to vector<64x1x128xf32>
    %squeeze3A_285 = vector.shape_cast %slice3A_284 : vector<64x1x128xf32> to vector<64x128xf32>
    %slice3A_286 = vector.extract_strided_slice %mul3A_47 {offsets = [0, 9, 0], sizes = [64, 1, 128], strides = [1, 1, 1]} : vector<64x32x128xf32> to vector<64x1x128xf32>
    %squeeze3A_287 = vector.shape_cast %slice3A_286 : vector<64x1x128xf32> to vector<64x128xf32>
    %add3A_288 = arith.addf %squeeze3A_285, %squeeze3A_287 : vector<64x128xf32>
    %mul3A_289 = arith.mulf %exp3A_282, %add3A_288 : vector<64x128xf32>
    %add3A_290 = arith.addf %add3A_278, %mul3A_289 : vector<64x128xf32>
    %slice3A_291 = vector.extract_strided_slice %reshape3A_73 {offsets = [0, 10, 0], sizes = [64, 1, 128], strides = [1, 1, 1]} : vector<64x32x128xf32> to vector<64x1x128xf32>
    %squeeze3A_292 = vector.shape_cast %slice3A_291 : vector<64x1x128xf32> to vector<64x128xf32>
    %sub3A_293 = arith.subf %squeeze3A_292, %max3A_166 : vector<64x128xf32>
    %exp3A_294 = math.exp %sub3A_293 : vector<64x128xf32>
    %add3A_295 = arith.addf %add3A_283, %exp3A_294 : vector<64x128xf32>
    %slice3A_296 = vector.extract_strided_slice %slice3A {offsets = [0, 10, 0], sizes = [64, 1, 128], strides = [1, 1, 1]} : vector<64x32x128xf32> to vector<64x1x128xf32>
    %squeeze3A_297 = vector.shape_cast %slice3A_296 : vector<64x1x128xf32> to vector<64x128xf32>
    %slice3A_298 = vector.extract_strided_slice %mul3A_47 {offsets = [0, 10, 0], sizes = [64, 1, 128], strides = [1, 1, 1]} : vector<64x32x128xf32> to vector<64x1x128xf32>
    %squeeze3A_299 = vector.shape_cast %slice3A_298 : vector<64x1x128xf32> to vector<64x128xf32>
    %add3A_300 = arith.addf %squeeze3A_297, %squeeze3A_299 : vector<64x128xf32>
    %mul3A_301 = arith.mulf %exp3A_294, %add3A_300 : vector<64x128xf32>
    %add3A_302 = arith.addf %add3A_290, %mul3A_301 : vector<64x128xf32>
    %slice3A_303 = vector.extract_strided_slice %reshape3A_73 {offsets = [0, 11, 0], sizes = [64, 1, 128], strides = [1, 1, 1]} : vector<64x32x128xf32> to vector<64x1x128xf32>
    %squeeze3A_304 = vector.shape_cast %slice3A_303 : vector<64x1x128xf32> to vector<64x128xf32>
    %sub3A_305 = arith.subf %squeeze3A_304, %max3A_166 : vector<64x128xf32>
    %exp3A_306 = math.exp %sub3A_305 : vector<64x128xf32>
    %add3A_307 = arith.addf %add3A_295, %exp3A_306 : vector<64x128xf32>
    %slice3A_308 = vector.extract_strided_slice %slice3A {offsets = [0, 11, 0], sizes = [64, 1, 128], strides = [1, 1, 1]} : vector<64x32x128xf32> to vector<64x1x128xf32>
    %squeeze3A_309 = vector.shape_cast %slice3A_308 : vector<64x1x128xf32> to vector<64x128xf32>
    %slice3A_310 = vector.extract_strided_slice %mul3A_47 {offsets = [0, 11, 0], sizes = [64, 1, 128], strides = [1, 1, 1]} : vector<64x32x128xf32> to vector<64x1x128xf32>
    %squeeze3A_311 = vector.shape_cast %slice3A_310 : vector<64x1x128xf32> to vector<64x128xf32>
    %add3A_312 = arith.addf %squeeze3A_309, %squeeze3A_311 : vector<64x128xf32>
    %mul3A_313 = arith.mulf %exp3A_306, %add3A_312 : vector<64x128xf32>
    %add3A_314 = arith.addf %add3A_302, %mul3A_313 : vector<64x128xf32>
    %slice3A_315 = vector.extract_strided_slice %reshape3A_73 {offsets = [0, 12, 0], sizes = [64, 1, 128], strides = [1, 1, 1]} : vector<64x32x128xf32> to vector<64x1x128xf32>
    %squeeze3A_316 = vector.shape_cast %slice3A_315 : vector<64x1x128xf32> to vector<64x128xf32>
    %sub3A_317 = arith.subf %squeeze3A_316, %max3A_166 : vector<64x128xf32>
    %exp3A_318 = math.exp %sub3A_317 : vector<64x128xf32>
    %add3A_319 = arith.addf %add3A_307, %exp3A_318 : vector<64x128xf32>
    %slice3A_320 = vector.extract_strided_slice %slice3A {offsets = [0, 12, 0], sizes = [64, 1, 128], strides = [1, 1, 1]} : vector<64x32x128xf32> to vector<64x1x128xf32>
    %squeeze3A_321 = vector.shape_cast %slice3A_320 : vector<64x1x128xf32> to vector<64x128xf32>
    %slice3A_322 = vector.extract_strided_slice %mul3A_47 {offsets = [0, 12, 0], sizes = [64, 1, 128], strides = [1, 1, 1]} : vector<64x32x128xf32> to vector<64x1x128xf32>
    %squeeze3A_323 = vector.shape_cast %slice3A_322 : vector<64x1x128xf32> to vector<64x128xf32>
    %add3A_324 = arith.addf %squeeze3A_321, %squeeze3A_323 : vector<64x128xf32>
    %mul3A_325 = arith.mulf %exp3A_318, %add3A_324 : vector<64x128xf32>
    %add3A_326 = arith.addf %add3A_314, %mul3A_325 : vector<64x128xf32>
    %slice3A_327 = vector.extract_strided_slice %reshape3A_73 {offsets = [0, 13, 0], sizes = [64, 1, 128], strides = [1, 1, 1]} : vector<64x32x128xf32> to vector<64x1x128xf32>
    %squeeze3A_328 = vector.shape_cast %slice3A_327 : vector<64x1x128xf32> to vector<64x128xf32>
    %sub3A_329 = arith.subf %squeeze3A_328, %max3A_166 : vector<64x128xf32>
    %exp3A_330 = math.exp %sub3A_329 : vector<64x128xf32>
    %add3A_331 = arith.addf %add3A_319, %exp3A_330 : vector<64x128xf32>
    %slice3A_332 = vector.extract_strided_slice %slice3A {offsets = [0, 13, 0], sizes = [64, 1, 128], strides = [1, 1, 1]} : vector<64x32x128xf32> to vector<64x1x128xf32>
    %squeeze3A_333 = vector.shape_cast %slice3A_332 : vector<64x1x128xf32> to vector<64x128xf32>
    %slice3A_334 = vector.extract_strided_slice %mul3A_47 {offsets = [0, 13, 0], sizes = [64, 1, 128], strides = [1, 1, 1]} : vector<64x32x128xf32> to vector<64x1x128xf32>
    %squeeze3A_335 = vector.shape_cast %slice3A_334 : vector<64x1x128xf32> to vector<64x128xf32>
    %add3A_336 = arith.addf %squeeze3A_333, %squeeze3A_335 : vector<64x128xf32>
    %mul3A_337 = arith.mulf %exp3A_330, %add3A_336 : vector<64x128xf32>
    %add3A_338 = arith.addf %add3A_326, %mul3A_337 : vector<64x128xf32>
    %slice3A_339 = vector.extract_strided_slice %reshape3A_73 {offsets = [0, 14, 0], sizes = [64, 1, 128], strides = [1, 1, 1]} : vector<64x32x128xf32> to vector<64x1x128xf32>
    %squeeze3A_340 = vector.shape_cast %slice3A_339 : vector<64x1x128xf32> to vector<64x128xf32>
    %sub3A_341 = arith.subf %squeeze3A_340, %max3A_166 : vector<64x128xf32>
    %exp3A_342 = math.exp %sub3A_341 : vector<64x128xf32>
    %add3A_343 = arith.addf %add3A_331, %exp3A_342 : vector<64x128xf32>
    %slice3A_344 = vector.extract_strided_slice %slice3A {offsets = [0, 14, 0], sizes = [64, 1, 128], strides = [1, 1, 1]} : vector<64x32x128xf32> to vector<64x1x128xf32>
    %squeeze3A_345 = vector.shape_cast %slice3A_344 : vector<64x1x128xf32> to vector<64x128xf32>
    %slice3A_346 = vector.extract_strided_slice %mul3A_47 {offsets = [0, 14, 0], sizes = [64, 1, 128], strides = [1, 1, 1]} : vector<64x32x128xf32> to vector<64x1x128xf32>
    %squeeze3A_347 = vector.shape_cast %slice3A_346 : vector<64x1x128xf32> to vector<64x128xf32>
    %add3A_348 = arith.addf %squeeze3A_345, %squeeze3A_347 : vector<64x128xf32>
    %mul3A_349 = arith.mulf %exp3A_342, %add3A_348 : vector<64x128xf32>
    %add3A_350 = arith.addf %add3A_338, %mul3A_349 : vector<64x128xf32>
    %slice3A_351 = vector.extract_strided_slice %reshape3A_73 {offsets = [0, 15, 0], sizes = [64, 1, 128], strides = [1, 1, 1]} : vector<64x32x128xf32> to vector<64x1x128xf32>
    %squeeze3A_352 = vector.shape_cast %slice3A_351 : vector<64x1x128xf32> to vector<64x128xf32>
    %sub3A_353 = arith.subf %squeeze3A_352, %max3A_166 : vector<64x128xf32>
    %exp3A_354 = math.exp %sub3A_353 : vector<64x128xf32>
    %add3A_355 = arith.addf %add3A_343, %exp3A_354 : vector<64x128xf32>
    %slice3A_356 = vector.extract_strided_slice %slice3A {offsets = [0, 15, 0], sizes = [64, 1, 128], strides = [1, 1, 1]} : vector<64x32x128xf32> to vector<64x1x128xf32>
    %squeeze3A_357 = vector.shape_cast %slice3A_356 : vector<64x1x128xf32> to vector<64x128xf32>
    %slice3A_358 = vector.extract_strided_slice %mul3A_47 {offsets = [0, 15, 0], sizes = [64, 1, 128], strides = [1, 1, 1]} : vector<64x32x128xf32> to vector<64x1x128xf32>
    %squeeze3A_359 = vector.shape_cast %slice3A_358 : vector<64x1x128xf32> to vector<64x128xf32>
    %add3A_360 = arith.addf %squeeze3A_357, %squeeze3A_359 : vector<64x128xf32>
    %mul3A_361 = arith.mulf %exp3A_354, %add3A_360 : vector<64x128xf32>
    %add3A_362 = arith.addf %add3A_350, %mul3A_361 : vector<64x128xf32>
    %slice3A_363 = vector.extract_strided_slice %reshape3A_73 {offsets = [0, 16, 0], sizes = [64, 1, 128], strides = [1, 1, 1]} : vector<64x32x128xf32> to vector<64x1x128xf32>
    %squeeze3A_364 = vector.shape_cast %slice3A_363 : vector<64x1x128xf32> to vector<64x128xf32>
    %sub3A_365 = arith.subf %squeeze3A_364, %max3A_166 : vector<64x128xf32>
    %exp3A_366 = math.exp %sub3A_365 : vector<64x128xf32>
    %add3A_367 = arith.addf %add3A_355, %exp3A_366 : vector<64x128xf32>
    %slice3A_368 = vector.extract_strided_slice %slice3A {offsets = [0, 16, 0], sizes = [64, 1, 128], strides = [1, 1, 1]} : vector<64x32x128xf32> to vector<64x1x128xf32>
    %squeeze3A_369 = vector.shape_cast %slice3A_368 : vector<64x1x128xf32> to vector<64x128xf32>
    %slice3A_370 = vector.extract_strided_slice %mul3A_47 {offsets = [0, 16, 0], sizes = [64, 1, 128], strides = [1, 1, 1]} : vector<64x32x128xf32> to vector<64x1x128xf32>
    %squeeze3A_371 = vector.shape_cast %slice3A_370 : vector<64x1x128xf32> to vector<64x128xf32>
    %add3A_372 = arith.addf %squeeze3A_369, %squeeze3A_371 : vector<64x128xf32>
    %mul3A_373 = arith.mulf %exp3A_366, %add3A_372 : vector<64x128xf32>
    %add3A_374 = arith.addf %add3A_362, %mul3A_373 : vector<64x128xf32>
    %slice3A_375 = vector.extract_strided_slice %reshape3A_73 {offsets = [0, 17, 0], sizes = [64, 1, 128], strides = [1, 1, 1]} : vector<64x32x128xf32> to vector<64x1x128xf32>
    %squeeze3A_376 = vector.shape_cast %slice3A_375 : vector<64x1x128xf32> to vector<64x128xf32>
    %sub3A_377 = arith.subf %squeeze3A_376, %max3A_166 : vector<64x128xf32>
    %exp3A_378 = math.exp %sub3A_377 : vector<64x128xf32>
    %add3A_379 = arith.addf %add3A_367, %exp3A_378 : vector<64x128xf32>
    %slice3A_380 = vector.extract_strided_slice %slice3A {offsets = [0, 17, 0], sizes = [64, 1, 128], strides = [1, 1, 1]} : vector<64x32x128xf32> to vector<64x1x128xf32>
    %squeeze3A_381 = vector.shape_cast %slice3A_380 : vector<64x1x128xf32> to vector<64x128xf32>
    %slice3A_382 = vector.extract_strided_slice %mul3A_47 {offsets = [0, 17, 0], sizes = [64, 1, 128], strides = [1, 1, 1]} : vector<64x32x128xf32> to vector<64x1x128xf32>
    %squeeze3A_383 = vector.shape_cast %slice3A_382 : vector<64x1x128xf32> to vector<64x128xf32>
    %add3A_384 = arith.addf %squeeze3A_381, %squeeze3A_383 : vector<64x128xf32>
    %mul3A_385 = arith.mulf %exp3A_378, %add3A_384 : vector<64x128xf32>
    %add3A_386 = arith.addf %add3A_374, %mul3A_385 : vector<64x128xf32>
    %slice3A_387 = vector.extract_strided_slice %reshape3A_73 {offsets = [0, 18, 0], sizes = [64, 1, 128], strides = [1, 1, 1]} : vector<64x32x128xf32> to vector<64x1x128xf32>
    %squeeze3A_388 = vector.shape_cast %slice3A_387 : vector<64x1x128xf32> to vector<64x128xf32>
    %sub3A_389 = arith.subf %squeeze3A_388, %max3A_166 : vector<64x128xf32>
    %exp3A_390 = math.exp %sub3A_389 : vector<64x128xf32>
    %add3A_391 = arith.addf %add3A_379, %exp3A_390 : vector<64x128xf32>
    %slice3A_392 = vector.extract_strided_slice %slice3A {offsets = [0, 18, 0], sizes = [64, 1, 128], strides = [1, 1, 1]} : vector<64x32x128xf32> to vector<64x1x128xf32>
    %squeeze3A_393 = vector.shape_cast %slice3A_392 : vector<64x1x128xf32> to vector<64x128xf32>
    %slice3A_394 = vector.extract_strided_slice %mul3A_47 {offsets = [0, 18, 0], sizes = [64, 1, 128], strides = [1, 1, 1]} : vector<64x32x128xf32> to vector<64x1x128xf32>
    %squeeze3A_395 = vector.shape_cast %slice3A_394 : vector<64x1x128xf32> to vector<64x128xf32>
    %add3A_396 = arith.addf %squeeze3A_393, %squeeze3A_395 : vector<64x128xf32>
    %mul3A_397 = arith.mulf %exp3A_390, %add3A_396 : vector<64x128xf32>
    %add3A_398 = arith.addf %add3A_386, %mul3A_397 : vector<64x128xf32>
    %slice3A_399 = vector.extract_strided_slice %reshape3A_73 {offsets = [0, 19, 0], sizes = [64, 1, 128], strides = [1, 1, 1]} : vector<64x32x128xf32> to vector<64x1x128xf32>
    %squeeze3A_400 = vector.shape_cast %slice3A_399 : vector<64x1x128xf32> to vector<64x128xf32>
    %sub3A_401 = arith.subf %squeeze3A_400, %max3A_166 : vector<64x128xf32>
    %exp3A_402 = math.exp %sub3A_401 : vector<64x128xf32>
    %add3A_403 = arith.addf %add3A_391, %exp3A_402 : vector<64x128xf32>
    %slice3A_404 = vector.extract_strided_slice %slice3A {offsets = [0, 19, 0], sizes = [64, 1, 128], strides = [1, 1, 1]} : vector<64x32x128xf32> to vector<64x1x128xf32>
    %squeeze3A_405 = vector.shape_cast %slice3A_404 : vector<64x1x128xf32> to vector<64x128xf32>
    %slice3A_406 = vector.extract_strided_slice %mul3A_47 {offsets = [0, 19, 0], sizes = [64, 1, 128], strides = [1, 1, 1]} : vector<64x32x128xf32> to vector<64x1x128xf32>
    %squeeze3A_407 = vector.shape_cast %slice3A_406 : vector<64x1x128xf32> to vector<64x128xf32>
    %add3A_408 = arith.addf %squeeze3A_405, %squeeze3A_407 : vector<64x128xf32>
    %mul3A_409 = arith.mulf %exp3A_402, %add3A_408 : vector<64x128xf32>
    %add3A_410 = arith.addf %add3A_398, %mul3A_409 : vector<64x128xf32>
    %slice3A_411 = vector.extract_strided_slice %reshape3A_73 {offsets = [0, 20, 0], sizes = [64, 1, 128], strides = [1, 1, 1]} : vector<64x32x128xf32> to vector<64x1x128xf32>
    %squeeze3A_412 = vector.shape_cast %slice3A_411 : vector<64x1x128xf32> to vector<64x128xf32>
    %sub3A_413 = arith.subf %squeeze3A_412, %max3A_166 : vector<64x128xf32>
    %exp3A_414 = math.exp %sub3A_413 : vector<64x128xf32>
    %add3A_415 = arith.addf %add3A_403, %exp3A_414 : vector<64x128xf32>
    %slice3A_416 = vector.extract_strided_slice %slice3A {offsets = [0, 20, 0], sizes = [64, 1, 128], strides = [1, 1, 1]} : vector<64x32x128xf32> to vector<64x1x128xf32>
    %squeeze3A_417 = vector.shape_cast %slice3A_416 : vector<64x1x128xf32> to vector<64x128xf32>
    %slice3A_418 = vector.extract_strided_slice %mul3A_47 {offsets = [0, 20, 0], sizes = [64, 1, 128], strides = [1, 1, 1]} : vector<64x32x128xf32> to vector<64x1x128xf32>
    %squeeze3A_419 = vector.shape_cast %slice3A_418 : vector<64x1x128xf32> to vector<64x128xf32>
    %add3A_420 = arith.addf %squeeze3A_417, %squeeze3A_419 : vector<64x128xf32>
    %mul3A_421 = arith.mulf %exp3A_414, %add3A_420 : vector<64x128xf32>
    %add3A_422 = arith.addf %add3A_410, %mul3A_421 : vector<64x128xf32>
    %slice3A_423 = vector.extract_strided_slice %reshape3A_73 {offsets = [0, 21, 0], sizes = [64, 1, 128], strides = [1, 1, 1]} : vector<64x32x128xf32> to vector<64x1x128xf32>
    %squeeze3A_424 = vector.shape_cast %slice3A_423 : vector<64x1x128xf32> to vector<64x128xf32>
    %sub3A_425 = arith.subf %squeeze3A_424, %max3A_166 : vector<64x128xf32>
    %exp3A_426 = math.exp %sub3A_425 : vector<64x128xf32>
    %add3A_427 = arith.addf %add3A_415, %exp3A_426 : vector<64x128xf32>
    %slice3A_428 = vector.extract_strided_slice %slice3A {offsets = [0, 21, 0], sizes = [64, 1, 128], strides = [1, 1, 1]} : vector<64x32x128xf32> to vector<64x1x128xf32>
    %squeeze3A_429 = vector.shape_cast %slice3A_428 : vector<64x1x128xf32> to vector<64x128xf32>
    %slice3A_430 = vector.extract_strided_slice %mul3A_47 {offsets = [0, 21, 0], sizes = [64, 1, 128], strides = [1, 1, 1]} : vector<64x32x128xf32> to vector<64x1x128xf32>
    %squeeze3A_431 = vector.shape_cast %slice3A_430 : vector<64x1x128xf32> to vector<64x128xf32>
    %add3A_432 = arith.addf %squeeze3A_429, %squeeze3A_431 : vector<64x128xf32>
    %mul3A_433 = arith.mulf %exp3A_426, %add3A_432 : vector<64x128xf32>
    %add3A_434 = arith.addf %add3A_422, %mul3A_433 : vector<64x128xf32>
    %slice3A_435 = vector.extract_strided_slice %reshape3A_73 {offsets = [0, 22, 0], sizes = [64, 1, 128], strides = [1, 1, 1]} : vector<64x32x128xf32> to vector<64x1x128xf32>
    %squeeze3A_436 = vector.shape_cast %slice3A_435 : vector<64x1x128xf32> to vector<64x128xf32>
    %sub3A_437 = arith.subf %squeeze3A_436, %max3A_166 : vector<64x128xf32>
    %exp3A_438 = math.exp %sub3A_437 : vector<64x128xf32>
    %add3A_439 = arith.addf %add3A_427, %exp3A_438 : vector<64x128xf32>
    %slice3A_440 = vector.extract_strided_slice %slice3A {offsets = [0, 22, 0], sizes = [64, 1, 128], strides = [1, 1, 1]} : vector<64x32x128xf32> to vector<64x1x128xf32>
    %squeeze3A_441 = vector.shape_cast %slice3A_440 : vector<64x1x128xf32> to vector<64x128xf32>
    %slice3A_442 = vector.extract_strided_slice %mul3A_47 {offsets = [0, 22, 0], sizes = [64, 1, 128], strides = [1, 1, 1]} : vector<64x32x128xf32> to vector<64x1x128xf32>
    %squeeze3A_443 = vector.shape_cast %slice3A_442 : vector<64x1x128xf32> to vector<64x128xf32>
    %add3A_444 = arith.addf %squeeze3A_441, %squeeze3A_443 : vector<64x128xf32>
    %mul3A_445 = arith.mulf %exp3A_438, %add3A_444 : vector<64x128xf32>
    %add3A_446 = arith.addf %add3A_434, %mul3A_445 : vector<64x128xf32>
    %slice3A_447 = vector.extract_strided_slice %reshape3A_73 {offsets = [0, 23, 0], sizes = [64, 1, 128], strides = [1, 1, 1]} : vector<64x32x128xf32> to vector<64x1x128xf32>
    %squeeze3A_448 = vector.shape_cast %slice3A_447 : vector<64x1x128xf32> to vector<64x128xf32>
    %sub3A_449 = arith.subf %squeeze3A_448, %max3A_166 : vector<64x128xf32>
    %exp3A_450 = math.exp %sub3A_449 : vector<64x128xf32>
    %add3A_451 = arith.addf %add3A_439, %exp3A_450 : vector<64x128xf32>
    %slice3A_452 = vector.extract_strided_slice %slice3A {offsets = [0, 23, 0], sizes = [64, 1, 128], strides = [1, 1, 1]} : vector<64x32x128xf32> to vector<64x1x128xf32>
    %squeeze3A_453 = vector.shape_cast %slice3A_452 : vector<64x1x128xf32> to vector<64x128xf32>
    %slice3A_454 = vector.extract_strided_slice %mul3A_47 {offsets = [0, 23, 0], sizes = [64, 1, 128], strides = [1, 1, 1]} : vector<64x32x128xf32> to vector<64x1x128xf32>
    %squeeze3A_455 = vector.shape_cast %slice3A_454 : vector<64x1x128xf32> to vector<64x128xf32>
    %add3A_456 = arith.addf %squeeze3A_453, %squeeze3A_455 : vector<64x128xf32>
    %mul3A_457 = arith.mulf %exp3A_450, %add3A_456 : vector<64x128xf32>
    %add3A_458 = arith.addf %add3A_446, %mul3A_457 : vector<64x128xf32>
    %slice3A_459 = vector.extract_strided_slice %reshape3A_73 {offsets = [0, 24, 0], sizes = [64, 1, 128], strides = [1, 1, 1]} : vector<64x32x128xf32> to vector<64x1x128xf32>
    %squeeze3A_460 = vector.shape_cast %slice3A_459 : vector<64x1x128xf32> to vector<64x128xf32>
    %sub3A_461 = arith.subf %squeeze3A_460, %max3A_166 : vector<64x128xf32>
    %exp3A_462 = math.exp %sub3A_461 : vector<64x128xf32>
    %add3A_463 = arith.addf %add3A_451, %exp3A_462 : vector<64x128xf32>
    %slice3A_464 = vector.extract_strided_slice %slice3A {offsets = [0, 24, 0], sizes = [64, 1, 128], strides = [1, 1, 1]} : vector<64x32x128xf32> to vector<64x1x128xf32>
    %squeeze3A_465 = vector.shape_cast %slice3A_464 : vector<64x1x128xf32> to vector<64x128xf32>
    %slice3A_466 = vector.extract_strided_slice %mul3A_47 {offsets = [0, 24, 0], sizes = [64, 1, 128], strides = [1, 1, 1]} : vector<64x32x128xf32> to vector<64x1x128xf32>
    %squeeze3A_467 = vector.shape_cast %slice3A_466 : vector<64x1x128xf32> to vector<64x128xf32>
    %add3A_468 = arith.addf %squeeze3A_465, %squeeze3A_467 : vector<64x128xf32>
    %mul3A_469 = arith.mulf %exp3A_462, %add3A_468 : vector<64x128xf32>
    %add3A_470 = arith.addf %add3A_458, %mul3A_469 : vector<64x128xf32>
    %slice3A_471 = vector.extract_strided_slice %reshape3A_73 {offsets = [0, 25, 0], sizes = [64, 1, 128], strides = [1, 1, 1]} : vector<64x32x128xf32> to vector<64x1x128xf32>
    %squeeze3A_472 = vector.shape_cast %slice3A_471 : vector<64x1x128xf32> to vector<64x128xf32>
    %sub3A_473 = arith.subf %squeeze3A_472, %max3A_166 : vector<64x128xf32>
    %exp3A_474 = math.exp %sub3A_473 : vector<64x128xf32>
    %add3A_475 = arith.addf %add3A_463, %exp3A_474 : vector<64x128xf32>
    %slice3A_476 = vector.extract_strided_slice %slice3A {offsets = [0, 25, 0], sizes = [64, 1, 128], strides = [1, 1, 1]} : vector<64x32x128xf32> to vector<64x1x128xf32>
    %squeeze3A_477 = vector.shape_cast %slice3A_476 : vector<64x1x128xf32> to vector<64x128xf32>
    %slice3A_478 = vector.extract_strided_slice %mul3A_47 {offsets = [0, 25, 0], sizes = [64, 1, 128], strides = [1, 1, 1]} : vector<64x32x128xf32> to vector<64x1x128xf32>
    %squeeze3A_479 = vector.shape_cast %slice3A_478 : vector<64x1x128xf32> to vector<64x128xf32>
    %add3A_480 = arith.addf %squeeze3A_477, %squeeze3A_479 : vector<64x128xf32>
    %mul3A_481 = arith.mulf %exp3A_474, %add3A_480 : vector<64x128xf32>
    %add3A_482 = arith.addf %add3A_470, %mul3A_481 : vector<64x128xf32>
    %slice3A_483 = vector.extract_strided_slice %reshape3A_73 {offsets = [0, 26, 0], sizes = [64, 1, 128], strides = [1, 1, 1]} : vector<64x32x128xf32> to vector<64x1x128xf32>
    %squeeze3A_484 = vector.shape_cast %slice3A_483 : vector<64x1x128xf32> to vector<64x128xf32>
    %sub3A_485 = arith.subf %squeeze3A_484, %max3A_166 : vector<64x128xf32>
    %exp3A_486 = math.exp %sub3A_485 : vector<64x128xf32>
    %add3A_487 = arith.addf %add3A_475, %exp3A_486 : vector<64x128xf32>
    %slice3A_488 = vector.extract_strided_slice %slice3A {offsets = [0, 26, 0], sizes = [64, 1, 128], strides = [1, 1, 1]} : vector<64x32x128xf32> to vector<64x1x128xf32>
    %squeeze3A_489 = vector.shape_cast %slice3A_488 : vector<64x1x128xf32> to vector<64x128xf32>
    %slice3A_490 = vector.extract_strided_slice %mul3A_47 {offsets = [0, 26, 0], sizes = [64, 1, 128], strides = [1, 1, 1]} : vector<64x32x128xf32> to vector<64x1x128xf32>
    %squeeze3A_491 = vector.shape_cast %slice3A_490 : vector<64x1x128xf32> to vector<64x128xf32>
    %add3A_492 = arith.addf %squeeze3A_489, %squeeze3A_491 : vector<64x128xf32>
    %mul3A_493 = arith.mulf %exp3A_486, %add3A_492 : vector<64x128xf32>
    %add3A_494 = arith.addf %add3A_482, %mul3A_493 : vector<64x128xf32>
    %slice3A_495 = vector.extract_strided_slice %reshape3A_73 {offsets = [0, 27, 0], sizes = [64, 1, 128], strides = [1, 1, 1]} : vector<64x32x128xf32> to vector<64x1x128xf32>
    %squeeze3A_496 = vector.shape_cast %slice3A_495 : vector<64x1x128xf32> to vector<64x128xf32>
    %sub3A_497 = arith.subf %squeeze3A_496, %max3A_166 : vector<64x128xf32>
    %exp3A_498 = math.exp %sub3A_497 : vector<64x128xf32>
    %add3A_499 = arith.addf %add3A_487, %exp3A_498 : vector<64x128xf32>
    %slice3A_500 = vector.extract_strided_slice %slice3A {offsets = [0, 27, 0], sizes = [64, 1, 128], strides = [1, 1, 1]} : vector<64x32x128xf32> to vector<64x1x128xf32>
    %squeeze3A_501 = vector.shape_cast %slice3A_500 : vector<64x1x128xf32> to vector<64x128xf32>
    %slice3A_502 = vector.extract_strided_slice %mul3A_47 {offsets = [0, 27, 0], sizes = [64, 1, 128], strides = [1, 1, 1]} : vector<64x32x128xf32> to vector<64x1x128xf32>
    %squeeze3A_503 = vector.shape_cast %slice3A_502 : vector<64x1x128xf32> to vector<64x128xf32>
    %add3A_504 = arith.addf %squeeze3A_501, %squeeze3A_503 : vector<64x128xf32>
    %mul3A_505 = arith.mulf %exp3A_498, %add3A_504 : vector<64x128xf32>
    %add3A_506 = arith.addf %add3A_494, %mul3A_505 : vector<64x128xf32>
    %slice3A_507 = vector.extract_strided_slice %reshape3A_73 {offsets = [0, 28, 0], sizes = [64, 1, 128], strides = [1, 1, 1]} : vector<64x32x128xf32> to vector<64x1x128xf32>
    %squeeze3A_508 = vector.shape_cast %slice3A_507 : vector<64x1x128xf32> to vector<64x128xf32>
    %sub3A_509 = arith.subf %squeeze3A_508, %max3A_166 : vector<64x128xf32>
    %exp3A_510 = math.exp %sub3A_509 : vector<64x128xf32>
    %add3A_511 = arith.addf %add3A_499, %exp3A_510 : vector<64x128xf32>
    %slice3A_512 = vector.extract_strided_slice %slice3A {offsets = [0, 28, 0], sizes = [64, 1, 128], strides = [1, 1, 1]} : vector<64x32x128xf32> to vector<64x1x128xf32>
    %squeeze3A_513 = vector.shape_cast %slice3A_512 : vector<64x1x128xf32> to vector<64x128xf32>
    %slice3A_514 = vector.extract_strided_slice %mul3A_47 {offsets = [0, 28, 0], sizes = [64, 1, 128], strides = [1, 1, 1]} : vector<64x32x128xf32> to vector<64x1x128xf32>
    %squeeze3A_515 = vector.shape_cast %slice3A_514 : vector<64x1x128xf32> to vector<64x128xf32>
    %add3A_516 = arith.addf %squeeze3A_513, %squeeze3A_515 : vector<64x128xf32>
    %mul3A_517 = arith.mulf %exp3A_510, %add3A_516 : vector<64x128xf32>
    %add3A_518 = arith.addf %add3A_506, %mul3A_517 : vector<64x128xf32>
    %slice3A_519 = vector.extract_strided_slice %reshape3A_73 {offsets = [0, 29, 0], sizes = [64, 1, 128], strides = [1, 1, 1]} : vector<64x32x128xf32> to vector<64x1x128xf32>
    %squeeze3A_520 = vector.shape_cast %slice3A_519 : vector<64x1x128xf32> to vector<64x128xf32>
    %sub3A_521 = arith.subf %squeeze3A_520, %max3A_166 : vector<64x128xf32>
    %exp3A_522 = math.exp %sub3A_521 : vector<64x128xf32>
    %add3A_523 = arith.addf %add3A_511, %exp3A_522 : vector<64x128xf32>
    %slice3A_524 = vector.extract_strided_slice %slice3A {offsets = [0, 29, 0], sizes = [64, 1, 128], strides = [1, 1, 1]} : vector<64x32x128xf32> to vector<64x1x128xf32>
    %squeeze3A_525 = vector.shape_cast %slice3A_524 : vector<64x1x128xf32> to vector<64x128xf32>
    %slice3A_526 = vector.extract_strided_slice %mul3A_47 {offsets = [0, 29, 0], sizes = [64, 1, 128], strides = [1, 1, 1]} : vector<64x32x128xf32> to vector<64x1x128xf32>
    %squeeze3A_527 = vector.shape_cast %slice3A_526 : vector<64x1x128xf32> to vector<64x128xf32>
    %add3A_528 = arith.addf %squeeze3A_525, %squeeze3A_527 : vector<64x128xf32>
    %mul3A_529 = arith.mulf %exp3A_522, %add3A_528 : vector<64x128xf32>
    %add3A_530 = arith.addf %add3A_518, %mul3A_529 : vector<64x128xf32>
    %slice3A_531 = vector.extract_strided_slice %reshape3A_73 {offsets = [0, 30, 0], sizes = [64, 1, 128], strides = [1, 1, 1]} : vector<64x32x128xf32> to vector<64x1x128xf32>
    %squeeze3A_532 = vector.shape_cast %slice3A_531 : vector<64x1x128xf32> to vector<64x128xf32>
    %sub3A_533 = arith.subf %squeeze3A_532, %max3A_166 : vector<64x128xf32>
    %exp3A_534 = math.exp %sub3A_533 : vector<64x128xf32>
    %add3A_535 = arith.addf %add3A_523, %exp3A_534 : vector<64x128xf32>
    %slice3A_536 = vector.extract_strided_slice %slice3A {offsets = [0, 30, 0], sizes = [64, 1, 128], strides = [1, 1, 1]} : vector<64x32x128xf32> to vector<64x1x128xf32>
    %squeeze3A_537 = vector.shape_cast %slice3A_536 : vector<64x1x128xf32> to vector<64x128xf32>
    %slice3A_538 = vector.extract_strided_slice %mul3A_47 {offsets = [0, 30, 0], sizes = [64, 1, 128], strides = [1, 1, 1]} : vector<64x32x128xf32> to vector<64x1x128xf32>
    %squeeze3A_539 = vector.shape_cast %slice3A_538 : vector<64x1x128xf32> to vector<64x128xf32>
    %add3A_540 = arith.addf %squeeze3A_537, %squeeze3A_539 : vector<64x128xf32>
    %mul3A_541 = arith.mulf %exp3A_534, %add3A_540 : vector<64x128xf32>
    %add3A_542 = arith.addf %add3A_530, %mul3A_541 : vector<64x128xf32>
    %slice3A_543 = vector.extract_strided_slice %reshape3A_73 {offsets = [0, 31, 0], sizes = [64, 1, 128], strides = [1, 1, 1]} : vector<64x32x128xf32> to vector<64x1x128xf32>
    %squeeze3A_544 = vector.shape_cast %slice3A_543 : vector<64x1x128xf32> to vector<64x128xf32>
    %sub3A_545 = arith.subf %squeeze3A_544, %max3A_166 : vector<64x128xf32>
    %exp3A_546 = math.exp %sub3A_545 : vector<64x128xf32>
    %add3A_547 = arith.addf %add3A_535, %exp3A_546 : vector<64x128xf32>
    %slice3A_548 = vector.extract_strided_slice %slice3A {offsets = [0, 31, 0], sizes = [64, 1, 128], strides = [1, 1, 1]} : vector<64x32x128xf32> to vector<64x1x128xf32>
    %squeeze3A_549 = vector.shape_cast %slice3A_548 : vector<64x1x128xf32> to vector<64x128xf32>
    %slice3A_550 = vector.extract_strided_slice %mul3A_47 {offsets = [0, 31, 0], sizes = [64, 1, 128], strides = [1, 1, 1]} : vector<64x32x128xf32> to vector<64x1x128xf32>
    %squeeze3A_551 = vector.shape_cast %slice3A_550 : vector<64x1x128xf32> to vector<64x128xf32>
    %add3A_552 = arith.addf %squeeze3A_549, %squeeze3A_551 : vector<64x128xf32>
    %mul3A_553 = arith.mulf %exp3A_546, %add3A_552 : vector<64x128xf32>
    %add3A_554 = arith.addf %add3A_542, %mul3A_553 : vector<64x128xf32>
    %div3A_555 = arith.divf %add3A_554, %add3A_547 : vector<64x128xf32>
    %swap3A = arith.constant 0 : index
    %swap3A_556 = arith.constant 0 : index
    %swap3A_557 = vector.load %arg9[%swap3A, %swap3A_556] : memref<64x128xf32, #tpu.memory_space<vmem>>, vector<64x128xf32>
    tpu.vector_store %arg9[%swap3A, %swap3A_556], %div3A_555 {strides = array<i32>} : memref<64x128xf32, #tpu.memory_space<vmem>>, vector<64x128xf32>,
    return
  }
  func.func @transform_0(%arg0: i32) -> (i32, i32, i32) {
    %c0_i32 = arith.constant 0 : i32
    %c0_i32_0 = arith.constant 0 : i32
    %c0_i32_1 = arith.constant 0 : i32
    return %arg0, %c0_i32, %c0_i32_0 : i32, i32, i32
  }
  func.func @transform_1(%arg0: i32) -> (i32, i32) {
    %c0_i32 = arith.constant 0 : i32
    %c0_i32_0 = arith.constant 0 : i32
    return %arg0, %c0_i32 : i32, i32
  }
  func.func @transform_2(%arg0: i32) -> (i32, i32) {
    %c0_i32 = arith.constant 0 : i32
    %c0_i32_0 = arith.constant 0 : i32
    return %arg0, %c0_i32 : i32, i32
  }
  func.func @transform_3(%arg0: i32) -> (i32, i32) {
    %c0_i32 = arith.constant 0 : i32
    %c0_i32_0 = arith.constant 0 : i32
    %c0_i32_1 = arith.constant 0 : i32
    return %c0_i32, %c0_i32_0 : i32, i32
  }
  func.func @transform_4(%arg0: i32) -> (i32, i32) {
    %c0_i32 = arith.constant 0 : i32
    %c0_i32_0 = arith.constant 0 : i32
    %c0_i32_1 = arith.constant 0 : i32
    return %c0_i32, %c0_i32_0 : i32, i32
  }
  func.func @transform_5(%arg0: i32) -> (i32, i32) {
    %c0_i32 = arith.constant 0 : i32
    %c0_i32_0 = arith.constant 0 : i32
    %c0_i32_1 = arith.constant 0 : i32
    return %c0_i32, %c0_i32_0 : i32, i32
  }
  func.func @transform_6(%arg0: i32) -> (i32, i32) {
    %c0_i32 = arith.constant 0 : i32
    %c0_i32_0 = arith.constant 0 : i32
    %c0_i32_1 = arith.constant 0 : i32
    return %c0_i32, %c0_i32_0 : i32, i32
  }
  func.func @transform_7(%arg0: i32) -> (i32, i32) {
    %c0_i32 = arith.constant 0 : i32
    %c0_i32_0 = arith.constant 0 : i32
    %c0_i32_1 = arith.constant 0 : i32
    return %c0_i32, %c0_i32_0 : i32, i32
  }
  func.func @transform_8(%arg0: i32) -> (i32, i32) {
    %c0_i32 = arith.constant 0 : i32
    %c0_i32_0 = arith.constant 0 : i32
    return %arg0, %c0_i32 : i32, i32
  }
}

</mosaic_0001>

<sc_bundles>
// kernel: kernel.6.cloned.1.call-start
scs
__scs_entry_jumppad:
0x0: {  	(pc) =	sbr.rel $0x88, $3  }
0x1: {  	(tag) =	ssettag $0x0;
	lr =	simm.s32 $0x1  }
0x2: {  	[smem:$0x3F96] =	sst lr;
	_ =	strace $0xD0000000  }
0x3: {  	_ = 	snop  }
0x4: {  	_ = 	snop  }
0x5: {  	_ = 	snop  }
0x6: {  	_ = 	snop  }
0x7: {  	_ = 	snop  }
__scs_overlays_trampoline_lowered:
0x8: {  	[smem:$0x3FA5] =	sst s0  }
0x9: {  	[smem:$0x3FA6] =	sst s1  }
0xa: {  	[smem:$0x3FA7] =	sst s2  }
0xb: {  	[smem:$0x3FA8] =	sst s3  }
0xc: {  	[smem:$0x3FA9] =	sst s4  }
0xd: {  	[smem:$0x3FAA] =	sst s5  }
0xe: {  	[smem:$0x3FAB] =	sst s6  }
0xf: {  	[smem:$0x3FAC] =	sst s7  }
0x10: {  	[smem:$0x3FAD] =	sst s8  }
0x11: {  	[smem:$0x3FAE] =	sst s9;
	s0 =	simm.s32 @!p0 $0x0  }
0x12: {  	s1 =	sld [smem:$0x3F94];
	s0 =	simm.s32 @p0 $0x1  }
0x13: {  	[smem:$0x3FAF] =	sst s0;
	s0 =	simm.s32 @!p1 $0x0  }
0x14: {  	s2 =	sld [smem:$0x3F93];
	s0 =	simm.s32 @p1 $0x1  }
0x15: {  	[smem:$0x3FB0] =	sst s0;
	s0 =	simm.s32 @!p2 $0x0  }
0x16: {  	s3 =	sld [smem:$0x3FDB];
	s0 =	simm.s32 @p2 $0x1  }
0x17: {  	s4 =	simm.s32 $0x1BF5;
	[smem:$0x3FB2] =	sst s0  }
0x18: {  	s0 =	sld [smem:$0x3F95];
	_ =	swait.ge [sflag:s4], $0x0  }
0x19: {  	s7 =	sld [smem:$0x3F96]  }
0x1a: {  	s8 =	sadd.s32 $0xFFFFE003, lr  }
0x1b: {  	s9 =	sadd.s32 $0xFFFFFEF7, lr;
	s5 =	simm.s32 $0xFFFFFFFF;
	p2 =	slt.u32 s8, $0xFFFFF086  }
0x1c: {  	p1 =	slt.u32 s9, $0xF7A;
	s5 =	simm.s32 @!p2 $0x0  }
0x1d: {  	s5 =	simm.s32 @p1 $0x1;
	p0 =	seq.s32 s7, s2  }
0x1e: {  	s7 =	smul.u32 @!p0 $0xF7A, s2;
	p2 =	seq.s32 @!p0 s5, $0x0  }
0x1f: {  	s9 =	smul.u32 $0xF7A, s1;
	s8 =	simm.s32 @!p0 $0x1BF5;
	p2 =	por !p2, p0  }
0x20: {  	[sflag:s8] =	ssyncset.s32 @!p0 $0xFFFFF086;
	s6 =	sadd.s32 @!p0 s3, s7;
	s7 =	simm.s32 @!p0 $0x108  }
0x21: {  	s3 =	sadd.s32 s3, s9;
	s6 =	sadd.s32 @!p0 $0x88, s6;
	s7 =	simm.s32 @p2 $0x1082  }
0x22: {  	[simem:s7], [sflag:s8] =	dma.local @!p0 [hbm:s6], $0xF7A  }
0x23: {  	s9 =	sor.u32 $0xD0000000, s2;
	s6 =	simm.s32 $0x108;
	_ =	swait.ge @!p0 [sflag:s8], $0x0  }
0x24: {  	s3 =	sadd.s32 $0x88, s3;
	s6 =	simm.s32 @!p1 $0x1082;
	[sflag:s4] =	ssyncset.s32 $0xFFFFF086  }
0x25: {  	[simem:s6], [sflag:s4] =	dma.local [hbm:s3], $0xF7A  }
0x26: {  	[smem:$0x3F96] =	sst s1;
	(tag) =	ssettag s2;
	_ =	strace s9  }
0x27: {  	s1 =	sld [smem:$0x3FA6]  }
0x28: {  	s2 =	sld [smem:$0x3FA7]  }
0x29: {  	s4 =	sld [smem:$0x3FA9]  }
0x2a: {  	p0 =	seq.s32 s5, $0x0;
	s5 =	sld [smem:$0x3FAA]  }
0x2b: {  	s6 =	sld [smem:$0x3FAB]  }
0x2c: {  	s7 =	sld [smem:$0x3FAC]  }
0x2d: {  	s3 =	simm.s32 $0x108;
	s8 =	sld [smem:$0x3FAD]  }
0x2e: {  	s3 =	simm.s32 @!p0 $0x1082;
	s9 =	sld [smem:$0x3FAE]  }
0x2f: {  	lr =	sadd.s32 s0, s3;
	s0 =	sld [smem:$0x3FA5]  }
0x30: {  	s3 =	sld [smem:$0x3FA8]  }
0x31: {  	[smem:$0x3FB1] =	sst s10  }
0x32: {  	s10 =	sld [smem:$0x3FAF];
	_ =	sdelay $0x3  }
0x33: {  	p0 =	seq.s32 s10, $0x1;
	s10 =	sld [smem:$0x3FB1];
	_ =	sdelay $0x3  }
0x34: {  	[smem:$0x3FB1] =	sst s10  }
0x35: {  	s10 =	sld [smem:$0x3FB0];
	_ =	sdelay $0x3  }
0x36: {  	p1 =	seq.s32 s10, $0x1;
	s10 =	sld [smem:$0x3FB1];
	_ =	sdelay $0x3  }
0x37: {  	[smem:$0x3FB1] =	sst s10  }
0x38: {  	s10 =	sld [smem:$0x3FB2]  }
0x39: {  	_ = 	snop;
	(pc) =	sbr.ind lr, $3  }
0x3a: {  	_ = 	snop  }
0x3b: {  	_ = 	snop  }
0x3c: {  	p2 =	seq.s32 s10, $0x1;
	s10 =	sld [smem:$0x3FB1]  }
0x3d: {  	_ =	shalt  }
0x3e: {  	_ =	shalt  }
0x3f: {  	_ =	shalt  }
0x40: {  	_ =	shalt  }
0x41: {  	_ =	shalt  }
0x42: {  	_ =	shalt  }
0x43: {  	_ =	shalt  }
0x44: {  	_ =	shalt  }
0x45: {  	_ =	shalt  }
0x46: {  	_ =	shalt  }
0x47: {  	_ =	shalt  }
0x48: {  	_ =	shalt  }
0x49: {  	_ =	shalt  }
0x4a: {  	_ =	shalt  }
0x4b: {  	_ =	shalt  }
0x4c: {  	_ =	shalt  }
0x4d: {  	_ =	shalt  }
0x4e: {  	_ =	shalt  }
0x4f: {  	_ =	shalt  }
0x50: {  	_ =	shalt  }
0x51: {  	_ =	shalt  }
0x52: {  	_ =	shalt  }
0x53: {  	_ =	shalt  }
0x54: {  	_ =	shalt  }
0x55: {  	_ =	shalt  }
0x56: {  	_ =	shalt  }
0x57: {  	_ =	shalt  }
0x58: {  	_ =	shalt  }
0x59: {  	_ =	shalt  }
0x5a: {  	_ =	shalt  }
0x5b: {  	_ =	shalt  }
0x5c: {  	_ =	shalt  }
0x5d: {  	_ =	shalt  }
0x5e: {  	_ =	shalt  }
0x5f: {  	_ =	shalt  }
0x60: {  	_ =	shalt  }
0x61: {  	_ =	shalt  }
0x62: {  	_ =	shalt  }
0x63: {  	_ =	shalt  }
0x64: {  	_ =	shalt  }
0x65: {  	_ =	shalt  }
0x66: {  	_ =	shalt  }
0x67: {  	_ =	shalt  }
0x68: {  	_ =	shalt  }
0x69: {  	_ =	shalt  }
0x6a: {  	_ =	shalt  }
0x6b: {  	_ =	shalt  }
0x6c: {  	_ =	shalt  }
0x6d: {  	_ =	shalt  }
0x6e: {  	_ =	shalt  }
0x6f: {  	_ =	shalt  }
0x70: {  	_ =	shalt  }
0x71: {  	_ =	shalt  }
0x72: {  	_ =	shalt  }
0x73: {  	_ =	shalt  }
0x74: {  	_ =	shalt  }
0x75: {  	_ =	shalt  }
0x76: {  	_ =	shalt  }
0x77: {  	_ =	shalt  }
0x78: {  	_ =	shalt  }
0x79: {  	_ =	shalt  }
0x7a: {  	_ =	shalt  }
0x7b: {  	_ =	shalt  }
0x7c: {  	_ =	shalt  }
0x7d: {  	_ =	shalt  }
0x7e: {  	_ =	shalt  }
0x7f: {  	_ =	shalt  }
0x80: {  	_ =	shalt  }
0x81: {  	_ =	shalt  }
0x82: {  	_ =	shalt  }
0x83: {  	_ =	shalt  }
0x84: {  	_ =	shalt  }
0x85: {  	_ =	shalt  }
0x86: {  	_ =	shalt  }
0x87: {  	_ =	shalt  }
.Lfunc_end0:
.L_simem_size_0:
called_computation_lowered:
.L_overlay_start_0:
0x88: {  	s2 =	sld [smem:$0x3FD9]  }
0x89: {  	s3 =	sld [smem:$0x3FFE];
	_ =	sdelay $0x1  }
0x8a: {  	s1 =	srdreg.scid  }
0x8b: {  	s0 =	sand.u32 $0x1, s1  }
0x8c: {  	s17 =	sshll.u32 s0, $0xA;
	s2 =	sadd.s32 s3, s2  }
0x8d: {  	s2 =	sadd.s32 s2, s17  }
0x8e: {  	[smem:$0x3FBD] =	sst s2  }
0x8f: {  	_ = 	snop  }
0x90: {  	s2 =	sld [smem:$0x3FD0];
	(tm) =	ssettm $0x1  }
0x91: {  	s18 =	sld [smem:$0x3FFB];
	_ =	sdelay $0x3  }
0x92: {  	_ =	strace s18  }
0x93: {  	s3 =	sld [smem:$0x3FFC];
	_ =	sdelay $0x3  }
0x94: {  	_ =	strace s3  }
0x95: {  	s3 =	sld [smem:$0x3FFD];
	_ =	sdelay $0x3  }
0x96: {  	_ =	strace s3  }
0x97: {  	_ =	strace $0x8FFFFFFF  }
0x98: {  	s19 =	sld [smem:$0x3FDB];
	_ =	sdelay $0x1  }
0x99: {  	s4 =	simm.s32 $_scs_section_size  }
0x9a: {  	s5 =	simm.s32 $_size__tile_overlayer_lowered;
	s6 =	simm.s32 $_tile_overlayer_lowered  }
0x9b: {  	s22 =	simm.s32 $0x1BFF;
	s21 =	sshll.u32 s6, $0x1;
	s3 =	sadd.s32 s4, s19  }
0x9c: {  	s7 =	simm.s32 $0x0;
	s20 =	sshll.u32 s5, $0x1;
	s5 =	sadd.s32 s21, s3  }
0x9d: {  	[timem:s7], [sflag:s22] =	dma.local [hbm:s5], s20  }
0x9e: {  	_ =	swait.ge [sflag:s22], s20  }
0x9f: {  	s4 =	ssub.s32 $0x0, s20;
	[sflag:s22] =	ssyncset.done $0x0  }
0xa0: {  	[sflag:s22] =	ssyncadd.s32 s4;
	_ =	sdelay $0x1  }
0xa1: {  	s23 =	simm.s32 $0x1B8B  }
0xa2: {  	_ =	swait.ge [sflag:s23], $0x1  }
0xa3: {  	[sflag:s23] =	ssyncset.done $0x0  }
0xa4: {  	s25 =	simm.s32 $0x1B8E;
	s24 =	sld [smem:$0x3FFE];
	[sflag:s23] =	ssyncadd.s32 $0xFFFFFFFF  }
0xa5: {  	s26 =	simm.s32 $execute0_lowered;
	[smem:$0x3FD2] =	sst s25  }
0xa6: {  	s5 =	sshll.u32 s26, $0x1;
	_ =	strace $0x80000046;
	[dreg:$0x1] =	wrdreg $0xFFFFFFFF  }
0xa7: {  	s28 =	simm.s32 $_size_execute0_lowered;
	s3 =	sadd.s32 s3, s5;
	[dreg:$0x0] =	wrdreg $0x0  }
0xa8: {  	s5 =	sshll.u32 s28, $0x1;
	[dreg:$0x2] =	wrdreg s3  }
0xa9: {  	[dreg:$0x3] =	wrdreg s5  }
0xaa: {  	[dreg:$0x4] =	wrdreg $0xC0  }
0xab: {  	_ =	task [dreg:s7], $0x5FFFF  }
0xac: {  	[dreg:$0x1] =	wrdreg $0xFFFFFFFF  }
0xad: {  	[dreg:$0x0] =	wrdreg $0x60  }
0xae: {  	[dreg:$0x2] =	wrdreg s24  }
0xaf: {  	[dreg:$0x3] =	wrdreg s2  }
0xb0: {  	[dreg:$0x4] =	wrdreg $0x9  }
0xb1: {  	_ =	task.clear_ibuf [dreg:s7], $0x5FFFF;
	_ =	strace $0x90000046  }
0xb2: {  	s29 =	simm.s32 $0x9;
	_ =	strace $0x80000048  }
0xb3: {  	_ =	swait.ge [sflag:s29], $0x1  }
0xb4: {  	[sflag:s29] =	ssyncadd.s32 $0xFFFFFFFF  }
0xb5: {  	_ =	strace $0x90000048  }
0xb6: {  	_ =	sfence  }
0xb7: {  	s30 =	sld [smem:$0x0];
	_ =	sdelay $0x2  }
0xb8: {  	s31 =	sshll.u32 s1, $0xD;
	s1 =	sshrl.u32 s1, $0x2  }
0xb9: {  	s3 =	sand.u32 $0x4000, s31;
	s1 =	sadd.s32 s1, s30  }
0xba: {  	s0 =	sor.u32 s3, s0;
	s1 =	sshll.u32 s1, $0x11  }
0xbb: {  	s0 =	sor.u32 s1, s0  }
0xbc: {  	s0 =	sadd.s32 $0x8F2B, s0  }
0xbd: {  	[sflag:s0] =	ssyncadd.remote.s32 $0x1  }
0xbe: {  	_ =	sfence.sel $0xFFFF  }
0xbf: {  	[dreg:$0x0] =	wrdreg $0xFFFFFFFF;
	(pc) =	sbr.abs _section_cstart, $3  }
0xc0: {  	[dreg:$0x1] =	wrdreg $0xFFFFFFFF  }
0xc1: {  	_ =	task.clear_ibuf [dreg:s7], $0x2FFFF;
	_ =	strace $0x9FFFFFFF  }
0xc2: {  	(tm) =	ssettm $0x7FFFFFFF  }
0xc3: {  	_ =	shalt  }
tec
execute0_lowered:
.L_overlay_start_1:
0x0: {  	(tag) =	ssettag $0x1  }
0x1: {  	s0 =	srdreg.scid;
	s4 =	rddreg [dreg:$0x0]  }
0x2: {  	s1 =	stileid.u32;
	s5 =	rddreg [dreg:$0x1];
	s2 =	simm.s32 $0x0  }
0x3: {  	s15 =	simm.s32 $0x880;
	s16 =	simm.s32 $0xC80;
	s17 =	simm.s32 $0x1480  }
0x4: {  	s18 =	simm.s32 $0x1880;
	s19 =	simm.s32 $0x2080;
	[smem:$0x7FF] =	sst s2  }
0x5: {  	s20 =	simm.s32 $0x2480;
	_ =	strace $0x80000047;
	[dreg:$0x4] =	wrdreg s15  }
0x6: {  	s21 =	simm.s32 $0x2C80;
	s22 =	simm.s32 $0x3080;
	[dreg:$0x5] =	wrdreg s16  }
0x7: {  	s23 =	simm.s32 $0x3880;
	s25 =	simm.s32 $0x3C80;
	[dreg:$0x6] =	wrdreg s17  }
0x8: {  	s7 =	simm.s32 $0x2;
	s26 =	simm.s32 $0x4480;
	[dreg:$0x7] =	wrdreg s18  }
0x9: {  	s8 =	simm.s32 $0x80;
	s9 =	simm.s32 $0x4880;
	[dreg:$0x8] =	wrdreg s19  }
0xa: {  	s10 =	simm.s32 $0x5080;
	s11 =	simm.s32 $0x5480;
	[dreg:$0x9] =	wrdreg s20  }
0xb: {  	s12 =	simm.s32 $0x5C80;
	s13 =	simm.s32 $0x6080;
	[dreg:$0xa] =	wrdreg s21  }
0xc: {  	s28 =	simm.s32 $0xB480;
	s29 =	simm.s32 $0xBC80;
	[dreg:$0xb] =	wrdreg s22  }
0xd: {  	s30 =	simm.s32 $0x1;
	s31 =	simm.s32 $0x0;
	[dreg:$0xc] =	wrdreg s23  }
0xe: {  	s0 =	sand.u32 $0x1, s0;
	s1 =	smul.u32 $0x4F00, s1;
	[dreg:$0xd] =	wrdreg s25  }
0xf: {  	s3 =	smul.u32 $0x2780, s0;
	s0 =	ssub.s32 $0x2, s0;
	[dreg:$0xe] =	wrdreg s26  }
0x10: {  	s15 =	simm.s32 $0x6C80;
	s16 =	simm.s32 $0x7480;
	s17 =	simm.s32 $0x7880  }
0x11: {  	s18 =	simm.s32 $0x8080;
	s19 =	simm.s32 $0x8480;
	s20 =	simm.s32 $0x8C80  }
0x12: {  	s21 =	simm.s32 $0x9080;
	s22 =	simm.s32 $0x9880;
	s1 =	sadd.s32 s3, s1  }
0x13: {  	s23 =	simm.s32 $0x9C80;
	s6 =	sshrl.u32 s0, $0x1;
	s1 =	sshrl.u32 s1, $0x3  }
0x14: {  	s0 =	ssub.s32 s0, s6;
	s14 =	sadd.s32 s1, s5;
	s1 =	smul.u32 $0x180, s1  }
0x15: {  	s25 =	simm.s32 $0xA880;
	s26 =	simm.s32 $0xB080;
	s0 =	smax.u32 s0, $0x1  }
0x16: {  	v2 =	vlaneseq.u32;
	s3 =	sadd.s32 $0x1B9A00, s4;
	[dreg:$0xf] =	wrdreg s0;
	s1 =	sadd.s32 s1, s4  }
0x17: {  	vm0 =	vmmov $0xffff;
	vm1 =	vmmov $0xff;
	v1 =	vshrl.u32 v2, $0x3;
	[dreg:$0x3] =	wrdreg s14;
	s14 =	simm.s32 $0x6880;
	s24 =	sadd.s32 $0x411A00, s1  }
0x18: {  	v0 =	vand.u32 $0x7, v2;
	v2 =	vor.u32 $0x8, v2;
	v1 =	vmul.u32 $0x8, v1;
	s4 =	sadd.s32 $0x1B9B00, s4;
	[dreg:$0x10] =	wrdreg s24;
	s24 =	simm.s32 $0xA480  }
.LBB2_1:
0x19: {  	s1 =	simm.s32 $0x0;
	s6 =	rddreg [dreg:$0x10]  }
.LBB2_2:
0x1a: {  	s5 =	rddreg [dreg:$0x3]  }
0x1b: {  	s5 =	sadd.s32 s1, s5  }
0x1c: {  	[tilespmem:s2], [sflag:$0x2] =	stream.linear.gather [hbm4b:s5+s2], $0x80, $0x38;
	[tilespmem:$0xC080] =	vst v63  }
0x1d: {  	_ =	swait.ge [sflag:s7], $0x80  }
0x1e: {  	[sflag:s7] =	ssyncset.done $0x0  }
0x1f: {  	[sflag:s7] =	ssyncadd.s32 $0xFFFFFF80  }
0x20: {  	v3 =	vld [tilespmem:$0x0];
	_ =	sdelay $0x4  }
0x21: {  	v4 =	vshrl.u32 v3, $0x3  }
0x22: {  	v4 =	vmul.u32 $0x18, v4  }
0x23: {  	v3 =	vand.u32 $0x7, v3  }
0x24: {  	v3 =	vor.u32 v3, v4  }
0x25: {  	v4 =	vperm.xlane v3, v0;
	_ =	sdelay $0x1  }
0x26: {  	v4 =	vadd.s32 v1, v4;
	_ =	sdelay $0x1  }
0x27: {  	v3 =	vperm.xlane v3, v2;
	_ =	sdelay $0x1  }
0x28: {  	v3 =	vadd.s32 v1, v3  }
0x29: {  	[tilespmem:s8], [sflag:$0x1] =	stream.indirect_vreg.gather [hbm4b:s3+s2], $0x80, v4, vm0, $0xb8;
	[tilespmem:$0xC080] =	vst v63  }
0x2a: {  	s5 =	rddreg [dreg:$0x4]  }
0x2b: {  	[tilespmem:s5], [sflag:$0x1] =	stream.indirect_vreg.gather [hbm4b:s4+s2], $0x80, v4, vm1, $0xb8;
	[tilespmem:$0xC080] =	vst v63  }
0x2c: {  	s0 =	rddreg [dreg:$0x5]  }
0x2d: {  	[tilespmem:s0], [sflag:$0x1] =	stream.indirect_vreg.gather [hbm4b:s3+s2], $0x80, v3, vm0, $0xb8;
	[tilespmem:$0xC080] =	vst v63  }
0x2e: {  	s5 =	rddreg [dreg:$0x6]  }
0x2f: {  	[tilespmem:s5], [sflag:$0x1] =	stream.indirect_vreg.gather [hbm4b:s4+s2], $0x80, v3, vm1, $0xb8;
	[tilespmem:$0xC080] =	vst v63  }
0x30: {  	v3 =	vld [tilespmem:$0x10];
	_ =	sdelay $0x4  }
0x31: {  	v57 =	vshrl.u32 v3, $0x3  }
0x32: {  	v4 =	vmul.u32 $0x18, v57  }
0x33: {  	v3 =	vand.u32 $0x7, v3  }
0x34: {  	v3 =	vor.u32 v3, v4  }
0x35: {  	v4 =	vperm.xlane v3, v0;
	_ =	sdelay $0x1  }
0x36: {  	v4 =	vadd.s32 v1, v4;
	_ =	sdelay $0x1  }
0x37: {  	v3 =	vperm.xlane v3, v2;
	_ =	sdelay $0x1  }
0x38: {  	s0 =	rddreg [dreg:$0x7];
	v3 =	vadd.s32 v1, v3  }
0x39: {  	[tilespmem:s0], [sflag:$0x1] =	stream.indirect_vreg.gather [hbm4b:s3+s2], $0x80, v4, vm0, $0xb8;
	[tilespmem:$0xC080] =	vst v63  }
0x3a: {  	s5 =	rddreg [dreg:$0x8]  }
0x3b: {  	[tilespmem:s5], [sflag:$0x1] =	stream.indirect_vreg.gather [hbm4b:s4+s2], $0x80, v4, vm1, $0xb8;
	[tilespmem:$0xC080] =	vst v63  }
0x3c: {  	s0 =	rddreg [dreg:$0x9]  }
0x3d: {  	[tilespmem:s0], [sflag:$0x1] =	stream.indirect_vreg.gather [hbm4b:s3+s2], $0x80, v3, vm0, $0xb8;
	[tilespmem:$0xC080] =	vst v63  }
0x3e: {  	s5 =	rddreg [dreg:$0xa]  }
0x3f: {  	[tilespmem:s5], [sflag:$0x1] =	stream.indirect_vreg.gather [hbm4b:s4+s2], $0x80, v3, vm1, $0xb8;
	[tilespmem:$0xC080] =	vst v63  }
0x40: {  	v3 =	vld [tilespmem:$0x20];
	_ =	sdelay $0x4  }
0x41: {  	v58 =	vshrl.u32 v3, $0x3  }
0x42: {  	v4 =	vmul.u32 $0x18, v58  }
0x43: {  	v3 =	vand.u32 $0x7, v3  }
0x44: {  	v3 =	vor.u32 v3, v4  }
0x45: {  	v4 =	vperm.xlane v3, v0;
	_ =	sdelay $0x1  }
0x46: {  	v4 =	vadd.s32 v1, v4;
	_ =	sdelay $0x1  }
0x47: {  	v3 =	vperm.xlane v3, v2;
	_ =	sdelay $0x1  }
0x48: {  	s0 =	rddreg [dreg:$0xb];
	v3 =	vadd.s32 v1, v3  }
0x49: {  	[tilespmem:s0], [sflag:$0x1] =	stream.indirect_vreg.gather [hbm4b:s3+s2], $0x80, v4, vm0, $0xb8;
	[tilespmem:$0xC080] =	vst v63  }
0x4a: {  	s5 =	rddreg [dreg:$0xc]  }
0x4b: {  	[tilespmem:s5], [sflag:$0x1] =	stream.indirect_vreg.gather [hbm4b:s4+s2], $0x80, v4, vm1, $0xb8;
	[tilespmem:$0xC080] =	vst v63  }
0x4c: {  	s0 =	rddreg [dreg:$0xd]  }
0x4d: {  	[tilespmem:s0], [sflag:$0x1] =	stream.indirect_vreg.gather [hbm4b:s3+s2], $0x80, v3, vm0, $0xb8;
	[tilespmem:$0xC080] =	vst v63  }
0x4e: {  	s5 =	rddreg [dreg:$0xe]  }
0x4f: {  	[tilespmem:s5], [sflag:$0x1] =	stream.indirect_vreg.gather [hbm4b:s4+s2], $0x80, v3, vm1, $0xb8;
	[tilespmem:$0xC080] =	vst v63  }
0x50: {  	v3 =	vld [tilespmem:$0x30];
	_ =	sdelay $0x4  }
0x51: {  	v59 =	vshrl.u32 v3, $0x3  }
0x52: {  	v4 =	vmul.u32 $0x18, v59  }
0x53: {  	v3 =	vand.u32 $0x7, v3  }
0x54: {  	v3 =	vor.u32 v3, v4  }
0x55: {  	v4 =	vperm.xlane v3, v0;
	_ =	sdelay $0x1  }
0x56: {  	v4 =	vadd.s32 v1, v4;
	_ =	sdelay $0x1  }
0x57: {  	v3 =	vperm.xlane v3, v2;
	_ =	sdelay $0x1  }
0x58: {  	v3 =	vadd.s32 v1, v3  }
0x59: {  	[tilespmem:s9], [sflag:$0x1] =	stream.indirect_vreg.gather [hbm4b:s3+s2], $0x80, v4, vm0, $0xb8;
	[tilespmem:$0xC080] =	vst v63  }
0x5a: {  	_ = 	snop  }
0x5b: {  	[tilespmem:s10], [sflag:$0x1] =	stream.indirect_vreg.gather [hbm4b:s4+s2], $0x80, v4, vm1, $0xb8;
	[tilespmem:$0xC080] =	vst v63  }
0x5c: {  	_ = 	snop  }
0x5d: {  	[tilespmem:s11], [sflag:$0x1] =	stream.indirect_vreg.gather [hbm4b:s3+s2], $0x80, v3, vm0, $0xb8;
	[tilespmem:$0xC080] =	vst v63  }
0x5e: {  	_ = 	snop  }
0x5f: {  	[tilespmem:s12], [sflag:$0x1] =	stream.indirect_vreg.gather [hbm4b:s4+s2], $0x80, v3, vm1, $0xb8;
	[tilespmem:$0xC080] =	vst v63  }
0x60: {  	v3 =	vld [tilespmem:$0x40];
	_ =	sdelay $0x4  }
0x61: {  	v60 =	vshrl.u32 v3, $0x3  }
0x62: {  	v4 =	vmul.u32 $0x18, v60  }
0x63: {  	v3 =	vand.u32 $0x7, v3  }
0x64: {  	v3 =	vor.u32 v3, v4  }
0x65: {  	v4 =	vperm.xlane v3, v0;
	_ =	sdelay $0x1  }
0x66: {  	v4 =	vadd.s32 v1, v4;
	_ =	sdelay $0x1  }
0x67: {  	v3 =	vperm.xlane v3, v2;
	_ =	sdelay $0x1  }
0x68: {  	v3 =	vadd.s32 v1, v3  }
0x69: {  	[tilespmem:s13], [sflag:$0x1] =	stream.indirect_vreg.gather [hbm4b:s3+s2], $0x80, v4, vm0, $0xb8;
	[tilespmem:$0xC080] =	vst v63  }
0x6a: {  	_ = 	snop  }
0x6b: {  	[tilespmem:s14], [sflag:$0x1] =	stream.indirect_vreg.gather [hbm4b:s4+s2], $0x80, v4, vm1, $0xb8;
	[tilespmem:$0xC080] =	vst v63  }
0x6c: {  	_ = 	snop  }
0x6d: {  	[tilespmem:s15], [sflag:$0x1] =	stream.indirect_vreg.gather [hbm4b:s3+s2], $0x80, v3, vm0, $0xb8;
	[tilespmem:$0xC080] =	vst v63  }
0x6e: {  	_ = 	snop  }
0x6f: {  	[tilespmem:s16], [sflag:$0x1] =	stream.indirect_vreg.gather [hbm4b:s4+s2], $0x80, v3, vm1, $0xb8;
	[tilespmem:$0xC080] =	vst v63  }
0x70: {  	v3 =	vld [tilespmem:$0x50];
	_ =	sdelay $0x4  }
0x71: {  	v61 =	vshrl.u32 v3, $0x3  }
0x72: {  	v4 =	vmul.u32 $0x18, v61  }
0x73: {  	v3 =	vand.u32 $0x7, v3  }
0x74: {  	v3 =	vor.u32 v3, v4  }
0x75: {  	v4 =	vperm.xlane v3, v0;
	_ =	sdelay $0x1  }
0x76: {  	v4 =	vadd.s32 v1, v4;
	_ =	sdelay $0x1  }
0x77: {  	v3 =	vperm.xlane v3, v2;
	_ =	sdelay $0x1  }
0x78: {  	v3 =	vadd.s32 v1, v3  }
0x79: {  	[tilespmem:s17], [sflag:$0x1] =	stream.indirect_vreg.gather [hbm4b:s3+s2], $0x80, v4, vm0, $0xb8;
	[tilespmem:$0xC080] =	vst v63  }
0x7a: {  	_ = 	snop  }
0x7b: {  	[tilespmem:s18], [sflag:$0x1] =	stream.indirect_vreg.gather [hbm4b:s4+s2], $0x80, v4, vm1, $0xb8;
	[tilespmem:$0xC080] =	vst v63  }
0x7c: {  	_ = 	snop  }
0x7d: {  	[tilespmem:s19], [sflag:$0x1] =	stream.indirect_vreg.gather [hbm4b:s3+s2], $0x80, v3, vm0, $0xb8;
	[tilespmem:$0xC080] =	vst v63  }
0x7e: {  	_ = 	snop  }
0x7f: {  	[tilespmem:s20], [sflag:$0x1] =	stream.indirect_vreg.gather [hbm4b:s4+s2], $0x80, v3, vm1, $0xb8;
	[tilespmem:$0xC080] =	vst v63  }
0x80: {  	v3 =	vld [tilespmem:$0x60];
	_ =	sdelay $0x4  }
0x81: {  	v62 =	vshrl.u32 v3, $0x3  }
0x82: {  	v4 =	vmul.u32 $0x18, v62  }
0x83: {  	v3 =	vand.u32 $0x7, v3  }
0x84: {  	v3 =	vor.u32 v3, v4  }
0x85: {  	v4 =	vperm.xlane v3, v0;
	_ =	sdelay $0x1  }
0x86: {  	v4 =	vadd.s32 v1, v4;
	_ =	sdelay $0x1  }
0x87: {  	v3 =	vperm.xlane v3, v2;
	_ =	sdelay $0x1  }
0x88: {  	v3 =	vadd.s32 v1, v3  }
0x89: {  	[tilespmem:s21], [sflag:$0x1] =	stream.indirect_vreg.gather [hbm4b:s3+s2], $0x80, v4, vm0, $0xb8;
	[tilespmem:$0xC080] =	vst v63  }
0x8a: {  	_ = 	snop  }
0x8b: {  	[tilespmem:s22], [sflag:$0x1] =	stream.indirect_vreg.gather [hbm4b:s4+s2], $0x80, v4, vm1, $0xb8;
	[tilespmem:$0xC080] =	vst v63  }
0x8c: {  	_ = 	snop  }
0x8d: {  	[tilespmem:s23], [sflag:$0x1] =	stream.indirect_vreg.gather [hbm4b:s3+s2], $0x80, v3, vm0, $0xb8;
	[tilespmem:$0xC080] =	vst v63  }
0x8e: {  	_ = 	snop  }
0x8f: {  	[tilespmem:s24], [sflag:$0x1] =	stream.indirect_vreg.gather [hbm4b:s4+s2], $0x80, v3, vm1, $0xb8;
	[tilespmem:$0xC080] =	vst v63  }
0x90: {  	v3 =	vld [tilespmem:$0x70];
	_ =	sdelay $0x4  }
0x91: {  	v63 =	vshrl.u32 v3, $0x3  }
0x92: {  	v4 =	vmul.u32 $0x18, v63  }
0x93: {  	v3 =	vand.u32 $0x7, v3  }
0x94: {  	v3 =	vor.u32 v3, v4  }
0x95: {  	v4 =	vperm.xlane v3, v0;
	_ =	sdelay $0x1  }
0x96: {  	v4 =	vadd.s32 v1, v4;
	_ =	sdelay $0x1  }
0x97: {  	v3 =	vperm.xlane v3, v2;
	_ =	sdelay $0x1  }
0x98: {  	v3 =	vadd.s32 v1, v3  }
0x99: {  	[tilespmem:s25], [sflag:$0x1] =	stream.indirect_vreg.gather [hbm4b:s3+s2], $0x80, v4, vm0, $0xb8;
	[tilespmem:$0xC080] =	vst v63  }
0x9a: {  	_ = 	snop  }
0x9b: {  	[tilespmem:s26], [sflag:$0x1] =	stream.indirect_vreg.gather [hbm4b:s4+s2], $0x80, v4, vm1, $0xb8;
	[tilespmem:$0xC080] =	vst v63  }
0x9c: {  	_ = 	snop  }
0x9d: {  	[tilespmem:s28], [sflag:$0x1] =	stream.indirect_vreg.gather [hbm4b:s3+s2], $0x80, v3, vm0, $0xb8;
	[tilespmem:$0xC080] =	vst v63  }
0x9e: {  	_ = 	snop  }
0x9f: {  	[tilespmem:s29], [sflag:$0x1] =	stream.indirect_vreg.gather [hbm4b:s4+s2], $0x80, v3, vm1, $0xb8;
	[tilespmem:$0xC080] =	vst v63  }
0xa0: {  	_ =	swait.ge [sflag:s30], $0xC000  }
0xa1: {  	p0 =	sne.s32 s1, $0x4E0;
	[sflag:s30] =	ssyncset.done $0x0  }
.Ltmp0:
0xa2: {  	[sflag:s30] =	ssyncadd.s32 $0xFFFF4000;
	(pc) =	sbr.rel @p0 .LBB2_2-.Ltmp0, $4  }
0xa3: {  	[hbm4b:s6+s2] =	stream.linear.scatter [tilespmem:s8], [sflag:$0x2], $0xC000, $0x38;
	[tilespmem:$0xC080] =	vst v63  }
0xa4: {  	_ =	swait.ge [sflag:s7], $0xC000  }
0xa5: {  	[sflag:s7] =	ssyncset.done $0x0  }
0xa6: {  	s1 =	sadd.s32 $0x10, s1;
	s6 =	sadd.s32 $0x1800, s6;
	[sflag:s7] =	ssyncadd.s32 $0xFFFF4000  }
0xa7: {  	s31 =	sadd.s32 $0x1, s31;
	s0 =	rddreg [dreg:$0xf]  }
0xa8: {  	p0 =	sne.s32 s31, s0  }
.Ltmp1:
0xa9: {  	_ = 	snop;
	(pc) =	sbr.rel @p0 .LBB2_1-.Ltmp1, $1  }
0xaa: {  	_ =	sdelay $0x3  }
0xab: {  	_ =	sfence.sel $0x180000  }
0xac: {  	[bflag:$0x0] =	sbarrier.arrive $0xFFFF  }
0xad: {  	_ =	strace $0x90000047  }
0xae: {  	s0 =	stileid.u32;
	[bflag:$0x2] =	sbarrier.arrive $0xFFFF  }
0xaf: {  	p0 =	sne.s32 s0, $0x0;
	s0 =	rddreg [dreg:$0x2]  }
0xb0: {  	s0 =	sadd.s32 @!p0 $0x100000, s0  }
0xb1: {  	[sflag:s0] =	ssyncadd.tile.s32 @!p0 $0x1;
	_ =	shalt  }
.Lfunc_end2:
_tile_overlayer_lowered:
.L_overlay_start_2:
0xb2: {  	(tag) =	ssettag $0x2  }
0xb3: {  	s0 =	rddreg [dreg:$0x0];
	s2 =	stileid.u32  }
0xb4: {  	s1 =	rddreg [dreg:$0x1];
	p0 =	sne.s32 s2, $0x0  }
0xb5: {  	s3 =	rddreg [dreg:$0x2];
	[bflag:$0x3] =	sbarrier.arrive $0xFFFF;
	s2 =	simm.s32 @!p0 $0x1C02  }
0xb6: {  	[timem:s3], [sflag:s2] =	dma.local @!p0 [hbm:s0], s1  }
0xb7: {  	s0 =	simm.s32 @!p0 $0x2  }
0xb8: {  	_ =	swait.ge @!p0 [sflag:s0], s1  }
0xb9: {  	s1 =	ssub.s32 @!p0 $0x0, s1;
	[sflag:s0] =	ssyncset.done @!p0 $0x0  }
0xba: {  	[sflag:s0] =	ssyncadd.s32 @!p0 s1  }
0xbb: {  	[bflag:$0x3] =	sbarrier.arrive $0xFFFF  }
0xbc: {  	_ =	shalt  }

</sc_bundles>
